<compile_context>
chip_gen: v7x
topology: tpu7x:2x2x1
jax: 0.10.2.dev20260603
libtpu: 0.0.44.dev20260713+nightly
codegen_flags: <defaults>
</compile_context>

<pallas_src>
import jax
import jax.numpy as jnp
from jax import lax
from jax.experimental import pallas as pl
from jax.experimental.pallas import tpu as pltpu
from jax.experimental.pallas import tpu_sc as plsc

B, ROI, T, H, F = 4, 90, 64, 3, 128
HID = 128
R = ROI * H
G = 3 * HID
BT = T * B
N_ROWS = BT * ROI
TC1 = 4
RT = 9
NRC = 3
RC = R // NRC
TC4 = 8


def _k1_body(a_ref, x_ref, w1_ref, b1_ref, eps_ref, z1_ref, st_ref, acc_ref):
    b = pl.program_id(0)
    tt = pl.program_id(1)

    @pl.when(jnp.logical_and(b == 0, tt == 0))
    def _():
        acc_ref[...] = jnp.zeros_like(acc_ref)

    for tj in range(TC1):
        for h in range(H):
            adj = (a_ref[0, :, tj, h, :] != 0.0).astype(jnp.float32)
            hx = x_ref[0, :, tj, h, :]
            agg = jnp.dot(adj, hx, preferred_element_type=jnp.float32) + eps_ref[h, 0, 0] * hx
            z = jnp.dot(agg, w1_ref[h], preferred_element_type=jnp.float32) + b1_ref[h]
            z1_ref[h, 0, tj] = z
            acc_ref[h, 0:1, :] += jnp.sum(z, axis=0, keepdims=True)
            acc_ref[h, 1:2, :] += jnp.sum(z * z, axis=0, keepdims=True)

    @pl.when(jnp.logical_and(b == B - 1, tt == T // TC1 - 1))
    def _():
        st_ref[...] = acc_ref[...]


def _k2_body(z1_ref, sc1_ref, sh1_ref, w2_ref, b2_ref, z2_ref, st_ref, acc_ref):
    i = pl.program_id(1)

    @pl.when(i == 0)
    def _():
        acc_ref[...] = jnp.zeros_like(acc_ref)

    u = z1_ref[0].reshape(RT * BT, F) * sc1_ref[0] + sh1_ref[0]
    u = jnp.where(u > 0.0, u, jnp.exp(u) - 1.0)
    z2 = jnp.dot(u, w2_ref[0], preferred_element_type=jnp.float32) + b2_ref[0]
    z2_ref[0] = z2.reshape(RT, BT, F)
    acc_ref[0:1, :] += jnp.sum(z2, axis=0, keepdims=True)
    acc_ref[1:2, :] += jnp.sum(z2 * z2, axis=0, keepdims=True)

    @pl.when(i == ROI // RT - 1)
    def _():
        st_ref[0] = acc_ref[...]


def _k3_body(z2_ref, sc2_ref, sh2_ref, wih_ref, bih_ref, gi_ref):
    for j in range(RT):
        h, roi = j % H, j // H
        u = jnp.maximum(z2_ref[h, roi] * sc2_ref[h] + sh2_ref[h], 0.0)
        gi = jax.lax.dot_general(
            u, wih_ref[j],
            dimension_numbers=(((1,), (1,)), ((), ())),
            preferred_element_type=jnp.float32,
        ) + bih_ref[j]
        gi_ref[:, j] = gi.astype(jnp.bfloat16).reshape(T, B, G)


def _k4_body(gi_ref, whh_ref, bhh_ref, y_ref, h_ref):
    tt = pl.program_id(1)

    @pl.when(tt == 0)
    def _():
        h_ref[...] = jnp.zeros_like(h_ref)

    hp = h_ref[...]
    for tj in range(TC4):
        gh = jax.lax.dot_general(
            hp.astype(jnp.bfloat16), whh_ref[...],
            dimension_numbers=(((2,), (1,)), ((0,), (0,))),
            preferred_element_type=jnp.float32,
        ) + bhh_ref[...]
        gi = gi_ref[tj].astype(jnp.float32)
        rg = jax.nn.sigmoid(gi[:, :, :HID] + gh[:, :, :HID])
        zg = jax.nn.sigmoid(gi[:, :, HID:2 * HID] + gh[:, :, HID:2 * HID])
        ng = jnp.tanh(gi[:, :, 2 * HID:] + rg * gh[:, :, 2 * HID:])
        hp = (1.0 - zg) * ng + zg * hp
        y_ref[tj] = hp
    h_ref[...] = hp


_SC_NW = 32
_N_SRC = H * B * T * ROI
_ROWS_PER_W = _N_SRC // _SC_NW
_SC_CH = 120
_SC_NCH = _ROWS_PER_W // _SC_CH


def _sc_reorder_body(z1_hbm, idx_hbm, out_hbm, idx_v, rows0, rows1, sem0, sem1):
    wid = lax.axis_index("s") * 2 + lax.axis_index("c")
    base = wid * _ROWS_PER_W
    pltpu.sync_copy(idx_hbm.at[pl.ds(base, _ROWS_PER_W)], idx_v)
    rows = (rows0, rows1)
    sems = (sem0, sem1)
    pend = [pltpu.async_copy(
        z1_hbm.at[idx_v.at[pl.ds(0, _SC_CH)]], rows0, sem0)]
    for k in range(_SC_NCH):
        if k + 1 < _SC_NCH:
            pend.append(pltpu.async_copy(
                z1_hbm.at[idx_v.at[pl.ds((k + 1) * _SC_CH, _SC_CH)]],
                rows[(k + 1) % 2], sems[(k + 1) % 2]))
        pend[k].wait()
        pltpu.sync_copy(rows[k % 2], out_hbm.at[pl.ds(base + k * _SC_CH, _SC_CH)])


def _sc_reorder(z1):
    n = jnp.arange(_N_SRC, dtype=jnp.int32)
    h, rem = n // (ROI * T * B), n % (ROI * T * B)
    roi, rem2 = rem // (T * B), rem % (T * B)
    t, b = rem2 // B, rem2 % B
    idx = ((h * B + b) * T + t) * ROI + roi
    mesh = plsc.VectorSubcoreMesh(core_axis_name="c", subcore_axis_name="s")
    out = pl.kernel(
        _sc_reorder_body,
        mesh=mesh,
        out_type=jax.ShapeDtypeStruct((_N_SRC, F), jnp.float32),
        scratch_types=[
            pltpu.VMEM((_ROWS_PER_W,), jnp.int32),
            pltpu.VMEM((_SC_CH, F), jnp.float32),
            pltpu.VMEM((_SC_CH, F), jnp.float32),
            pltpu.SemaphoreType.DMA,
            pltpu.SemaphoreType.DMA,
        ],
    )(z1.reshape(_N_SRC, F), idx)
    return out.reshape(H, ROI, BT, F)


def _bn_affine(st, g, be):
    n = jnp.float32(N_ROWS)
    mean = st[:, 0, :] / n
    var = st[:, 1, :] / n - mean * mean
    rstd = jax.lax.rsqrt(var + 1e-5)
    scale = g * rstd
    shift = be - mean * scale
    return scale.reshape(H, 1, F), shift.reshape(H, 1, F)


def kernel(x, a, gnn_W1, gnn_b1, gnn_g1, gnn_be1, gnn_W2, gnn_b2, gnn_g2,
           gnn_be2, gnn_eps, gru_Wih, gru_Whh, gru_bih, gru_bhh):
    z1, st1 = pl.pallas_call(
        _k1_body,
        grid=(B, T // TC1),
        in_specs=[
            pl.BlockSpec((1, ROI, TC1, H, ROI), lambda b, t: (b, 0, t, 0, 0)),
            pl.BlockSpec((1, ROI, TC1, H, F), lambda b, t: (b, 0, t, 0, 0)),
            pl.BlockSpec((H, F, F), lambda b, t: (0, 0, 0)),
            pl.BlockSpec((H, 1, F), lambda b, t: (0, 0, 0)),
            pl.BlockSpec((H, 1, 1), lambda b, t: (0, 0, 0)),
        ],
        out_specs=[
            pl.BlockSpec((H, 1, TC1, ROI, F), lambda b, t: (0, b, t, 0, 0)),
            pl.BlockSpec((H, 8, F), lambda b, t: (0, 0, 0)),
        ],
        out_shape=[
            jax.ShapeDtypeStruct((H, B, T, ROI, F), jnp.float32),
            jax.ShapeDtypeStruct((H, 8, F), jnp.float32),
        ],
        scratch_shapes=[pltpu.VMEM((H, 8, F), jnp.float32)],
    )(a, x, gnn_W1, gnn_b1.reshape(H, 1, F), gnn_eps.reshape(H, 1, 1))

    scale1, shift1 = _bn_affine(st1, gnn_g1, gnn_be1)
    z1p = _sc_reorder(z1)

    z2r, st2 = pl.pallas_call(
        _k2_body,
        grid=(H, ROI // RT),
        in_specs=[
            pl.BlockSpec((1, RT, BT, F), lambda h, r: (h, r, 0, 0)),
            pl.BlockSpec((1, 1, F), lambda h, r: (h, 0, 0)),
            pl.BlockSpec((1, 1, F), lambda h, r: (h, 0, 0)),
            pl.BlockSpec((1, F, F), lambda h, r: (h, 0, 0)),
            pl.BlockSpec((1, 1, F), lambda h, r: (h, 0, 0)),
        ],
        out_specs=[
            pl.BlockSpec((1, RT, BT, F), lambda h, r: (h, r, 0, 0)),
            pl.BlockSpec((1, 8, F), lambda h, r: (h, 0, 0)),
        ],
        out_shape=[
            jax.ShapeDtypeStruct((H, ROI, BT, F), jnp.float32),
            jax.ShapeDtypeStruct((H, 8, F), jnp.float32),
        ],
        scratch_shapes=[pltpu.VMEM((8, F), jnp.float32)],
    )(z1p, scale1, shift1, gnn_W2, gnn_b2.reshape(H, 1, F))

    scale2, shift2 = _bn_affine(st2, gnn_g2, gnn_be2)

    gi = pl.pallas_call(
        _k3_body,
        grid=(R // RT,),
        in_specs=[
            pl.BlockSpec((H, RT // H, BT, F), lambda c: (0, c, 0, 0)),
            pl.BlockSpec((H, 1, F), lambda c: (0, 0, 0)),
            pl.BlockSpec((H, 1, F), lambda c: (0, 0, 0)),
            pl.BlockSpec((RT, G, F), lambda c: (c, 0, 0)),
            pl.BlockSpec((RT, 1, G), lambda c: (c, 0, 0)),
        ],
        out_specs=pl.BlockSpec((T, RT, B, G), lambda c: (0, c, 0, 0)),
        out_shape=jax.ShapeDtypeStruct((T, R, B, G), jnp.bfloat16),
    )(z2r, scale2, shift2, gru_Wih, gru_bih.reshape(R, 1, G))

    gif = gi
    whh_h = jnp.transpose(gru_Whh.astype(jnp.bfloat16), (0, 2, 1))
    bhh_h = gru_bhh.reshape(R, 1, G)

    y = pl.pallas_call(
        _k4_body,
        grid=(NRC, T // TC4),
        in_specs=[
            pl.BlockSpec((TC4, RC, B, G), lambda c, t: (t, c, 0, 0)),
            pl.BlockSpec((RC, HID, G), lambda c, t: (c, 0, 0)),
            pl.BlockSpec((RC, 1, G), lambda c, t: (c, 0, 0)),
        ],
        out_specs=pl.BlockSpec((TC4, RC, B, HID), lambda c, t: (t, c, 0, 0)),
        out_shape=jax.ShapeDtypeStruct((T, R, B, HID), jnp.float32),
        scratch_shapes=[pltpu.VMEM((RC, B, HID), jnp.float32)],
    )(gif, whh_h, bhh_h)

    return jnp.transpose(y.reshape(T, ROI, H, B, HID), (3, 1, 0, 2, 4))

# --- scband reference (transcript-rebuilt; emitter-appended) ---
"""Pipeline reference for scband-gfrn-encoder-10256381903666 (READ-ONLY COPY).

The authoritative reference and input builder live on the scoring server;
editing this copy changes nothing except your own understanding.
"""

import jax, jax.numpy as jnp
import numpy as np

B, ROI, T, H, F = 4, 90, 64, 3, 128
HID = 128
R = ROI * H


def setup_inputs(seed: int = 0) -> dict:
    key = jax.random.key(seed)
    ks = jax.random.split(key, 8)
    s = 0.05
    x = jax.random.normal(ks[0], (B, ROI, T, H, F), dtype=jnp.float32)
    a = jax.random.normal(ks[1], (B, ROI, T, H, ROI), dtype=jnp.float32)
    gnn_W1 = jax.random.normal(ks[2], (H, F, F), dtype=jnp.float32) * s
    gnn_b1 = jnp.zeros((H, F), jnp.float32)
    gnn_g1 = jnp.ones((H, F), jnp.float32)
    gnn_be1 = jnp.zeros((H, F), jnp.float32)
    gnn_W2 = jax.random.normal(ks[3], (H, F, F), dtype=jnp.float32) * s
    gnn_b2 = jnp.zeros((H, F), jnp.float32)
    gnn_g2 = jnp.ones((H, F), jnp.float32)
    gnn_be2 = jnp.zeros((H, F), jnp.float32)
    gnn_eps = jnp.zeros((H,), jnp.float32)
    gru_Wih = jax.random.normal(ks[4], (R, 3 * HID, F), dtype=jnp.float32) * s
    gru_Whh = jax.random.normal(ks[5], (R, 3 * HID, HID), dtype=jnp.float32) * s
    gru_bih = jnp.zeros((R, 3 * HID), jnp.float32)
    gru_bhh = jnp.zeros((R, 3 * HID), jnp.float32)
    return {"x": x, "a": a, "gnn_W1": gnn_W1, "gnn_b1": gnn_b1, "gnn_g1": gnn_g1, "gnn_be1": gnn_be1, "gnn_W2": gnn_W2, "gnn_b2": gnn_b2, "gnn_g2": gnn_g2, "gnn_be2": gnn_be2, "gnn_eps": gnn_eps, "gru_Wih": gru_Wih, "gru_Whh": gru_Whh, "gru_bih": gru_bih, "gru_bhh": gru_bhh}


def _bn(z, g, b):
    m = jnp.mean(z, axis=0)
    v = jnp.var(z, axis=0)
    return (z - m) / jnp.sqrt(v + 1e-5) * g + b


def reference(x, a, gnn_W1, gnn_b1, gnn_g1, gnn_be1, gnn_W2, gnn_b2, gnn_g2, gnn_be2, gnn_eps, gru_Wih, gru_Whh, gru_bih, gru_bhh):
    # a: (b, roi1, T, H, roi2) -> (b, T, H, roi1, roi2)
    a_r = jnp.transpose(a, (0, 2, 3, 1, 4))
    outs = []
    for h in range(H):
        # _collate_adjacency_nosparsity binarizes: nonzero entries -> 1.0, block-diagonal per (b,T)
        adj = (a_r[:, :, h] != 0).astype(jnp.float32)  # (b, T, roi, roi)
        hx = jnp.transpose(x[:, :, :, h, :], (0, 2, 1, 3))  # (b, T, roi, F)
        agg = jnp.einsum('btij,btjf->btif', adj, hx) + gnn_eps[h] * hx
        flat = agg.reshape(B * T * ROI, F)
        z = flat @ gnn_W1[h] + gnn_b1[h]
        z = jax.nn.elu(_bn(z, gnn_g1[h], gnn_be1[h]))
        z = z @ gnn_W2[h] + gnn_b2[h]
        z = jax.nn.elu(_bn(z, gnn_g2[h], gnn_be2[h]))
        z = z.reshape(B, T, ROI, F)
        outs.append(jnp.transpose(z, (0, 2, 1, 3)))  # (b, roi, T, F)
    x2 = jnp.stack(outs, axis=3)  # (b, roi, T, H, F)
    x2 = jnp.transpose(x2, (0, 1, 3, 2, 4)).reshape(B, R, T, F)  # b (roi H) T F
    x2 = jax.nn.relu(x2)
    xs = jnp.transpose(x2, (2, 0, 1, 3))  # (T, b, R, F)
    h0 = jnp.zeros((B, R, HID), jnp.float32)

    def step(hprev, xt):
        gi = jnp.einsum('brf,rgf->brg', xt, gru_Wih) + gru_bih
        gh = jnp.einsum('brh,rgh->brg', hprev, gru_Whh) + gru_bhh
        gi_r, gi_z, gi_n = jnp.split(gi, 3, axis=-1)
        gh_r, gh_z, gh_n = jnp.split(gh, 3, axis=-1)
        rg = jax.nn.sigmoid(gi_r + gh_r)
        zg = jax.nn.sigmoid(gi_z + gh_z)
        ng = jnp.tanh(gi_n + rg * gh_n)
        hn = (1.0 - zg) * ng + zg * hprev
        return hn, hn

    _, ys = jax.lax.scan(step, h0, xs)  # (T, b, R, HID)
    y = jnp.transpose(ys, (1, 2, 0, 3))  # (b, R, T, HID)
    y = y.reshape(B, ROI, H, T, HID)
    y = jnp.transpose(y, (0, 1, 3, 2, 4))  # (b, roi, T, H, HID)
    return y

if __name__ == "__main__":
    import jax
    _d = setup_inputs()
    print(jax.jit(kernel)(*tuple(_d.values())))

</pallas_src>

<mosaic_0001>
#map = affine_map<(d0, d1) -> (0, 0)>
#map1 = affine_map<(d0, d1) -> (0)>
module attributes {stable_mosaic.version = 14 : i64} {
  func.func @_sc_reorder_body(%arg0: i32, %arg1: i32, %arg2: memref<69120x128xf32, #tpu.memory_space<hbm>>, %arg3: memref<69120xi32, #tpu.memory_space<hbm>>, %arg4: memref<69120x128xf32, #tpu.memory_space<hbm>>, %arg5: memref<2160xi32, #tpu.memory_space<vmem>>, %arg6: memref<120x128xf32, #tpu.memory_space<vmem>>, %arg7: memref<120x128xf32, #tpu.memory_space<vmem>>, %arg8: memref<!tpu.dma_semaphore, #tpu.memory_space<semaphore_mem>>, %arg9: memref<!tpu.dma_semaphore, #tpu.memory_space<semaphore_mem>>) attributes {dimension_semantics = [#tpu.dimension_semantics<core_parallel>, #tpu.dimension_semantics<subcore_parallel>], iteration_bounds = array<i64: 2, 16>, scalar_prefetch = 0 : i64, scratch_operands = 5 : i64, tpu.core_type = #tpu.core_type<sc_vector_subcore>, window_params = [{transform_indices = #map}, {transform_indices = #map1}, {transform_indices = #map}]} {
    %mul3A = arith.constant 2 : i32
    %mul3A_0 = arith.muli %arg1, %mul3A : i32
    %add3A = arith.addi %mul3A_0, %arg0 : i32
    %mul3A_1 = arith.constant 2160 : i32
    %mul3A_2 = arith.muli %add3A, %mul3A_1 : i32
    "tpu.region"() ({
      %run_scoped3A = tpu.sem_alloc : memref<!tpu.dma_semaphore, #tpu.memory_space<semaphore_mem>>
      %dma_start3A_217 = tpu.memref_slice %arg3[%mul3A_2] : memref<69120xi32, #tpu.memory_space<hbm>> -> memref<2160xi32, #tpu.memory_space<hbm>>
      %dma_start3A_218 = tpu.memref_slice %arg3[%mul3A_2] : memref<69120xi32, #tpu.memory_space<hbm>> -> memref<2160xi32, #tpu.memory_space<hbm>>
      tpu.enqueue_dma source(%dma_start3A_218 : memref<2160xi32, #tpu.memory_space<hbm>>) target(%arg5 : memref<2160xi32, #tpu.memory_space<vmem>>) target_semaphore(%run_scoped3A : memref<!tpu.dma_semaphore, #tpu.memory_space<semaphore_mem>>)
      %dma_wait3A_219 = tpu.memref_slice %arg3[%mul3A_2] : memref<69120xi32, #tpu.memory_space<hbm>> -> memref<2160xi32, #tpu.memory_space<hbm>>
      %dma_wait3A_220 = tpu.memref_slice %arg3[%mul3A_2] : memref<69120xi32, #tpu.memory_space<hbm>> -> memref<2160xi32, #tpu.memory_space<hbm>>
      tpu.wait_dma2 semaphore(%run_scoped3A : memref<!tpu.dma_semaphore, #tpu.memory_space<semaphore_mem>>) src(%dma_wait3A_220 : memref<2160xi32, #tpu.memory_space<hbm>>) dst(%arg5 : memref<2160xi32, #tpu.memory_space<vmem>>)
      tpu.yield
    }) : () -> ()
    %dma_start3A = arith.constant 0 : i32
    %dma_start3A_3 = tpu.memref_slice %arg5[%dma_start3A] : memref<2160xi32, #tpu.memory_space<vmem>> -> memref<120xi32, #tpu.memory_space<vmem>>
    %dma_start3A_4 = arith.constant 0 : i32
    %dma_start3A_5 = arith.constant 0 : i32
    %dma_start3A_6 = tpu.memref_slice %arg2[%dma_start3A_4, %dma_start3A_5] : memref<69120x128xf32, #tpu.memory_space<hbm>> -> memref<69120x128xf32, #tpu.memory_space<hbm>>
    tpu.enqueue_indirect_dma source(%dma_start3A_6 : memref<69120x128xf32, #tpu.memory_space<hbm>>) target(%arg6 : memref<120x128xf32, #tpu.memory_space<vmem>>) offsets(%dma_start3A_3 : memref<120xi32, #tpu.memory_space<vmem>>) semaphore(%arg8 : memref<!tpu.dma_semaphore, #tpu.memory_space<semaphore_mem>>)
    %dma_start3A_7 = arith.constant 120 : i32
    %dma_start3A_8 = tpu.memref_slice %arg5[%dma_start3A_7] : memref<2160xi32, #tpu.memory_space<vmem>> -> memref<120xi32, #tpu.memory_space<vmem>>
    %dma_start3A_9 = arith.constant 0 : i32
    %dma_start3A_10 = arith.constant 0 : i32
    %dma_start3A_11 = tpu.memref_slice %arg2[%dma_start3A_9, %dma_start3A_10] : memref<69120x128xf32, #tpu.memory_space<hbm>> -> memref<69120x128xf32, #tpu.memory_space<hbm>>
    tpu.enqueue_indirect_dma source(%dma_start3A_11 : memref<69120x128xf32, #tpu.memory_space<hbm>>) target(%arg7 : memref<120x128xf32, #tpu.memory_space<vmem>>) offsets(%dma_start3A_8 : memref<120xi32, #tpu.memory_space<vmem>>) semaphore(%arg9 : memref<!tpu.dma_semaphore, #tpu.memory_space<semaphore_mem>>)
    %dma_wait3A = arith.constant 0 : i32
    %dma_wait3A_12 = tpu.memref_slice %arg5[%dma_wait3A] : memref<2160xi32, #tpu.memory_space<vmem>> -> memref<120xi32, #tpu.memory_space<vmem>>
    %dma_wait3A_13 = arith.constant 0 : i32
    %dma_wait3A_14 = arith.constant 0 : i32
    %dma_wait3A_15 = tpu.memref_slice %arg2[%dma_wait3A_13, %dma_wait3A_14] : memref<69120x128xf32, #tpu.memory_space<hbm>> -> memref<69120x128xf32, #tpu.memory_space<hbm>>
    tpu.wait_indirect_dma semaphore(%arg8 : memref<!tpu.dma_semaphore, #tpu.memory_space<semaphore_mem>>) src(%dma_wait3A_15 : memref<69120x128xf32, #tpu.memory_space<hbm>>) dst(%arg6 : memref<120x128xf32, #tpu.memory_space<vmem>>)
    %add3A_16 = arith.constant 0 : i32
    %add3A_17 = arith.addi %mul3A_2, %add3A_16 : i32
    "tpu.region"() ({
      %run_scoped3A = tpu.sem_alloc : memref<!tpu.dma_semaphore, #tpu.memory_space<semaphore_mem>>
      %dma_start3A_217 = arith.constant 0 : i32
      %dma_start3A_218 = tpu.memref_slice %arg4[%add3A_17, %dma_start3A_217] : memref<69120x128xf32, #tpu.memory_space<hbm>> -> memref<120x128xf32, #tpu.memory_space<hbm>>
      %dma_start3A_219 = arith.constant 0 : i32
      %dma_start3A_220 = tpu.memref_slice %arg4[%add3A_17, %dma_start3A_219] : memref<69120x128xf32, #tpu.memory_space<hbm>> -> memref<120x128xf32, #tpu.memory_space<hbm>>
      tpu.enqueue_dma source(%arg6 : memref<120x128xf32, #tpu.memory_space<vmem>>) target(%dma_start3A_220 : memref<120x128xf32, #tpu.memory_space<hbm>>) target_semaphore(%run_scoped3A : memref<!tpu.dma_semaphore, #tpu.memory_space<semaphore_mem>>)
      %dma_wait3A_221 = arith.constant 0 : i32
      %dma_wait3A_222 = tpu.memref_slice %arg4[%add3A_17, %dma_wait3A_221] : memref<69120x128xf32, #tpu.memory_space<hbm>> -> memref<120x128xf32, #tpu.memory_space<hbm>>
      %dma_wait3A_223 = arith.constant 0 : i32
      %dma_wait3A_224 = tpu.memref_slice %arg4[%add3A_17, %dma_wait3A_223] : memref<69120x128xf32, #tpu.memory_space<hbm>> -> memref<120x128xf32, #tpu.memory_space<hbm>>
      tpu.wait_dma2 semaphore(%run_scoped3A : memref<!tpu.dma_semaphore, #tpu.memory_space<semaphore_mem>>) src(%arg6 : memref<120x128xf32, #tpu.memory_space<vmem>>) dst(%dma_wait3A_224 : memref<120x128xf32, #tpu.memory_space<hbm>>)
      tpu.yield
    }) : () -> ()
    %dma_start3A_18 = arith.constant 240 : i32
    %dma_start3A_19 = tpu.memref_slice %arg5[%dma_start3A_18] : memref<2160xi32, #tpu.memory_space<vmem>> -> memref<120xi32, #tpu.memory_space<vmem>>
    %dma_start3A_20 = arith.constant 0 : i32
    %dma_start3A_21 = arith.constant 0 : i32
    %dma_start3A_22 = tpu.memref_slice %arg2[%dma_start3A_20, %dma_start3A_21] : memref<69120x128xf32, #tpu.memory_space<hbm>> -> memref<69120x128xf32, #tpu.memory_space<hbm>>
    tpu.enqueue_indirect_dma source(%dma_start3A_22 : memref<69120x128xf32, #tpu.memory_space<hbm>>) target(%arg6 : memref<120x128xf32, #tpu.memory_space<vmem>>) offsets(%dma_start3A_19 : memref<120xi32, #tpu.memory_space<vmem>>) semaphore(%arg8 : memref<!tpu.dma_semaphore, #tpu.memory_space<semaphore_mem>>)
    %dma_wait3A_23 = arith.constant 120 : i32
    %dma_wait3A_24 = tpu.memref_slice %arg5[%dma_wait3A_23] : memref<2160xi32, #tpu.memory_space<vmem>> -> memref<120xi32, #tpu.memory_space<vmem>>
    %dma_wait3A_25 = arith.constant 0 : i32
    %dma_wait3A_26 = arith.constant 0 : i32
    %dma_wait3A_27 = tpu.memref_slice %arg2[%dma_wait3A_25, %dma_wait3A_26] : memref<69120x128xf32, #tpu.memory_space<hbm>> -> memref<69120x128xf32, #tpu.memory_space<hbm>>
    tpu.wait_indirect_dma semaphore(%arg9 : memref<!tpu.dma_semaphore, #tpu.memory_space<semaphore_mem>>) src(%dma_wait3A_27 : memref<69120x128xf32, #tpu.memory_space<hbm>>) dst(%arg7 : memref<120x128xf32, #tpu.memory_space<vmem>>)
    %add3A_28 = arith.constant 120 : i32
    %add3A_29 = arith.addi %mul3A_2, %add3A_28 : i32
    "tpu.region"() ({
      %run_scoped3A = tpu.sem_alloc : memref<!tpu.dma_semaphore, #tpu.memory_space<semaphore_mem>>
      %dma_start3A_217 = arith.constant 0 : i32
      %dma_start3A_218 = tpu.memref_slice %arg4[%add3A_29, %dma_start3A_217] : memref<69120x128xf32, #tpu.memory_space<hbm>> -> memref<120x128xf32, #tpu.memory_space<hbm>>
      %dma_start3A_219 = arith.constant 0 : i32
      %dma_start3A_220 = tpu.memref_slice %arg4[%add3A_29, %dma_start3A_219] : memref<69120x128xf32, #tpu.memory_space<hbm>> -> memref<120x128xf32, #tpu.memory_space<hbm>>
      tpu.enqueue_dma source(%arg7 : memref<120x128xf32, #tpu.memory_space<vmem>>) target(%dma_start3A_220 : memref<120x128xf32, #tpu.memory_space<hbm>>) target_semaphore(%run_scoped3A : memref<!tpu.dma_semaphore, #tpu.memory_space<semaphore_mem>>)
      %dma_wait3A_221 = arith.constant 0 : i32
      %dma_wait3A_222 = tpu.memref_slice %arg4[%add3A_29, %dma_wait3A_221] : memref<69120x128xf32, #tpu.memory_space<hbm>> -> memref<120x128xf32, #tpu.memory_space<hbm>>
      %dma_wait3A_223 = arith.constant 0 : i32
      %dma_wait3A_224 = tpu.memref_slice %arg4[%add3A_29, %dma_wait3A_223] : memref<69120x128xf32, #tpu.memory_space<hbm>> -> memref<120x128xf32, #tpu.memory_space<hbm>>
      tpu.wait_dma2 semaphore(%run_scoped3A : memref<!tpu.dma_semaphore, #tpu.memory_space<semaphore_mem>>) src(%arg7 : memref<120x128xf32, #tpu.memory_space<vmem>>) dst(%dma_wait3A_224 : memref<120x128xf32, #tpu.memory_space<hbm>>)
      tpu.yield
    }) : () -> ()
    %dma_start3A_30 = arith.constant 360 : i32
    %dma_start3A_31 = tpu.memref_slice %arg5[%dma_start3A_30] : memref<2160xi32, #tpu.memory_space<vmem>> -> memref<120xi32, #tpu.memory_space<vmem>>
    %dma_start3A_32 = arith.constant 0 : i32
    %dma_start3A_33 = arith.constant 0 : i32
    %dma_start3A_34 = tpu.memref_slice %arg2[%dma_start3A_32, %dma_start3A_33] : memref<69120x128xf32, #tpu.memory_space<hbm>> -> memref<69120x128xf32, #tpu.memory_space<hbm>>
    tpu.enqueue_indirect_dma source(%dma_start3A_34 : memref<69120x128xf32, #tpu.memory_space<hbm>>) target(%arg7 : memref<120x128xf32, #tpu.memory_space<vmem>>) offsets(%dma_start3A_31 : memref<120xi32, #tpu.memory_space<vmem>>) semaphore(%arg9 : memref<!tpu.dma_semaphore, #tpu.memory_space<semaphore_mem>>)
    %dma_wait3A_35 = arith.constant 240 : i32
    %dma_wait3A_36 = tpu.memref_slice %arg5[%dma_wait3A_35] : memref<2160xi32, #tpu.memory_space<vmem>> -> memref<120xi32, #tpu.memory_space<vmem>>
    %dma_wait3A_37 = arith.constant 0 : i32
    %dma_wait3A_38 = arith.constant 0 : i32
    %dma_wait3A_39 = tpu.memref_slice %arg2[%dma_wait3A_37, %dma_wait3A_38] : memref<69120x128xf32, #tpu.memory_space<hbm>> -> memref<69120x128xf32, #tpu.memory_space<hbm>>
    tpu.wait_indirect_dma semaphore(%arg8 : memref<!tpu.dma_semaphore, #tpu.memory_space<semaphore_mem>>) src(%dma_wait3A_39 : memref<69120x128xf32, #tpu.memory_space<hbm>>) dst(%arg6 : memref<120x128xf32, #tpu.memory_space<vmem>>)
    %add3A_40 = arith.constant 240 : i32
    %add3A_41 = arith.addi %mul3A_2, %add3A_40 : i32
    "tpu.region"() ({
      %run_scoped3A = tpu.sem_alloc : memref<!tpu.dma_semaphore, #tpu.memory_space<semaphore_mem>>
      %dma_start3A_217 = arith.constant 0 : i32
      %dma_start3A_218 = tpu.memref_slice %arg4[%add3A_41, %dma_start3A_217] : memref<69120x128xf32, #tpu.memory_space<hbm>> -> memref<120x128xf32, #tpu.memory_space<hbm>>
      %dma_start3A_219 = arith.constant 0 : i32
      %dma_start3A_220 = tpu.memref_slice %arg4[%add3A_41, %dma_start3A_219] : memref<69120x128xf32, #tpu.memory_space<hbm>> -> memref<120x128xf32, #tpu.memory_space<hbm>>
      tpu.enqueue_dma source(%arg6 : memref<120x128xf32, #tpu.memory_space<vmem>>) target(%dma_start3A_220 : memref<120x128xf32, #tpu.memory_space<hbm>>) target_semaphore(%run_scoped3A : memref<!tpu.dma_semaphore, #tpu.memory_space<semaphore_mem>>)
      %dma_wait3A_221 = arith.constant 0 : i32
      %dma_wait3A_222 = tpu.memref_slice %arg4[%add3A_41, %dma_wait3A_221] : memref<69120x128xf32, #tpu.memory_space<hbm>> -> memref<120x128xf32, #tpu.memory_space<hbm>>
      %dma_wait3A_223 = arith.constant 0 : i32
      %dma_wait3A_224 = tpu.memref_slice %arg4[%add3A_41, %dma_wait3A_223] : memref<69120x128xf32, #tpu.memory_space<hbm>> -> memref<120x128xf32, #tpu.memory_space<hbm>>
      tpu.wait_dma2 semaphore(%run_scoped3A : memref<!tpu.dma_semaphore, #tpu.memory_space<semaphore_mem>>) src(%arg6 : memref<120x128xf32, #tpu.memory_space<vmem>>) dst(%dma_wait3A_224 : memref<120x128xf32, #tpu.memory_space<hbm>>)
      tpu.yield
    }) : () -> ()
    %dma_start3A_42 = arith.constant 480 : i32
    %dma_start3A_43 = tpu.memref_slice %arg5[%dma_start3A_42] : memref<2160xi32, #tpu.memory_space<vmem>> -> memref<120xi32, #tpu.memory_space<vmem>>
    %dma_start3A_44 = arith.constant 0 : i32
    %dma_start3A_45 = arith.constant 0 : i32
    %dma_start3A_46 = tpu.memref_slice %arg2[%dma_start3A_44, %dma_start3A_45] : memref<69120x128xf32, #tpu.memory_space<hbm>> -> memref<69120x128xf32, #tpu.memory_space<hbm>>
    tpu.enqueue_indirect_dma source(%dma_start3A_46 : memref<69120x128xf32, #tpu.memory_space<hbm>>) target(%arg6 : memref<120x128xf32, #tpu.memory_space<vmem>>) offsets(%dma_start3A_43 : memref<120xi32, #tpu.memory_space<vmem>>) semaphore(%arg8 : memref<!tpu.dma_semaphore, #tpu.memory_space<semaphore_mem>>)
    %dma_wait3A_47 = arith.constant 360 : i32
    %dma_wait3A_48 = tpu.memref_slice %arg5[%dma_wait3A_47] : memref<2160xi32, #tpu.memory_space<vmem>> -> memref<120xi32, #tpu.memory_space<vmem>>
    %dma_wait3A_49 = arith.constant 0 : i32
    %dma_wait3A_50 = arith.constant 0 : i32
    %dma_wait3A_51 = tpu.memref_slice %arg2[%dma_wait3A_49, %dma_wait3A_50] : memref<69120x128xf32, #tpu.memory_space<hbm>> -> memref<69120x128xf32, #tpu.memory_space<hbm>>
    tpu.wait_indirect_dma semaphore(%arg9 : memref<!tpu.dma_semaphore, #tpu.memory_space<semaphore_mem>>) src(%dma_wait3A_51 : memref<69120x128xf32, #tpu.memory_space<hbm>>) dst(%arg7 : memref<120x128xf32, #tpu.memory_space<vmem>>)
    %add3A_52 = arith.constant 360 : i32
    %add3A_53 = arith.addi %mul3A_2, %add3A_52 : i32
    "tpu.region"() ({
      %run_scoped3A = tpu.sem_alloc : memref<!tpu.dma_semaphore, #tpu.memory_space<semaphore_mem>>
      %dma_start3A_217 = arith.constant 0 : i32
      %dma_start3A_218 = tpu.memref_slice %arg4[%add3A_53, %dma_start3A_217] : memref<69120x128xf32, #tpu.memory_space<hbm>> -> memref<120x128xf32, #tpu.memory_space<hbm>>
      %dma_start3A_219 = arith.constant 0 : i32
      %dma_start3A_220 = tpu.memref_slice %arg4[%add3A_53, %dma_start3A_219] : memref<69120x128xf32, #tpu.memory_space<hbm>> -> memref<120x128xf32, #tpu.memory_space<hbm>>
      tpu.enqueue_dma source(%arg7 : memref<120x128xf32, #tpu.memory_space<vmem>>) target(%dma_start3A_220 : memref<120x128xf32, #tpu.memory_space<hbm>>) target_semaphore(%run_scoped3A : memref<!tpu.dma_semaphore, #tpu.memory_space<semaphore_mem>>)
      %dma_wait3A_221 = arith.constant 0 : i32
      %dma_wait3A_222 = tpu.memref_slice %arg4[%add3A_53, %dma_wait3A_221] : memref<69120x128xf32, #tpu.memory_space<hbm>> -> memref<120x128xf32, #tpu.memory_space<hbm>>
      %dma_wait3A_223 = arith.constant 0 : i32
      %dma_wait3A_224 = tpu.memref_slice %arg4[%add3A_53, %dma_wait3A_223] : memref<69120x128xf32, #tpu.memory_space<hbm>> -> memref<120x128xf32, #tpu.memory_space<hbm>>
      tpu.wait_dma2 semaphore(%run_scoped3A : memref<!tpu.dma_semaphore, #tpu.memory_space<semaphore_mem>>) src(%arg7 : memref<120x128xf32, #tpu.memory_space<vmem>>) dst(%dma_wait3A_224 : memref<120x128xf32, #tpu.memory_space<hbm>>)
      tpu.yield
    }) : () -> ()
    %dma_start3A_54 = arith.constant 600 : i32
    %dma_start3A_55 = tpu.memref_slice %arg5[%dma_start3A_54] : memref<2160xi32, #tpu.memory_space<vmem>> -> memref<120xi32, #tpu.memory_space<vmem>>
    %dma_start3A_56 = arith.constant 0 : i32
    %dma_start3A_57 = arith.constant 0 : i32
    %dma_start3A_58 = tpu.memref_slice %arg2[%dma_start3A_56, %dma_start3A_57] : memref<69120x128xf32, #tpu.memory_space<hbm>> -> memref<69120x128xf32, #tpu.memory_space<hbm>>
    tpu.enqueue_indirect_dma source(%dma_start3A_58 : memref<69120x128xf32, #tpu.memory_space<hbm>>) target(%arg7 : memref<120x128xf32, #tpu.memory_space<vmem>>) offsets(%dma_start3A_55 : memref<120xi32, #tpu.memory_space<vmem>>) semaphore(%arg9 : memref<!tpu.dma_semaphore, #tpu.memory_space<semaphore_mem>>)
    %dma_wait3A_59 = arith.constant 480 : i32
    %dma_wait3A_60 = tpu.memref_slice %arg5[%dma_wait3A_59] : memref<2160xi32, #tpu.memory_space<vmem>> -> memref<120xi32, #tpu.memory_space<vmem>>
    %dma_wait3A_61 = arith.constant 0 : i32
    %dma_wait3A_62 = arith.constant 0 : i32
    %dma_wait3A_63 = tpu.memref_slice %arg2[%dma_wait3A_61, %dma_wait3A_62] : memref<69120x128xf32, #tpu.memory_space<hbm>> -> memref<69120x128xf32, #tpu.memory_space<hbm>>
    tpu.wait_indirect_dma semaphore(%arg8 : memref<!tpu.dma_semaphore, #tpu.memory_space<semaphore_mem>>) src(%dma_wait3A_63 : memref<69120x128xf32, #tpu.memory_space<hbm>>) dst(%arg6 : memref<120x128xf32, #tpu.memory_space<vmem>>)
    %add3A_64 = arith.constant 480 : i32
    %add3A_65 = arith.addi %mul3A_2, %add3A_64 : i32
    "tpu.region"() ({
      %run_scoped3A = tpu.sem_alloc : memref<!tpu.dma_semaphore, #tpu.memory_space<semaphore_mem>>
      %dma_start3A_217 = arith.constant 0 : i32
      %dma_start3A_218 = tpu.memref_slice %arg4[%add3A_65, %dma_start3A_217] : memref<69120x128xf32, #tpu.memory_space<hbm>> -> memref<120x128xf32, #tpu.memory_space<hbm>>
      %dma_start3A_219 = arith.constant 0 : i32
      %dma_start3A_220 = tpu.memref_slice %arg4[%add3A_65, %dma_start3A_219] : memref<69120x128xf32, #tpu.memory_space<hbm>> -> memref<120x128xf32, #tpu.memory_space<hbm>>
      tpu.enqueue_dma source(%arg6 : memref<120x128xf32, #tpu.memory_space<vmem>>) target(%dma_start3A_220 : memref<120x128xf32, #tpu.memory_space<hbm>>) target_semaphore(%run_scoped3A : memref<!tpu.dma_semaphore, #tpu.memory_space<semaphore_mem>>)
      %dma_wait3A_221 = arith.constant 0 : i32
      %dma_wait3A_222 = tpu.memref_slice %arg4[%add3A_65, %dma_wait3A_221] : memref<69120x128xf32, #tpu.memory_space<hbm>> -> memref<120x128xf32, #tpu.memory_space<hbm>>
      %dma_wait3A_223 = arith.constant 0 : i32
      %dma_wait3A_224 = tpu.memref_slice %arg4[%add3A_65, %dma_wait3A_223] : memref<69120x128xf32, #tpu.memory_space<hbm>> -> memref<120x128xf32, #tpu.memory_space<hbm>>
      tpu.wait_dma2 semaphore(%run_scoped3A : memref<!tpu.dma_semaphore, #tpu.memory_space<semaphore_mem>>) src(%arg6 : memref<120x128xf32, #tpu.memory_space<vmem>>) dst(%dma_wait3A_224 : memref<120x128xf32, #tpu.memory_space<hbm>>)
      tpu.yield
    }) : () -> ()
    %dma_start3A_66 = arith.constant 720 : i32
    %dma_start3A_67 = tpu.memref_slice %arg5[%dma_start3A_66] : memref<2160xi32, #tpu.memory_space<vmem>> -> memref<120xi32, #tpu.memory_space<vmem>>
    %dma_start3A_68 = arith.constant 0 : i32
    %dma_start3A_69 = arith.constant 0 : i32
    %dma_start3A_70 = tpu.memref_slice %arg2[%dma_start3A_68, %dma_start3A_69] : memref<69120x128xf32, #tpu.memory_space<hbm>> -> memref<69120x128xf32, #tpu.memory_space<hbm>>
    tpu.enqueue_indirect_dma source(%dma_start3A_70 : memref<69120x128xf32, #tpu.memory_space<hbm>>) target(%arg6 : memref<120x128xf32, #tpu.memory_space<vmem>>) offsets(%dma_start3A_67 : memref<120xi32, #tpu.memory_space<vmem>>) semaphore(%arg8 : memref<!tpu.dma_semaphore, #tpu.memory_space<semaphore_mem>>)
    %dma_wait3A_71 = arith.constant 600 : i32
    %dma_wait3A_72 = tpu.memref_slice %arg5[%dma_wait3A_71] : memref<2160xi32, #tpu.memory_space<vmem>> -> memref<120xi32, #tpu.memory_space<vmem>>
    %dma_wait3A_73 = arith.constant 0 : i32
    %dma_wait3A_74 = arith.constant 0 : i32
    %dma_wait3A_75 = tpu.memref_slice %arg2[%dma_wait3A_73, %dma_wait3A_74] : memref<69120x128xf32, #tpu.memory_space<hbm>> -> memref<69120x128xf32, #tpu.memory_space<hbm>>
    tpu.wait_indirect_dma semaphore(%arg9 : memref<!tpu.dma_semaphore, #tpu.memory_space<semaphore_mem>>) src(%dma_wait3A_75 : memref<69120x128xf32, #tpu.memory_space<hbm>>) dst(%arg7 : memref<120x128xf32, #tpu.memory_space<vmem>>)
    %add3A_76 = arith.constant 600 : i32
    %add3A_77 = arith.addi %mul3A_2, %add3A_76 : i32
    "tpu.region"() ({
      %run_scoped3A = tpu.sem_alloc : memref<!tpu.dma_semaphore, #tpu.memory_space<semaphore_mem>>
      %dma_start3A_217 = arith.constant 0 : i32
      %dma_start3A_218 = tpu.memref_slice %arg4[%add3A_77, %dma_start3A_217] : memref<69120x128xf32, #tpu.memory_space<hbm>> -> memref<120x128xf32, #tpu.memory_space<hbm>>
      %dma_start3A_219 = arith.constant 0 : i32
      %dma_start3A_220 = tpu.memref_slice %arg4[%add3A_77, %dma_start3A_219] : memref<69120x128xf32, #tpu.memory_space<hbm>> -> memref<120x128xf32, #tpu.memory_space<hbm>>
      tpu.enqueue_dma source(%arg7 : memref<120x128xf32, #tpu.memory_space<vmem>>) target(%dma_start3A_220 : memref<120x128xf32, #tpu.memory_space<hbm>>) target_semaphore(%run_scoped3A : memref<!tpu.dma_semaphore, #tpu.memory_space<semaphore_mem>>)
      %dma_wait3A_221 = arith.constant 0 : i32
      %dma_wait3A_222 = tpu.memref_slice %arg4[%add3A_77, %dma_wait3A_221] : memref<69120x128xf32, #tpu.memory_space<hbm>> -> memref<120x128xf32, #tpu.memory_space<hbm>>
      %dma_wait3A_223 = arith.constant 0 : i32
      %dma_wait3A_224 = tpu.memref_slice %arg4[%add3A_77, %dma_wait3A_223] : memref<69120x128xf32, #tpu.memory_space<hbm>> -> memref<120x128xf32, #tpu.memory_space<hbm>>
      tpu.wait_dma2 semaphore(%run_scoped3A : memref<!tpu.dma_semaphore, #tpu.memory_space<semaphore_mem>>) src(%arg7 : memref<120x128xf32, #tpu.memory_space<vmem>>) dst(%dma_wait3A_224 : memref<120x128xf32, #tpu.memory_space<hbm>>)
      tpu.yield
    }) : () -> ()
    %dma_start3A_78 = arith.constant 840 : i32
    %dma_start3A_79 = tpu.memref_slice %arg5[%dma_start3A_78] : memref<2160xi32, #tpu.memory_space<vmem>> -> memref<120xi32, #tpu.memory_space<vmem>>
    %dma_start3A_80 = arith.constant 0 : i32
    %dma_start3A_81 = arith.constant 0 : i32
    %dma_start3A_82 = tpu.memref_slice %arg2[%dma_start3A_80, %dma_start3A_81] : memref<69120x128xf32, #tpu.memory_space<hbm>> -> memref<69120x128xf32, #tpu.memory_space<hbm>>
    tpu.enqueue_indirect_dma source(%dma_start3A_82 : memref<69120x128xf32, #tpu.memory_space<hbm>>) target(%arg7 : memref<120x128xf32, #tpu.memory_space<vmem>>) offsets(%dma_start3A_79 : memref<120xi32, #tpu.memory_space<vmem>>) semaphore(%arg9 : memref<!tpu.dma_semaphore, #tpu.memory_space<semaphore_mem>>)
    %dma_wait3A_83 = arith.constant 720 : i32
    %dma_wait3A_84 = tpu.memref_slice %arg5[%dma_wait3A_83] : memref<2160xi32, #tpu.memory_space<vmem>> -> memref<120xi32, #tpu.memory_space<vmem>>
    %dma_wait3A_85 = arith.constant 0 : i32
    %dma_wait3A_86 = arith.constant 0 : i32
    %dma_wait3A_87 = tpu.memref_slice %arg2[%dma_wait3A_85, %dma_wait3A_86] : memref<69120x128xf32, #tpu.memory_space<hbm>> -> memref<69120x128xf32, #tpu.memory_space<hbm>>
    tpu.wait_indirect_dma semaphore(%arg8 : memref<!tpu.dma_semaphore, #tpu.memory_space<semaphore_mem>>) src(%dma_wait3A_87 : memref<69120x128xf32, #tpu.memory_space<hbm>>) dst(%arg6 : memref<120x128xf32, #tpu.memory_space<vmem>>)
    %add3A_88 = arith.constant 720 : i32
    %add3A_89 = arith.addi %mul3A_2, %add3A_88 : i32
    "tpu.region"() ({
      %run_scoped3A = tpu.sem_alloc : memref<!tpu.dma_semaphore, #tpu.memory_space<semaphore_mem>>
      %dma_start3A_217 = arith.constant 0 : i32
      %dma_start3A_218 = tpu.memref_slice %arg4[%add3A_89, %dma_start3A_217] : memref<69120x128xf32, #tpu.memory_space<hbm>> -> memref<120x128xf32, #tpu.memory_space<hbm>>
      %dma_start3A_219 = arith.constant 0 : i32
      %dma_start3A_220 = tpu.memref_slice %arg4[%add3A_89, %dma_start3A_219] : memref<69120x128xf32, #tpu.memory_space<hbm>> -> memref<120x128xf32, #tpu.memory_space<hbm>>
      tpu.enqueue_dma source(%arg6 : memref<120x128xf32, #tpu.memory_space<vmem>>) target(%dma_start3A_220 : memref<120x128xf32, #tpu.memory_space<hbm>>) target_semaphore(%run_scoped3A : memref<!tpu.dma_semaphore, #tpu.memory_space<semaphore_mem>>)
      %dma_wait3A_221 = arith.constant 0 : i32
      %dma_wait3A_222 = tpu.memref_slice %arg4[%add3A_89, %dma_wait3A_221] : memref<69120x128xf32, #tpu.memory_space<hbm>> -> memref<120x128xf32, #tpu.memory_space<hbm>>
      %dma_wait3A_223 = arith.constant 0 : i32
      %dma_wait3A_224 = tpu.memref_slice %arg4[%add3A_89, %dma_wait3A_223] : memref<69120x128xf32, #tpu.memory_space<hbm>> -> memref<120x128xf32, #tpu.memory_space<hbm>>
      tpu.wait_dma2 semaphore(%run_scoped3A : memref<!tpu.dma_semaphore, #tpu.memory_space<semaphore_mem>>) src(%arg6 : memref<120x128xf32, #tpu.memory_space<vmem>>) dst(%dma_wait3A_224 : memref<120x128xf32, #tpu.memory_space<hbm>>)
      tpu.yield
    }) : () -> ()
    %dma_start3A_90 = arith.constant 960 : i32
    %dma_start3A_91 = tpu.memref_slice %arg5[%dma_start3A_90] : memref<2160xi32, #tpu.memory_space<vmem>> -> memref<120xi32, #tpu.memory_space<vmem>>
    %dma_start3A_92 = arith.constant 0 : i32
    %dma_start3A_93 = arith.constant 0 : i32
    %dma_start3A_94 = tpu.memref_slice %arg2[%dma_start3A_92, %dma_start3A_93] : memref<69120x128xf32, #tpu.memory_space<hbm>> -> memref<69120x128xf32, #tpu.memory_space<hbm>>
    tpu.enqueue_indirect_dma source(%dma_start3A_94 : memref<69120x128xf32, #tpu.memory_space<hbm>>) target(%arg6 : memref<120x128xf32, #tpu.memory_space<vmem>>) offsets(%dma_start3A_91 : memref<120xi32, #tpu.memory_space<vmem>>) semaphore(%arg8 : memref<!tpu.dma_semaphore, #tpu.memory_space<semaphore_mem>>)
    %dma_wait3A_95 = arith.constant 840 : i32
    %dma_wait3A_96 = tpu.memref_slice %arg5[%dma_wait3A_95] : memref<2160xi32, #tpu.memory_space<vmem>> -> memref<120xi32, #tpu.memory_space<vmem>>
    %dma_wait3A_97 = arith.constant 0 : i32
    %dma_wait3A_98 = arith.constant 0 : i32
    %dma_wait3A_99 = tpu.memref_slice %arg2[%dma_wait3A_97, %dma_wait3A_98] : memref<69120x128xf32, #tpu.memory_space<hbm>> -> memref<69120x128xf32, #tpu.memory_space<hbm>>
    tpu.wait_indirect_dma semaphore(%arg9 : memref<!tpu.dma_semaphore, #tpu.memory_space<semaphore_mem>>) src(%dma_wait3A_99 : memref<69120x128xf32, #tpu.memory_space<hbm>>) dst(%arg7 : memref<120x128xf32, #tpu.memory_space<vmem>>)
    %add3A_100 = arith.constant 840 : i32
    %add3A_101 = arith.addi %mul3A_2, %add3A_100 : i32
    "tpu.region"() ({
      %run_scoped3A = tpu.sem_alloc : memref<!tpu.dma_semaphore, #tpu.memory_space<semaphore_mem>>
      %dma_start3A_217 = arith.constant 0 : i32
      %dma_start3A_218 = tpu.memref_slice %arg4[%add3A_101, %dma_start3A_217] : memref<69120x128xf32, #tpu.memory_space<hbm>> -> memref<120x128xf32, #tpu.memory_space<hbm>>
      %dma_start3A_219 = arith.constant 0 : i32
      %dma_start3A_220 = tpu.memref_slice %arg4[%add3A_101, %dma_start3A_219] : memref<69120x128xf32, #tpu.memory_space<hbm>> -> memref<120x128xf32, #tpu.memory_space<hbm>>
      tpu.enqueue_dma source(%arg7 : memref<120x128xf32, #tpu.memory_space<vmem>>) target(%dma_start3A_220 : memref<120x128xf32, #tpu.memory_space<hbm>>) target_semaphore(%run_scoped3A : memref<!tpu.dma_semaphore, #tpu.memory_space<semaphore_mem>>)
      %dma_wait3A_221 = arith.constant 0 : i32
      %dma_wait3A_222 = tpu.memref_slice %arg4[%add3A_101, %dma_wait3A_221] : memref<69120x128xf32, #tpu.memory_space<hbm>> -> memref<120x128xf32, #tpu.memory_space<hbm>>
      %dma_wait3A_223 = arith.constant 0 : i32
      %dma_wait3A_224 = tpu.memref_slice %arg4[%add3A_101, %dma_wait3A_223] : memref<69120x128xf32, #tpu.memory_space<hbm>> -> memref<120x128xf32, #tpu.memory_space<hbm>>
      tpu.wait_dma2 semaphore(%run_scoped3A : memref<!tpu.dma_semaphore, #tpu.memory_space<semaphore_mem>>) src(%arg7 : memref<120x128xf32, #tpu.memory_space<vmem>>) dst(%dma_wait3A_224 : memref<120x128xf32, #tpu.memory_space<hbm>>)
      tpu.yield
    }) : () -> ()
    %dma_start3A_102 = arith.constant 1080 : i32
    %dma_start3A_103 = tpu.memref_slice %arg5[%dma_start3A_102] : memref<2160xi32, #tpu.memory_space<vmem>> -> memref<120xi32, #tpu.memory_space<vmem>>
    %dma_start3A_104 = arith.constant 0 : i32
    %dma_start3A_105 = arith.constant 0 : i32
    %dma_start3A_106 = tpu.memref_slice %arg2[%dma_start3A_104, %dma_start3A_105] : memref<69120x128xf32, #tpu.memory_space<hbm>> -> memref<69120x128xf32, #tpu.memory_space<hbm>>
    tpu.enqueue_indirect_dma source(%dma_start3A_106 : memref<69120x128xf32, #tpu.memory_space<hbm>>) target(%arg7 : memref<120x128xf32, #tpu.memory_space<vmem>>) offsets(%dma_start3A_103 : memref<120xi32, #tpu.memory_space<vmem>>) semaphore(%arg9 : memref<!tpu.dma_semaphore, #tpu.memory_space<semaphore_mem>>)
    %dma_wait3A_107 = arith.constant 960 : i32
    %dma_wait3A_108 = tpu.memref_slice %arg5[%dma_wait3A_107] : memref<2160xi32, #tpu.memory_space<vmem>> -> memref<120xi32, #tpu.memory_space<vmem>>
    %dma_wait3A_109 = arith.constant 0 : i32
    %dma_wait3A_110 = arith.constant 0 : i32
    %dma_wait3A_111 = tpu.memref_slice %arg2[%dma_wait3A_109, %dma_wait3A_110] : memref<69120x128xf32, #tpu.memory_space<hbm>> -> memref<69120x128xf32, #tpu.memory_space<hbm>>
    tpu.wait_indirect_dma semaphore(%arg8 : memref<!tpu.dma_semaphore, #tpu.memory_space<semaphore_mem>>) src(%dma_wait3A_111 : memref<69120x128xf32, #tpu.memory_space<hbm>>) dst(%arg6 : memref<120x128xf32, #tpu.memory_space<vmem>>)
    %add3A_112 = arith.constant 960 : i32
    %add3A_113 = arith.addi %mul3A_2, %add3A_112 : i32
    "tpu.region"() ({
      %run_scoped3A = tpu.sem_alloc : memref<!tpu.dma_semaphore, #tpu.memory_space<semaphore_mem>>
      %dma_start3A_217 = arith.constant 0 : i32
      %dma_start3A_218 = tpu.memref_slice %arg4[%add3A_113, %dma_start3A_217] : memref<69120x128xf32, #tpu.memory_space<hbm>> -> memref<120x128xf32, #tpu.memory_space<hbm>>
      %dma_start3A_219 = arith.constant 0 : i32
      %dma_start3A_220 = tpu.memref_slice %arg4[%add3A_113, %dma_start3A_219] : memref<69120x128xf32, #tpu.memory_space<hbm>> -> memref<120x128xf32, #tpu.memory_space<hbm>>
      tpu.enqueue_dma source(%arg6 : memref<120x128xf32, #tpu.memory_space<vmem>>) target(%dma_start3A_220 : memref<120x128xf32, #tpu.memory_space<hbm>>) target_semaphore(%run_scoped3A : memref<!tpu.dma_semaphore, #tpu.memory_space<semaphore_mem>>)
      %dma_wait3A_221 = arith.constant 0 : i32
      %dma_wait3A_222 = tpu.memref_slice %arg4[%add3A_113, %dma_wait3A_221] : memref<69120x128xf32, #tpu.memory_space<hbm>> -> memref<120x128xf32, #tpu.memory_space<hbm>>
      %dma_wait3A_223 = arith.constant 0 : i32
      %dma_wait3A_224 = tpu.memref_slice %arg4[%add3A_113, %dma_wait3A_223] : memref<69120x128xf32, #tpu.memory_space<hbm>> -> memref<120x128xf32, #tpu.memory_space<hbm>>
      tpu.wait_dma2 semaphore(%run_scoped3A : memref<!tpu.dma_semaphore, #tpu.memory_space<semaphore_mem>>) src(%arg6 : memref<120x128xf32, #tpu.memory_space<vmem>>) dst(%dma_wait3A_224 : memref<120x128xf32, #tpu.memory_space<hbm>>)
      tpu.yield
    }) : () -> ()
    %dma_start3A_114 = arith.constant 1200 : i32
    %dma_start3A_115 = tpu.memref_slice %arg5[%dma_start3A_114] : memref<2160xi32, #tpu.memory_space<vmem>> -> memref<120xi32, #tpu.memory_space<vmem>>
    %dma_start3A_116 = arith.constant 0 : i32
    %dma_start3A_117 = arith.constant 0 : i32
    %dma_start3A_118 = tpu.memref_slice %arg2[%dma_start3A_116, %dma_start3A_117] : memref<69120x128xf32, #tpu.memory_space<hbm>> -> memref<69120x128xf32, #tpu.memory_space<hbm>>
    tpu.enqueue_indirect_dma source(%dma_start3A_118 : memref<69120x128xf32, #tpu.memory_space<hbm>>) target(%arg6 : memref<120x128xf32, #tpu.memory_space<vmem>>) offsets(%dma_start3A_115 : memref<120xi32, #tpu.memory_space<vmem>>) semaphore(%arg8 : memref<!tpu.dma_semaphore, #tpu.memory_space<semaphore_mem>>)
    %dma_wait3A_119 = arith.constant 1080 : i32
    %dma_wait3A_120 = tpu.memref_slice %arg5[%dma_wait3A_119] : memref<2160xi32, #tpu.memory_space<vmem>> -> memref<120xi32, #tpu.memory_space<vmem>>
    %dma_wait3A_121 = arith.constant 0 : i32
    %dma_wait3A_122 = arith.constant 0 : i32
    %dma_wait3A_123 = tpu.memref_slice %arg2[%dma_wait3A_121, %dma_wait3A_122] : memref<69120x128xf32, #tpu.memory_space<hbm>> -> memref<69120x128xf32, #tpu.memory_space<hbm>>
    tpu.wait_indirect_dma semaphore(%arg9 : memref<!tpu.dma_semaphore, #tpu.memory_space<semaphore_mem>>) src(%dma_wait3A_123 : memref<69120x128xf32, #tpu.memory_space<hbm>>) dst(%arg7 : memref<120x128xf32, #tpu.memory_space<vmem>>)
    %add3A_124 = arith.constant 1080 : i32
    %add3A_125 = arith.addi %mul3A_2, %add3A_124 : i32
    "tpu.region"() ({
      %run_scoped3A = tpu.sem_alloc : memref<!tpu.dma_semaphore, #tpu.memory_space<semaphore_mem>>
      %dma_start3A_217 = arith.constant 0 : i32
      %dma_start3A_218 = tpu.memref_slice %arg4[%add3A_125, %dma_start3A_217] : memref<69120x128xf32, #tpu.memory_space<hbm>> -> memref<120x128xf32, #tpu.memory_space<hbm>>
      %dma_start3A_219 = arith.constant 0 : i32
      %dma_start3A_220 = tpu.memref_slice %arg4[%add3A_125, %dma_start3A_219] : memref<69120x128xf32, #tpu.memory_space<hbm>> -> memref<120x128xf32, #tpu.memory_space<hbm>>
      tpu.enqueue_dma source(%arg7 : memref<120x128xf32, #tpu.memory_space<vmem>>) target(%dma_start3A_220 : memref<120x128xf32, #tpu.memory_space<hbm>>) target_semaphore(%run_scoped3A : memref<!tpu.dma_semaphore, #tpu.memory_space<semaphore_mem>>)
      %dma_wait3A_221 = arith.constant 0 : i32
      %dma_wait3A_222 = tpu.memref_slice %arg4[%add3A_125, %dma_wait3A_221] : memref<69120x128xf32, #tpu.memory_space<hbm>> -> memref<120x128xf32, #tpu.memory_space<hbm>>
      %dma_wait3A_223 = arith.constant 0 : i32
      %dma_wait3A_224 = tpu.memref_slice %arg4[%add3A_125, %dma_wait3A_223] : memref<69120x128xf32, #tpu.memory_space<hbm>> -> memref<120x128xf32, #tpu.memory_space<hbm>>
      tpu.wait_dma2 semaphore(%run_scoped3A : memref<!tpu.dma_semaphore, #tpu.memory_space<semaphore_mem>>) src(%arg7 : memref<120x128xf32, #tpu.memory_space<vmem>>) dst(%dma_wait3A_224 : memref<120x128xf32, #tpu.memory_space<hbm>>)
      tpu.yield
    }) : () -> ()
    %dma_start3A_126 = arith.constant 1320 : i32
    %dma_start3A_127 = tpu.memref_slice %arg5[%dma_start3A_126] : memref<2160xi32, #tpu.memory_space<vmem>> -> memref<120xi32, #tpu.memory_space<vmem>>
    %dma_start3A_128 = arith.constant 0 : i32
    %dma_start3A_129 = arith.constant 0 : i32
    %dma_start3A_130 = tpu.memref_slice %arg2[%dma_start3A_128, %dma_start3A_129] : memref<69120x128xf32, #tpu.memory_space<hbm>> -> memref<69120x128xf32, #tpu.memory_space<hbm>>
    tpu.enqueue_indirect_dma source(%dma_start3A_130 : memref<69120x128xf32, #tpu.memory_space<hbm>>) target(%arg7 : memref<120x128xf32, #tpu.memory_space<vmem>>) offsets(%dma_start3A_127 : memref<120xi32, #tpu.memory_space<vmem>>) semaphore(%arg9 : memref<!tpu.dma_semaphore, #tpu.memory_space<semaphore_mem>>)
    %dma_wait3A_131 = arith.constant 1200 : i32
    %dma_wait3A_132 = tpu.memref_slice %arg5[%dma_wait3A_131] : memref<2160xi32, #tpu.memory_space<vmem>> -> memref<120xi32, #tpu.memory_space<vmem>>
    %dma_wait3A_133 = arith.constant 0 : i32
    %dma_wait3A_134 = arith.constant 0 : i32
    %dma_wait3A_135 = tpu.memref_slice %arg2[%dma_wait3A_133, %dma_wait3A_134] : memref<69120x128xf32, #tpu.memory_space<hbm>> -> memref<69120x128xf32, #tpu.memory_space<hbm>>
    tpu.wait_indirect_dma semaphore(%arg8 : memref<!tpu.dma_semaphore, #tpu.memory_space<semaphore_mem>>) src(%dma_wait3A_135 : memref<69120x128xf32, #tpu.memory_space<hbm>>) dst(%arg6 : memref<120x128xf32, #tpu.memory_space<vmem>>)
    %add3A_136 = arith.constant 1200 : i32
    %add3A_137 = arith.addi %mul3A_2, %add3A_136 : i32
    "tpu.region"() ({
      %run_scoped3A = tpu.sem_alloc : memref<!tpu.dma_semaphore, #tpu.memory_space<semaphore_mem>>
      %dma_start3A_217 = arith.constant 0 : i32
      %dma_start3A_218 = tpu.memref_slice %arg4[%add3A_137, %dma_start3A_217] : memref<69120x128xf32, #tpu.memory_space<hbm>> -> memref<120x128xf32, #tpu.memory_space<hbm>>
      %dma_start3A_219 = arith.constant 0 : i32
      %dma_start3A_220 = tpu.memref_slice %arg4[%add3A_137, %dma_start3A_219] : memref<69120x128xf32, #tpu.memory_space<hbm>> -> memref<120x128xf32, #tpu.memory_space<hbm>>
      tpu.enqueue_dma source(%arg6 : memref<120x128xf32, #tpu.memory_space<vmem>>) target(%dma_start3A_220 : memref<120x128xf32, #tpu.memory_space<hbm>>) target_semaphore(%run_scoped3A : memref<!tpu.dma_semaphore, #tpu.memory_space<semaphore_mem>>)
      %dma_wait3A_221 = arith.constant 0 : i32
      %dma_wait3A_222 = tpu.memref_slice %arg4[%add3A_137, %dma_wait3A_221] : memref<69120x128xf32, #tpu.memory_space<hbm>> -> memref<120x128xf32, #tpu.memory_space<hbm>>
      %dma_wait3A_223 = arith.constant 0 : i32
      %dma_wait3A_224 = tpu.memref_slice %arg4[%add3A_137, %dma_wait3A_223] : memref<69120x128xf32, #tpu.memory_space<hbm>> -> memref<120x128xf32, #tpu.memory_space<hbm>>
      tpu.wait_dma2 semaphore(%run_scoped3A : memref<!tpu.dma_semaphore, #tpu.memory_space<semaphore_mem>>) src(%arg6 : memref<120x128xf32, #tpu.memory_space<vmem>>) dst(%dma_wait3A_224 : memref<120x128xf32, #tpu.memory_space<hbm>>)
      tpu.yield
    }) : () -> ()
    %dma_start3A_138 = arith.constant 1440 : i32
    %dma_start3A_139 = tpu.memref_slice %arg5[%dma_start3A_138] : memref<2160xi32, #tpu.memory_space<vmem>> -> memref<120xi32, #tpu.memory_space<vmem>>
    %dma_start3A_140 = arith.constant 0 : i32
    %dma_start3A_141 = arith.constant 0 : i32
    %dma_start3A_142 = tpu.memref_slice %arg2[%dma_start3A_140, %dma_start3A_141] : memref<69120x128xf32, #tpu.memory_space<hbm>> -> memref<69120x128xf32, #tpu.memory_space<hbm>>
    tpu.enqueue_indirect_dma source(%dma_start3A_142 : memref<69120x128xf32, #tpu.memory_space<hbm>>) target(%arg6 : memref<120x128xf32, #tpu.memory_space<vmem>>) offsets(%dma_start3A_139 : memref<120xi32, #tpu.memory_space<vmem>>) semaphore(%arg8 : memref<!tpu.dma_semaphore, #tpu.memory_space<semaphore_mem>>)
    %dma_wait3A_143 = arith.constant 1320 : i32
    %dma_wait3A_144 = tpu.memref_slice %arg5[%dma_wait3A_143] : memref<2160xi32, #tpu.memory_space<vmem>> -> memref<120xi32, #tpu.memory_space<vmem>>
    %dma_wait3A_145 = arith.constant 0 : i32
    %dma_wait3A_146 = arith.constant 0 : i32
    %dma_wait3A_147 = tpu.memref_slice %arg2[%dma_wait3A_145, %dma_wait3A_146] : memref<69120x128xf32, #tpu.memory_space<hbm>> -> memref<69120x128xf32, #tpu.memory_space<hbm>>
    tpu.wait_indirect_dma semaphore(%arg9 : memref<!tpu.dma_semaphore, #tpu.memory_space<semaphore_mem>>) src(%dma_wait3A_147 : memref<69120x128xf32, #tpu.memory_space<hbm>>) dst(%arg7 : memref<120x128xf32, #tpu.memory_space<vmem>>)
    %add3A_148 = arith.constant 1320 : i32
    %add3A_149 = arith.addi %mul3A_2, %add3A_148 : i32
    "tpu.region"() ({
      %run_scoped3A = tpu.sem_alloc : memref<!tpu.dma_semaphore, #tpu.memory_space<semaphore_mem>>
      %dma_start3A_217 = arith.constant 0 : i32
      %dma_start3A_218 = tpu.memref_slice %arg4[%add3A_149, %dma_start3A_217] : memref<69120x128xf32, #tpu.memory_space<hbm>> -> memref<120x128xf32, #tpu.memory_space<hbm>>
      %dma_start3A_219 = arith.constant 0 : i32
      %dma_start3A_220 = tpu.memref_slice %arg4[%add3A_149, %dma_start3A_219] : memref<69120x128xf32, #tpu.memory_space<hbm>> -> memref<120x128xf32, #tpu.memory_space<hbm>>
      tpu.enqueue_dma source(%arg7 : memref<120x128xf32, #tpu.memory_space<vmem>>) target(%dma_start3A_220 : memref<120x128xf32, #tpu.memory_space<hbm>>) target_semaphore(%run_scoped3A : memref<!tpu.dma_semaphore, #tpu.memory_space<semaphore_mem>>)
      %dma_wait3A_221 = arith.constant 0 : i32
      %dma_wait3A_222 = tpu.memref_slice %arg4[%add3A_149, %dma_wait3A_221] : memref<69120x128xf32, #tpu.memory_space<hbm>> -> memref<120x128xf32, #tpu.memory_space<hbm>>
      %dma_wait3A_223 = arith.constant 0 : i32
      %dma_wait3A_224 = tpu.memref_slice %arg4[%add3A_149, %dma_wait3A_223] : memref<69120x128xf32, #tpu.memory_space<hbm>> -> memref<120x128xf32, #tpu.memory_space<hbm>>
      tpu.wait_dma2 semaphore(%run_scoped3A : memref<!tpu.dma_semaphore, #tpu.memory_space<semaphore_mem>>) src(%arg7 : memref<120x128xf32, #tpu.memory_space<vmem>>) dst(%dma_wait3A_224 : memref<120x128xf32, #tpu.memory_space<hbm>>)
      tpu.yield
    }) : () -> ()
    %dma_start3A_150 = arith.constant 1560 : i32
    %dma_start3A_151 = tpu.memref_slice %arg5[%dma_start3A_150] : memref<2160xi32, #tpu.memory_space<vmem>> -> memref<120xi32, #tpu.memory_space<vmem>>
    %dma_start3A_152 = arith.constant 0 : i32
    %dma_start3A_153 = arith.constant 0 : i32
    %dma_start3A_154 = tpu.memref_slice %arg2[%dma_start3A_152, %dma_start3A_153] : memref<69120x128xf32, #tpu.memory_space<hbm>> -> memref<69120x128xf32, #tpu.memory_space<hbm>>
    tpu.enqueue_indirect_dma source(%dma_start3A_154 : memref<69120x128xf32, #tpu.memory_space<hbm>>) target(%arg7 : memref<120x128xf32, #tpu.memory_space<vmem>>) offsets(%dma_start3A_151 : memref<120xi32, #tpu.memory_space<vmem>>) semaphore(%arg9 : memref<!tpu.dma_semaphore, #tpu.memory_space<semaphore_mem>>)
    %dma_wait3A_155 = arith.constant 1440 : i32
    %dma_wait3A_156 = tpu.memref_slice %arg5[%dma_wait3A_155] : memref<2160xi32, #tpu.memory_space<vmem>> -> memref<120xi32, #tpu.memory_space<vmem>>
    %dma_wait3A_157 = arith.constant 0 : i32
    %dma_wait3A_158 = arith.constant 0 : i32
    %dma_wait3A_159 = tpu.memref_slice %arg2[%dma_wait3A_157, %dma_wait3A_158] : memref<69120x128xf32, #tpu.memory_space<hbm>> -> memref<69120x128xf32, #tpu.memory_space<hbm>>
    tpu.wait_indirect_dma semaphore(%arg8 : memref<!tpu.dma_semaphore, #tpu.memory_space<semaphore_mem>>) src(%dma_wait3A_159 : memref<69120x128xf32, #tpu.memory_space<hbm>>) dst(%arg6 : memref<120x128xf32, #tpu.memory_space<vmem>>)
    %add3A_160 = arith.constant 1440 : i32
    %add3A_161 = arith.addi %mul3A_2, %add3A_160 : i32
    "tpu.region"() ({
      %run_scoped3A = tpu.sem_alloc : memref<!tpu.dma_semaphore, #tpu.memory_space<semaphore_mem>>
      %dma_start3A_217 = arith.constant 0 : i32
      %dma_start3A_218 = tpu.memref_slice %arg4[%add3A_161, %dma_start3A_217] : memref<69120x128xf32, #tpu.memory_space<hbm>> -> memref<120x128xf32, #tpu.memory_space<hbm>>
      %dma_start3A_219 = arith.constant 0 : i32
      %dma_start3A_220 = tpu.memref_slice %arg4[%add3A_161, %dma_start3A_219] : memref<69120x128xf32, #tpu.memory_space<hbm>> -> memref<120x128xf32, #tpu.memory_space<hbm>>
      tpu.enqueue_dma source(%arg6 : memref<120x128xf32, #tpu.memory_space<vmem>>) target(%dma_start3A_220 : memref<120x128xf32, #tpu.memory_space<hbm>>) target_semaphore(%run_scoped3A : memref<!tpu.dma_semaphore, #tpu.memory_space<semaphore_mem>>)
      %dma_wait3A_221 = arith.constant 0 : i32
      %dma_wait3A_222 = tpu.memref_slice %arg4[%add3A_161, %dma_wait3A_221] : memref<69120x128xf32, #tpu.memory_space<hbm>> -> memref<120x128xf32, #tpu.memory_space<hbm>>
      %dma_wait3A_223 = arith.constant 0 : i32
      %dma_wait3A_224 = tpu.memref_slice %arg4[%add3A_161, %dma_wait3A_223] : memref<69120x128xf32, #tpu.memory_space<hbm>> -> memref<120x128xf32, #tpu.memory_space<hbm>>
      tpu.wait_dma2 semaphore(%run_scoped3A : memref<!tpu.dma_semaphore, #tpu.memory_space<semaphore_mem>>) src(%arg6 : memref<120x128xf32, #tpu.memory_space<vmem>>) dst(%dma_wait3A_224 : memref<120x128xf32, #tpu.memory_space<hbm>>)
      tpu.yield
    }) : () -> ()
    %dma_start3A_162 = arith.constant 1680 : i32
    %dma_start3A_163 = tpu.memref_slice %arg5[%dma_start3A_162] : memref<2160xi32, #tpu.memory_space<vmem>> -> memref<120xi32, #tpu.memory_space<vmem>>
    %dma_start3A_164 = arith.constant 0 : i32
    %dma_start3A_165 = arith.constant 0 : i32
    %dma_start3A_166 = tpu.memref_slice %arg2[%dma_start3A_164, %dma_start3A_165] : memref<69120x128xf32, #tpu.memory_space<hbm>> -> memref<69120x128xf32, #tpu.memory_space<hbm>>
    tpu.enqueue_indirect_dma source(%dma_start3A_166 : memref<69120x128xf32, #tpu.memory_space<hbm>>) target(%arg6 : memref<120x128xf32, #tpu.memory_space<vmem>>) offsets(%dma_start3A_163 : memref<120xi32, #tpu.memory_space<vmem>>) semaphore(%arg8 : memref<!tpu.dma_semaphore, #tpu.memory_space<semaphore_mem>>)
    %dma_wait3A_167 = arith.constant 1560 : i32
    %dma_wait3A_168 = tpu.memref_slice %arg5[%dma_wait3A_167] : memref<2160xi32, #tpu.memory_space<vmem>> -> memref<120xi32, #tpu.memory_space<vmem>>
    %dma_wait3A_169 = arith.constant 0 : i32
    %dma_wait3A_170 = arith.constant 0 : i32
    %dma_wait3A_171 = tpu.memref_slice %arg2[%dma_wait3A_169, %dma_wait3A_170] : memref<69120x128xf32, #tpu.memory_space<hbm>> -> memref<69120x128xf32, #tpu.memory_space<hbm>>
    tpu.wait_indirect_dma semaphore(%arg9 : memref<!tpu.dma_semaphore, #tpu.memory_space<semaphore_mem>>) src(%dma_wait3A_171 : memref<69120x128xf32, #tpu.memory_space<hbm>>) dst(%arg7 : memref<120x128xf32, #tpu.memory_space<vmem>>)
    %add3A_172 = arith.constant 1560 : i32
    %add3A_173 = arith.addi %mul3A_2, %add3A_172 : i32
    "tpu.region"() ({
      %run_scoped3A = tpu.sem_alloc : memref<!tpu.dma_semaphore, #tpu.memory_space<semaphore_mem>>
      %dma_start3A_217 = arith.constant 0 : i32
      %dma_start3A_218 = tpu.memref_slice %arg4[%add3A_173, %dma_start3A_217] : memref<69120x128xf32, #tpu.memory_space<hbm>> -> memref<120x128xf32, #tpu.memory_space<hbm>>
      %dma_start3A_219 = arith.constant 0 : i32
      %dma_start3A_220 = tpu.memref_slice %arg4[%add3A_173, %dma_start3A_219] : memref<69120x128xf32, #tpu.memory_space<hbm>> -> memref<120x128xf32, #tpu.memory_space<hbm>>
      tpu.enqueue_dma source(%arg7 : memref<120x128xf32, #tpu.memory_space<vmem>>) target(%dma_start3A_220 : memref<120x128xf32, #tpu.memory_space<hbm>>) target_semaphore(%run_scoped3A : memref<!tpu.dma_semaphore, #tpu.memory_space<semaphore_mem>>)
      %dma_wait3A_221 = arith.constant 0 : i32
      %dma_wait3A_222 = tpu.memref_slice %arg4[%add3A_173, %dma_wait3A_221] : memref<69120x128xf32, #tpu.memory_space<hbm>> -> memref<120x128xf32, #tpu.memory_space<hbm>>
      %dma_wait3A_223 = arith.constant 0 : i32
      %dma_wait3A_224 = tpu.memref_slice %arg4[%add3A_173, %dma_wait3A_223] : memref<69120x128xf32, #tpu.memory_space<hbm>> -> memref<120x128xf32, #tpu.memory_space<hbm>>
      tpu.wait_dma2 semaphore(%run_scoped3A : memref<!tpu.dma_semaphore, #tpu.memory_space<semaphore_mem>>) src(%arg7 : memref<120x128xf32, #tpu.memory_space<vmem>>) dst(%dma_wait3A_224 : memref<120x128xf32, #tpu.memory_space<hbm>>)
      tpu.yield
    }) : () -> ()
    %dma_start3A_174 = arith.constant 1800 : i32
    %dma_start3A_175 = tpu.memref_slice %arg5[%dma_start3A_174] : memref<2160xi32, #tpu.memory_space<vmem>> -> memref<120xi32, #tpu.memory_space<vmem>>
    %dma_start3A_176 = arith.constant 0 : i32
    %dma_start3A_177 = arith.constant 0 : i32
    %dma_start3A_178 = tpu.memref_slice %arg2[%dma_start3A_176, %dma_start3A_177] : memref<69120x128xf32, #tpu.memory_space<hbm>> -> memref<69120x128xf32, #tpu.memory_space<hbm>>
    tpu.enqueue_indirect_dma source(%dma_start3A_178 : memref<69120x128xf32, #tpu.memory_space<hbm>>) target(%arg7 : memref<120x128xf32, #tpu.memory_space<vmem>>) offsets(%dma_start3A_175 : memref<120xi32, #tpu.memory_space<vmem>>) semaphore(%arg9 : memref<!tpu.dma_semaphore, #tpu.memory_space<semaphore_mem>>)
    %dma_wait3A_179 = arith.constant 1680 : i32
    %dma_wait3A_180 = tpu.memref_slice %arg5[%dma_wait3A_179] : memref<2160xi32, #tpu.memory_space<vmem>> -> memref<120xi32, #tpu.memory_space<vmem>>
    %dma_wait3A_181 = arith.constant 0 : i32
    %dma_wait3A_182 = arith.constant 0 : i32
    %dma_wait3A_183 = tpu.memref_slice %arg2[%dma_wait3A_181, %dma_wait3A_182] : memref<69120x128xf32, #tpu.memory_space<hbm>> -> memref<69120x128xf32, #tpu.memory_space<hbm>>
    tpu.wait_indirect_dma semaphore(%arg8 : memref<!tpu.dma_semaphore, #tpu.memory_space<semaphore_mem>>) src(%dma_wait3A_183 : memref<69120x128xf32, #tpu.memory_space<hbm>>) dst(%arg6 : memref<120x128xf32, #tpu.memory_space<vmem>>)
    %add3A_184 = arith.constant 1680 : i32
    %add3A_185 = arith.addi %mul3A_2, %add3A_184 : i32
    "tpu.region"() ({
      %run_scoped3A = tpu.sem_alloc : memref<!tpu.dma_semaphore, #tpu.memory_space<semaphore_mem>>
      %dma_start3A_217 = arith.constant 0 : i32
      %dma_start3A_218 = tpu.memref_slice %arg4[%add3A_185, %dma_start3A_217] : memref<69120x128xf32, #tpu.memory_space<hbm>> -> memref<120x128xf32, #tpu.memory_space<hbm>>
      %dma_start3A_219 = arith.constant 0 : i32
      %dma_start3A_220 = tpu.memref_slice %arg4[%add3A_185, %dma_start3A_219] : memref<69120x128xf32, #tpu.memory_space<hbm>> -> memref<120x128xf32, #tpu.memory_space<hbm>>
      tpu.enqueue_dma source(%arg6 : memref<120x128xf32, #tpu.memory_space<vmem>>) target(%dma_start3A_220 : memref<120x128xf32, #tpu.memory_space<hbm>>) target_semaphore(%run_scoped3A : memref<!tpu.dma_semaphore, #tpu.memory_space<semaphore_mem>>)
      %dma_wait3A_221 = arith.constant 0 : i32
      %dma_wait3A_222 = tpu.memref_slice %arg4[%add3A_185, %dma_wait3A_221] : memref<69120x128xf32, #tpu.memory_space<hbm>> -> memref<120x128xf32, #tpu.memory_space<hbm>>
      %dma_wait3A_223 = arith.constant 0 : i32
      %dma_wait3A_224 = tpu.memref_slice %arg4[%add3A_185, %dma_wait3A_223] : memref<69120x128xf32, #tpu.memory_space<hbm>> -> memref<120x128xf32, #tpu.memory_space<hbm>>
      tpu.wait_dma2 semaphore(%run_scoped3A : memref<!tpu.dma_semaphore, #tpu.memory_space<semaphore_mem>>) src(%arg6 : memref<120x128xf32, #tpu.memory_space<vmem>>) dst(%dma_wait3A_224 : memref<120x128xf32, #tpu.memory_space<hbm>>)
      tpu.yield
    }) : () -> ()
    %dma_start3A_186 = arith.constant 1920 : i32
    %dma_start3A_187 = tpu.memref_slice %arg5[%dma_start3A_186] : memref<2160xi32, #tpu.memory_space<vmem>> -> memref<120xi32, #tpu.memory_space<vmem>>
    %dma_start3A_188 = arith.constant 0 : i32
    %dma_start3A_189 = arith.constant 0 : i32
    %dma_start3A_190 = tpu.memref_slice %arg2[%dma_start3A_188, %dma_start3A_189] : memref<69120x128xf32, #tpu.memory_space<hbm>> -> memref<69120x128xf32, #tpu.memory_space<hbm>>
    tpu.enqueue_indirect_dma source(%dma_start3A_190 : memref<69120x128xf32, #tpu.memory_space<hbm>>) target(%arg6 : memref<120x128xf32, #tpu.memory_space<vmem>>) offsets(%dma_start3A_187 : memref<120xi32, #tpu.memory_space<vmem>>) semaphore(%arg8 : memref<!tpu.dma_semaphore, #tpu.memory_space<semaphore_mem>>)
    %dma_wait3A_191 = arith.constant 1800 : i32
    %dma_wait3A_192 = tpu.memref_slice %arg5[%dma_wait3A_191] : memref<2160xi32, #tpu.memory_space<vmem>> -> memref<120xi32, #tpu.memory_space<vmem>>
    %dma_wait3A_193 = arith.constant 0 : i32
    %dma_wait3A_194 = arith.constant 0 : i32
    %dma_wait3A_195 = tpu.memref_slice %arg2[%dma_wait3A_193, %dma_wait3A_194] : memref<69120x128xf32, #tpu.memory_space<hbm>> -> memref<69120x128xf32, #tpu.memory_space<hbm>>
    tpu.wait_indirect_dma semaphore(%arg9 : memref<!tpu.dma_semaphore, #tpu.memory_space<semaphore_mem>>) src(%dma_wait3A_195 : memref<69120x128xf32, #tpu.memory_space<hbm>>) dst(%arg7 : memref<120x128xf32, #tpu.memory_space<vmem>>)
    %add3A_196 = arith.constant 1800 : i32
    %add3A_197 = arith.addi %mul3A_2, %add3A_196 : i32
    "tpu.region"() ({
      %run_scoped3A = tpu.sem_alloc : memref<!tpu.dma_semaphore, #tpu.memory_space<semaphore_mem>>
      %dma_start3A_217 = arith.constant 0 : i32
      %dma_start3A_218 = tpu.memref_slice %arg4[%add3A_197, %dma_start3A_217] : memref<69120x128xf32, #tpu.memory_space<hbm>> -> memref<120x128xf32, #tpu.memory_space<hbm>>
      %dma_start3A_219 = arith.constant 0 : i32
      %dma_start3A_220 = tpu.memref_slice %arg4[%add3A_197, %dma_start3A_219] : memref<69120x128xf32, #tpu.memory_space<hbm>> -> memref<120x128xf32, #tpu.memory_space<hbm>>
      tpu.enqueue_dma source(%arg7 : memref<120x128xf32, #tpu.memory_space<vmem>>) target(%dma_start3A_220 : memref<120x128xf32, #tpu.memory_space<hbm>>) target_semaphore(%run_scoped3A : memref<!tpu.dma_semaphore, #tpu.memory_space<semaphore_mem>>)
      %dma_wait3A_221 = arith.constant 0 : i32
      %dma_wait3A_222 = tpu.memref_slice %arg4[%add3A_197, %dma_wait3A_221] : memref<69120x128xf32, #tpu.memory_space<hbm>> -> memref<120x128xf32, #tpu.memory_space<hbm>>
      %dma_wait3A_223 = arith.constant 0 : i32
      %dma_wait3A_224 = tpu.memref_slice %arg4[%add3A_197, %dma_wait3A_223] : memref<69120x128xf32, #tpu.memory_space<hbm>> -> memref<120x128xf32, #tpu.memory_space<hbm>>
      tpu.wait_dma2 semaphore(%run_scoped3A : memref<!tpu.dma_semaphore, #tpu.memory_space<semaphore_mem>>) src(%arg7 : memref<120x128xf32, #tpu.memory_space<vmem>>) dst(%dma_wait3A_224 : memref<120x128xf32, #tpu.memory_space<hbm>>)
      tpu.yield
    }) : () -> ()
    %dma_start3A_198 = arith.constant 2040 : i32
    %dma_start3A_199 = tpu.memref_slice %arg5[%dma_start3A_198] : memref<2160xi32, #tpu.memory_space<vmem>> -> memref<120xi32, #tpu.memory_space<vmem>>
    %dma_start3A_200 = arith.constant 0 : i32
    %dma_start3A_201 = arith.constant 0 : i32
    %dma_start3A_202 = tpu.memref_slice %arg2[%dma_start3A_200, %dma_start3A_201] : memref<69120x128xf32, #tpu.memory_space<hbm>> -> memref<69120x128xf32, #tpu.memory_space<hbm>>
    tpu.enqueue_indirect_dma source(%dma_start3A_202 : memref<69120x128xf32, #tpu.memory_space<hbm>>) target(%arg7 : memref<120x128xf32, #tpu.memory_space<vmem>>) offsets(%dma_start3A_199 : memref<120xi32, #tpu.memory_space<vmem>>) semaphore(%arg9 : memref<!tpu.dma_semaphore, #tpu.memory_space<semaphore_mem>>)
    %dma_wait3A_203 = arith.constant 1920 : i32
    %dma_wait3A_204 = tpu.memref_slice %arg5[%dma_wait3A_203] : memref<2160xi32, #tpu.memory_space<vmem>> -> memref<120xi32, #tpu.memory_space<vmem>>
    %dma_wait3A_205 = arith.constant 0 : i32
    %dma_wait3A_206 = arith.constant 0 : i32
    %dma_wait3A_207 = tpu.memref_slice %arg2[%dma_wait3A_205, %dma_wait3A_206] : memref<69120x128xf32, #tpu.memory_space<hbm>> -> memref<69120x128xf32, #tpu.memory_space<hbm>>
    tpu.wait_indirect_dma semaphore(%arg8 : memref<!tpu.dma_semaphore, #tpu.memory_space<semaphore_mem>>) src(%dma_wait3A_207 : memref<69120x128xf32, #tpu.memory_space<hbm>>) dst(%arg6 : memref<120x128xf32, #tpu.memory_space<vmem>>)
    %add3A_208 = arith.constant 1920 : i32
    %add3A_209 = arith.addi %mul3A_2, %add3A_208 : i32
    "tpu.region"() ({
      %run_scoped3A = tpu.sem_alloc : memref<!tpu.dma_semaphore, #tpu.memory_space<semaphore_mem>>
      %dma_start3A_217 = arith.constant 0 : i32
      %dma_start3A_218 = tpu.memref_slice %arg4[%add3A_209, %dma_start3A_217] : memref<69120x128xf32, #tpu.memory_space<hbm>> -> memref<120x128xf32, #tpu.memory_space<hbm>>
      %dma_start3A_219 = arith.constant 0 : i32
      %dma_start3A_220 = tpu.memref_slice %arg4[%add3A_209, %dma_start3A_219] : memref<69120x128xf32, #tpu.memory_space<hbm>> -> memref<120x128xf32, #tpu.memory_space<hbm>>
      tpu.enqueue_dma source(%arg6 : memref<120x128xf32, #tpu.memory_space<vmem>>) target(%dma_start3A_220 : memref<120x128xf32, #tpu.memory_space<hbm>>) target_semaphore(%run_scoped3A : memref<!tpu.dma_semaphore, #tpu.memory_space<semaphore_mem>>)
      %dma_wait3A_221 = arith.constant 0 : i32
      %dma_wait3A_222 = tpu.memref_slice %arg4[%add3A_209, %dma_wait3A_221] : memref<69120x128xf32, #tpu.memory_space<hbm>> -> memref<120x128xf32, #tpu.memory_space<hbm>>
      %dma_wait3A_223 = arith.constant 0 : i32
      %dma_wait3A_224 = tpu.memref_slice %arg4[%add3A_209, %dma_wait3A_223] : memref<69120x128xf32, #tpu.memory_space<hbm>> -> memref<120x128xf32, #tpu.memory_space<hbm>>
      tpu.wait_dma2 semaphore(%run_scoped3A : memref<!tpu.dma_semaphore, #tpu.memory_space<semaphore_mem>>) src(%arg6 : memref<120x128xf32, #tpu.memory_space<vmem>>) dst(%dma_wait3A_224 : memref<120x128xf32, #tpu.memory_space<hbm>>)
      tpu.yield
    }) : () -> ()
    %dma_wait3A_210 = arith.constant 2040 : i32
    %dma_wait3A_211 = tpu.memref_slice %arg5[%dma_wait3A_210] : memref<2160xi32, #tpu.memory_space<vmem>> -> memref<120xi32, #tpu.memory_space<vmem>>
    %dma_wait3A_212 = arith.constant 0 : i32
    %dma_wait3A_213 = arith.constant 0 : i32
    %dma_wait3A_214 = tpu.memref_slice %arg2[%dma_wait3A_212, %dma_wait3A_213] : memref<69120x128xf32, #tpu.memory_space<hbm>> -> memref<69120x128xf32, #tpu.memory_space<hbm>>
    tpu.wait_indirect_dma semaphore(%arg9 : memref<!tpu.dma_semaphore, #tpu.memory_space<semaphore_mem>>) src(%dma_wait3A_214 : memref<69120x128xf32, #tpu.memory_space<hbm>>) dst(%arg7 : memref<120x128xf32, #tpu.memory_space<vmem>>)
    %add3A_215 = arith.constant 2040 : i32
    %add3A_216 = arith.addi %mul3A_2, %add3A_215 : i32
    "tpu.region"() ({
      %run_scoped3A = tpu.sem_alloc : memref<!tpu.dma_semaphore, #tpu.memory_space<semaphore_mem>>
      %dma_start3A_217 = arith.constant 0 : i32
      %dma_start3A_218 = tpu.memref_slice %arg4[%add3A_216, %dma_start3A_217] : memref<69120x128xf32, #tpu.memory_space<hbm>> -> memref<120x128xf32, #tpu.memory_space<hbm>>
      %dma_start3A_219 = arith.constant 0 : i32
      %dma_start3A_220 = tpu.memref_slice %arg4[%add3A_216, %dma_start3A_219] : memref<69120x128xf32, #tpu.memory_space<hbm>> -> memref<120x128xf32, #tpu.memory_space<hbm>>
      tpu.enqueue_dma source(%arg7 : memref<120x128xf32, #tpu.memory_space<vmem>>) target(%dma_start3A_220 : memref<120x128xf32, #tpu.memory_space<hbm>>) target_semaphore(%run_scoped3A : memref<!tpu.dma_semaphore, #tpu.memory_space<semaphore_mem>>)
      %dma_wait3A_221 = arith.constant 0 : i32
      %dma_wait3A_222 = tpu.memref_slice %arg4[%add3A_216, %dma_wait3A_221] : memref<69120x128xf32, #tpu.memory_space<hbm>> -> memref<120x128xf32, #tpu.memory_space<hbm>>
      %dma_wait3A_223 = arith.constant 0 : i32
      %dma_wait3A_224 = tpu.memref_slice %arg4[%add3A_216, %dma_wait3A_223] : memref<69120x128xf32, #tpu.memory_space<hbm>> -> memref<120x128xf32, #tpu.memory_space<hbm>>
      tpu.wait_dma2 semaphore(%run_scoped3A : memref<!tpu.dma_semaphore, #tpu.memory_space<semaphore_mem>>) src(%arg7 : memref<120x128xf32, #tpu.memory_space<vmem>>) dst(%dma_wait3A_224 : memref<120x128xf32, #tpu.memory_space<hbm>>)
      tpu.yield
    }) : () -> ()
    return
  }
}

module attributes {stable_mosaic.version = 14 : i64} {
  func.func @_k1_body(%arg0: i32, %arg1: i32, %arg2: memref<1x90x4x3x90xf32, #tpu.memory_space<vmem>>, %arg3: memref<1x90x4x3x128xf32, #tpu.memory_space<vmem>>, %arg4: memref<3x128x128xf32, #tpu.memory_space<vmem>>, %arg5: memref<3x1x128xf32, #tpu.memory_space<vmem>>, %arg6: memref<3x1x1xf32, #tpu.memory_space<vmem>>, %arg7: memref<3x1x4x90x128xf32, #tpu.memory_space<vmem>>, %arg8: memref<3x8x128xf32, #tpu.memory_space<vmem>>, %arg9: memref<3x8x128xf32, #tpu.memory_space<vmem>>) attributes {dimension_semantics = [#tpu.dimension_semantics<arbitrary>, #tpu.dimension_semantics<arbitrary>], iteration_bounds = array<i64: 4, 16>, scalar_prefetch = 0 : i64, scratch_operands = 1 : i64, tpu.core_type = #tpu.core_type<tc>, window_params = [{transform_indices = @transform_0, window_bounds = array<i64: 1, 90, 4, 3, 90>}, {transform_indices = @transform_1, window_bounds = array<i64: 1, 90, 4, 3, 128>}, {pipeline_mode = #tpu.pipeline_mode<synchronous>, transform_indices = @transform_2, window_bounds = array<i64: 3, 128, 128>}, {pipeline_mode = #tpu.pipeline_mode<synchronous>, transform_indices = @transform_3, window_bounds = array<i64: 3, 1, 128>}, {pipeline_mode = #tpu.pipeline_mode<synchronous>, transform_indices = @transform_4, window_bounds = array<i64: 3, 1, 1>}, {transform_indices = @transform_5, window_bounds = array<i64: 3, 1, 4, 90, 128>}, {pipeline_mode = #tpu.pipeline_mode<synchronous>, transform_indices = @transform_6, window_bounds = array<i64: 3, 8, 128>}]} {
    %eq3A = arith.constant 0 : i32
    %eq3A_0 = arith.cmpi eq, %arg0, %eq3A : i32
    %eq3A_1 = arith.constant 0 : i32
    %eq3A_2 = arith.cmpi eq, %arg1, %eq3A_1 : i32
    %and3A = arith.andi %eq3A_0, %eq3A_2 : i1
    %convert_element_type3A = arith.extui %and3A : i1 to i32
    %cond3A = arith.constant 0 : i32
    %cond3A_3 = arith.cmpi ne, %convert_element_type3A, %cond3A : i32
    scf.if %cond3A_3 {
      %broadcast_in_dim3A_988 = arith.constant 0.000000e+00 : f32
      %broadcast_in_dim3A_989 = vector.broadcast %broadcast_in_dim3A_988 : f32 to vector<3x8x128xf32>
      %swap3A_990 = arith.constant 0 : index
      %swap3A_991 = arith.constant 0 : index
      %swap3A_992 = arith.constant 0 : index
      %swap3A_993 = vector.load %arg9[%swap3A_990, %swap3A_991, %swap3A_992] : memref<3x8x128xf32, #tpu.memory_space<vmem>>, vector<3x8x128xf32>
      tpu.vector_store %arg9[%swap3A_990, %swap3A_991, %swap3A_992], %broadcast_in_dim3A_989 {strides = array<i32>} : memref<3x8x128xf32, #tpu.memory_space<vmem>>, vector<3x8x128xf32>,
    } else {
    }
    %get3A = arith.constant 0 : index
    %get3A_4 = arith.constant 0 : index
    %get3A_5 = arith.constant 0 : index
    %get3A_6 = arith.constant 0 : index
    %get3A_7 = arith.constant 0 : index
    %get3A_8 = vector.load %arg2[%get3A, %get3A_4, %get3A_5, %get3A_6, %get3A_7] : memref<1x90x4x3x90xf32, #tpu.memory_space<vmem>>, vector<1x90x1x1x90xf32>
    %get3A_9 = vector.shape_cast %get3A_8 : vector<1x90x1x1x90xf32> to vector<90x90xf32>
    %ne3A = arith.constant 0.000000e+00 : f32
    %ne3A_10 = vector.broadcast %ne3A : f32 to vector<90x90xf32>
    %ne3A_11 = arith.cmpf one, %get3A_9, %ne3A_10 : vector<90x90xf32>
    %convert_element_type3A_12 = arith.extui %ne3A_11 : vector<90x90xi1> to vector<90x90xi32>
    %convert_element_type3A_13 = arith.sitofp %convert_element_type3A_12 : vector<90x90xi32> to vector<90x90xf32>
    %get3A_14 = arith.constant 0 : index
    %get3A_15 = arith.constant 0 : index
    %get3A_16 = arith.constant 0 : index
    %get3A_17 = arith.constant 0 : index
    %get3A_18 = arith.constant 0 : index
    %get3A_19 = vector.load %arg3[%get3A_14, %get3A_15, %get3A_16, %get3A_17, %get3A_18] : memref<1x90x4x3x128xf32, #tpu.memory_space<vmem>>, vector<1x90x1x1x128xf32>
    %get3A_20 = vector.shape_cast %get3A_19 : vector<1x90x1x1x128xf32> to vector<90x128xf32>
    %dot_general3A = arith.constant dense<0.000000e+00> : vector<90x128xf32>
    %dot_general3A_21 = tpu.matmul %convert_element_type3A_13, %get3A_20, %dot_general3A {dimension_numbers = #tpu.dot_dimension_numbers<[1], [0], [0], [1], [0, 0, 1, 1], [], []>, transpose_lhs_hint = false} : vector<90x90xf32>, vector<90x128xf32>, vector<90x128xf32> -> vector<90x128xf32>
    %get3A_22 = arith.constant 0 : index
    %get3A_23 = arith.constant 0 : index
    %get3A_24 = arith.constant 0 : index
    %get3A_25 = vector.load %arg6[%get3A_22, %get3A_23, %get3A_24] : memref<3x1x1xf32, #tpu.memory_space<vmem>>, vector<1x1x1xf32>
    %get3A_26 = vector.extract %get3A_25[0, 0, 0] : f32 from vector<1x1x1xf32>
    %mul3A = vector.broadcast %get3A_26 : f32 to vector<90x128xf32>
    %mul3A_27 = arith.mulf %mul3A, %get3A_20 : vector<90x128xf32>
    %add3A = arith.addf %dot_general3A_21, %mul3A_27 : vector<90x128xf32>
    %get3A_28 = arith.constant 0 : index
    %get3A_29 = arith.constant 0 : index
    %get3A_30 = arith.constant 0 : index
    %get3A_31 = vector.load %arg4[%get3A_28, %get3A_29, %get3A_30] : memref<3x128x128xf32, #tpu.memory_space<vmem>>, vector<1x128x128xf32>
    %get3A_32 = vector.shape_cast %get3A_31 : vector<1x128x128xf32> to vector<128x128xf32>
    %dot_general3A_33 = arith.constant dense<0.000000e+00> : vector<90x128xf32>
    %dot_general3A_34 = tpu.matmul %add3A, %get3A_32, %dot_general3A_33 {dimension_numbers = #tpu.dot_dimension_numbers<[1], [0], [0], [1], [0, 0, 1, 1], [], []>, transpose_lhs_hint = false} : vector<90x128xf32>, vector<128x128xf32>, vector<90x128xf32> -> vector<90x128xf32>
    %get3A_35 = arith.constant 0 : index
    %get3A_36 = arith.constant 0 : index
    %get3A_37 = arith.constant 0 : index
    %get3A_38 = vector.load %arg5[%get3A_35, %get3A_36, %get3A_37] : memref<3x1x128xf32, #tpu.memory_space<vmem>>, vector<1x1x128xf32>
    %get3A_39 = vector.shape_cast %get3A_38 : vector<1x1x128xf32> to vector<1x128xf32>
    %add3A_40 = vector.broadcast %get3A_39 : vector<1x128xf32> to vector<90x128xf32>
    %add3A_41 = arith.addf %dot_general3A_34, %add3A_40 : vector<90x128xf32>
    %swap3A = arith.constant 0 : index
    %swap3A_42 = arith.constant 0 : index
    %swap3A_43 = arith.constant 0 : index
    %swap3A_44 = arith.constant 0 : index
    %swap3A_45 = arith.constant 0 : index
    %swap3A_46 = vector.load %arg7[%swap3A, %swap3A_42, %swap3A_43, %swap3A_44, %swap3A_45] : memref<3x1x4x90x128xf32, #tpu.memory_space<vmem>>, vector<1x1x1x90x128xf32>
    %swap3A_47 = vector.shape_cast %swap3A_46 : vector<1x1x1x90x128xf32> to vector<90x128xf32>
    %swap3A_48 = vector.shape_cast %add3A_41 : vector<90x128xf32> to vector<1x1x1x90x128xf32>
    tpu.vector_store %arg7[%swap3A, %swap3A_42, %swap3A_43, %swap3A_44, %swap3A_45], %swap3A_48 {strides = array<i32>} : memref<3x1x4x90x128xf32, #tpu.memory_space<vmem>>, vector<1x1x1x90x128xf32>,
    %get3A_49 = arith.constant 0 : index
    %get3A_50 = arith.constant 0 : index
    %get3A_51 = arith.constant 0 : index
    %get3A_52 = vector.load %arg9[%get3A_49, %get3A_50, %get3A_51] : memref<3x8x128xf32, #tpu.memory_space<vmem>>, vector<1x1x128xf32>
    %get3A_53 = vector.shape_cast %get3A_52 : vector<1x1x128xf32> to vector<1x128xf32>
    %reduce_sum3A = arith.constant dense<0.000000e+00> : vector<128xf32>
    %reduce_sum3A_54 = vector.multi_reduction <add>, %add3A_41, %reduce_sum3A [0] : vector<90x128xf32> to vector<128xf32>
    %broadcast_in_dim3A = vector.shape_cast %reduce_sum3A_54 : vector<128xf32> to vector<1x128xf32>
    %add3A_55 = arith.addf %get3A_53, %broadcast_in_dim3A : vector<1x128xf32>
    %swap3A_56 = arith.constant 0 : index
    %swap3A_57 = arith.constant 0 : index
    %swap3A_58 = arith.constant 0 : index
    %swap3A_59 = vector.load %arg9[%swap3A_56, %swap3A_57, %swap3A_58] : memref<3x8x128xf32, #tpu.memory_space<vmem>>, vector<1x1x128xf32>
    %swap3A_60 = vector.shape_cast %swap3A_59 : vector<1x1x128xf32> to vector<1x128xf32>
    %swap3A_61 = vector.shape_cast %add3A_55 : vector<1x128xf32> to vector<1x1x128xf32>
    tpu.vector_store %arg9[%swap3A_56, %swap3A_57, %swap3A_58], %swap3A_61 {strides = array<i32>} : memref<3x8x128xf32, #tpu.memory_space<vmem>>, vector<1x1x128xf32>,
    %get3A_62 = arith.constant 0 : index
    %get3A_63 = arith.constant 1 : index
    %get3A_64 = arith.constant 0 : index
    %get3A_65 = vector.load %arg9[%get3A_62, %get3A_63, %get3A_64] : memref<3x8x128xf32, #tpu.memory_space<vmem>>, vector<1x1x128xf32>
    %get3A_66 = vector.shape_cast %get3A_65 : vector<1x1x128xf32> to vector<1x128xf32>
    %mul3A_67 = arith.mulf %add3A_41, %add3A_41 : vector<90x128xf32>
    %reduce_sum3A_68 = arith.constant dense<0.000000e+00> : vector<128xf32>
    %reduce_sum3A_69 = vector.multi_reduction <add>, %mul3A_67, %reduce_sum3A_68 [0] : vector<90x128xf32> to vector<128xf32>
    %broadcast_in_dim3A_70 = vector.shape_cast %reduce_sum3A_69 : vector<128xf32> to vector<1x128xf32>
    %add3A_71 = arith.addf %get3A_66, %broadcast_in_dim3A_70 : vector<1x128xf32>
    %swap3A_72 = arith.constant 0 : index
    %swap3A_73 = arith.constant 1 : index
    %swap3A_74 = arith.constant 0 : index
    %swap3A_75 = vector.load %arg9[%swap3A_72, %swap3A_73, %swap3A_74] : memref<3x8x128xf32, #tpu.memory_space<vmem>>, vector<1x1x128xf32>
    %swap3A_76 = vector.shape_cast %swap3A_75 : vector<1x1x128xf32> to vector<1x128xf32>
    %swap3A_77 = vector.shape_cast %add3A_71 : vector<1x128xf32> to vector<1x1x128xf32>
    tpu.vector_store %arg9[%swap3A_72, %swap3A_73, %swap3A_74], %swap3A_77 {strides = array<i32>} : memref<3x8x128xf32, #tpu.memory_space<vmem>>, vector<1x1x128xf32>,
    %get3A_78 = arith.constant 0 : index
    %get3A_79 = arith.constant 0 : index
    %get3A_80 = arith.constant 0 : index
    %get3A_81 = arith.constant 1 : index
    %get3A_82 = arith.constant 0 : index
    %get3A_83 = vector.load %arg2[%get3A_78, %get3A_79, %get3A_80, %get3A_81, %get3A_82] : memref<1x90x4x3x90xf32, #tpu.memory_space<vmem>>, vector<1x90x1x1x90xf32>
    %get3A_84 = vector.shape_cast %get3A_83 : vector<1x90x1x1x90xf32> to vector<90x90xf32>
    %ne3A_85 = arith.constant 0.000000e+00 : f32
    %ne3A_86 = vector.broadcast %ne3A_85 : f32 to vector<90x90xf32>
    %ne3A_87 = arith.cmpf one, %get3A_84, %ne3A_86 : vector<90x90xf32>
    %convert_element_type3A_88 = arith.extui %ne3A_87 : vector<90x90xi1> to vector<90x90xi32>
    %convert_element_type3A_89 = arith.sitofp %convert_element_type3A_88 : vector<90x90xi32> to vector<90x90xf32>
    %get3A_90 = arith.constant 0 : index
    %get3A_91 = arith.constant 0 : index
    %get3A_92 = arith.constant 0 : index
    %get3A_93 = arith.constant 1 : index
    %get3A_94 = arith.constant 0 : index
    %get3A_95 = vector.load %arg3[%get3A_90, %get3A_91, %get3A_92, %get3A_93, %get3A_94] : memref<1x90x4x3x128xf32, #tpu.memory_space<vmem>>, vector<1x90x1x1x128xf32>
    %get3A_96 = vector.shape_cast %get3A_95 : vector<1x90x1x1x128xf32> to vector<90x128xf32>
    %dot_general3A_97 = arith.constant dense<0.000000e+00> : vector<90x128xf32>
    %dot_general3A_98 = tpu.matmul %convert_element_type3A_89, %get3A_96, %dot_general3A_97 {dimension_numbers = #tpu.dot_dimension_numbers<[1], [0], [0], [1], [0, 0, 1, 1], [], []>, transpose_lhs_hint = false} : vector<90x90xf32>, vector<90x128xf32>, vector<90x128xf32> -> vector<90x128xf32>
    %get3A_99 = arith.constant 1 : index
    %get3A_100 = arith.constant 0 : index
    %get3A_101 = arith.constant 0 : index
    %get3A_102 = vector.load %arg6[%get3A_99, %get3A_100, %get3A_101] : memref<3x1x1xf32, #tpu.memory_space<vmem>>, vector<1x1x1xf32>
    %get3A_103 = vector.extract %get3A_102[0, 0, 0] : f32 from vector<1x1x1xf32>
    %mul3A_104 = vector.broadcast %get3A_103 : f32 to vector<90x128xf32>
    %mul3A_105 = arith.mulf %mul3A_104, %get3A_96 : vector<90x128xf32>
    %add3A_106 = arith.addf %dot_general3A_98, %mul3A_105 : vector<90x128xf32>
    %get3A_107 = arith.constant 1 : index
    %get3A_108 = arith.constant 0 : index
    %get3A_109 = arith.constant 0 : index
    %get3A_110 = vector.load %arg4[%get3A_107, %get3A_108, %get3A_109] : memref<3x128x128xf32, #tpu.memory_space<vmem>>, vector<1x128x128xf32>
    %get3A_111 = vector.shape_cast %get3A_110 : vector<1x128x128xf32> to vector<128x128xf32>
    %dot_general3A_112 = arith.constant dense<0.000000e+00> : vector<90x128xf32>
    %dot_general3A_113 = tpu.matmul %add3A_106, %get3A_111, %dot_general3A_112 {dimension_numbers = #tpu.dot_dimension_numbers<[1], [0], [0], [1], [0, 0, 1, 1], [], []>, transpose_lhs_hint = false} : vector<90x128xf32>, vector<128x128xf32>, vector<90x128xf32> -> vector<90x128xf32>
    %get3A_114 = arith.constant 1 : index
    %get3A_115 = arith.constant 0 : index
    %get3A_116 = arith.constant 0 : index
    %get3A_117 = vector.load %arg5[%get3A_114, %get3A_115, %get3A_116] : memref<3x1x128xf32, #tpu.memory_space<vmem>>, vector<1x1x128xf32>
    %get3A_118 = vector.shape_cast %get3A_117 : vector<1x1x128xf32> to vector<1x128xf32>
    %add3A_119 = vector.broadcast %get3A_118 : vector<1x128xf32> to vector<90x128xf32>
    %add3A_120 = arith.addf %dot_general3A_113, %add3A_119 : vector<90x128xf32>
    %swap3A_121 = arith.constant 1 : index
    %swap3A_122 = arith.constant 0 : index
    %swap3A_123 = arith.constant 0 : index
    %swap3A_124 = arith.constant 0 : index
    %swap3A_125 = arith.constant 0 : index
    %swap3A_126 = vector.load %arg7[%swap3A_121, %swap3A_122, %swap3A_123, %swap3A_124, %swap3A_125] : memref<3x1x4x90x128xf32, #tpu.memory_space<vmem>>, vector<1x1x1x90x128xf32>
    %swap3A_127 = vector.shape_cast %swap3A_126 : vector<1x1x1x90x128xf32> to vector<90x128xf32>
    %swap3A_128 = vector.shape_cast %add3A_120 : vector<90x128xf32> to vector<1x1x1x90x128xf32>
    tpu.vector_store %arg7[%swap3A_121, %swap3A_122, %swap3A_123, %swap3A_124, %swap3A_125], %swap3A_128 {strides = array<i32>} : memref<3x1x4x90x128xf32, #tpu.memory_space<vmem>>, vector<1x1x1x90x128xf32>,
    %get3A_129 = arith.constant 1 : index
    %get3A_130 = arith.constant 0 : index
    %get3A_131 = arith.constant 0 : index
    %get3A_132 = vector.load %arg9[%get3A_129, %get3A_130, %get3A_131] : memref<3x8x128xf32, #tpu.memory_space<vmem>>, vector<1x1x128xf32>
    %get3A_133 = vector.shape_cast %get3A_132 : vector<1x1x128xf32> to vector<1x128xf32>
    %reduce_sum3A_134 = arith.constant dense<0.000000e+00> : vector<128xf32>
    %reduce_sum3A_135 = vector.multi_reduction <add>, %add3A_120, %reduce_sum3A_134 [0] : vector<90x128xf32> to vector<128xf32>
    %broadcast_in_dim3A_136 = vector.shape_cast %reduce_sum3A_135 : vector<128xf32> to vector<1x128xf32>
    %add3A_137 = arith.addf %get3A_133, %broadcast_in_dim3A_136 : vector<1x128xf32>
    %swap3A_138 = arith.constant 1 : index
    %swap3A_139 = arith.constant 0 : index
    %swap3A_140 = arith.constant 0 : index
    %swap3A_141 = vector.load %arg9[%swap3A_138, %swap3A_139, %swap3A_140] : memref<3x8x128xf32, #tpu.memory_space<vmem>>, vector<1x1x128xf32>
    %swap3A_142 = vector.shape_cast %swap3A_141 : vector<1x1x128xf32> to vector<1x128xf32>
    %swap3A_143 = vector.shape_cast %add3A_137 : vector<1x128xf32> to vector<1x1x128xf32>
    tpu.vector_store %arg9[%swap3A_138, %swap3A_139, %swap3A_140], %swap3A_143 {strides = array<i32>} : memref<3x8x128xf32, #tpu.memory_space<vmem>>, vector<1x1x128xf32>,
    %get3A_144 = arith.constant 1 : index
    %get3A_145 = arith.constant 1 : index
    %get3A_146 = arith.constant 0 : index
    %get3A_147 = vector.load %arg9[%get3A_144, %get3A_145, %get3A_146] : memref<3x8x128xf32, #tpu.memory_space<vmem>>, vector<1x1x128xf32>
    %get3A_148 = vector.shape_cast %get3A_147 : vector<1x1x128xf32> to vector<1x128xf32>
    %mul3A_149 = arith.mulf %add3A_120, %add3A_120 : vector<90x128xf32>
    %reduce_sum3A_150 = arith.constant dense<0.000000e+00> : vector<128xf32>
    %reduce_sum3A_151 = vector.multi_reduction <add>, %mul3A_149, %reduce_sum3A_150 [0] : vector<90x128xf32> to vector<128xf32>
    %broadcast_in_dim3A_152 = vector.shape_cast %reduce_sum3A_151 : vector<128xf32> to vector<1x128xf32>
    %add3A_153 = arith.addf %get3A_148, %broadcast_in_dim3A_152 : vector<1x128xf32>
    %swap3A_154 = arith.constant 1 : index
    %swap3A_155 = arith.constant 1 : index
    %swap3A_156 = arith.constant 0 : index
    %swap3A_157 = vector.load %arg9[%swap3A_154, %swap3A_155, %swap3A_156] : memref<3x8x128xf32, #tpu.memory_space<vmem>>, vector<1x1x128xf32>
    %swap3A_158 = vector.shape_cast %swap3A_157 : vector<1x1x128xf32> to vector<1x128xf32>
    %swap3A_159 = vector.shape_cast %add3A_153 : vector<1x128xf32> to vector<1x1x128xf32>
    tpu.vector_store %arg9[%swap3A_154, %swap3A_155, %swap3A_156], %swap3A_159 {strides = array<i32>} : memref<3x8x128xf32, #tpu.memory_space<vmem>>, vector<1x1x128xf32>,
    %get3A_160 = arith.constant 0 : index
    %get3A_161 = arith.constant 0 : index
    %get3A_162 = arith.constant 0 : index
    %get3A_163 = arith.constant 2 : index
    %get3A_164 = arith.constant 0 : index
    %get3A_165 = vector.load %arg2[%get3A_160, %get3A_161, %get3A_162, %get3A_163, %get3A_164] : memref<1x90x4x3x90xf32, #tpu.memory_space<vmem>>, vector<1x90x1x1x90xf32>
    %get3A_166 = vector.shape_cast %get3A_165 : vector<1x90x1x1x90xf32> to vector<90x90xf32>
    %ne3A_167 = arith.constant 0.000000e+00 : f32
    %ne3A_168 = vector.broadcast %ne3A_167 : f32 to vector<90x90xf32>
    %ne3A_169 = arith.cmpf one, %get3A_166, %ne3A_168 : vector<90x90xf32>
    %convert_element_type3A_170 = arith.extui %ne3A_169 : vector<90x90xi1> to vector<90x90xi32>
    %convert_element_type3A_171 = arith.sitofp %convert_element_type3A_170 : vector<90x90xi32> to vector<90x90xf32>
    %get3A_172 = arith.constant 0 : index
    %get3A_173 = arith.constant 0 : index
    %get3A_174 = arith.constant 0 : index
    %get3A_175 = arith.constant 2 : index
    %get3A_176 = arith.constant 0 : index
    %get3A_177 = vector.load %arg3[%get3A_172, %get3A_173, %get3A_174, %get3A_175, %get3A_176] : memref<1x90x4x3x128xf32, #tpu.memory_space<vmem>>, vector<1x90x1x1x128xf32>
    %get3A_178 = vector.shape_cast %get3A_177 : vector<1x90x1x1x128xf32> to vector<90x128xf32>
    %dot_general3A_179 = arith.constant dense<0.000000e+00> : vector<90x128xf32>
    %dot_general3A_180 = tpu.matmul %convert_element_type3A_171, %get3A_178, %dot_general3A_179 {dimension_numbers = #tpu.dot_dimension_numbers<[1], [0], [0], [1], [0, 0, 1, 1], [], []>, transpose_lhs_hint = false} : vector<90x90xf32>, vector<90x128xf32>, vector<90x128xf32> -> vector<90x128xf32>
    %get3A_181 = arith.constant 2 : index
    %get3A_182 = arith.constant 0 : index
    %get3A_183 = arith.constant 0 : index
    %get3A_184 = vector.load %arg6[%get3A_181, %get3A_182, %get3A_183] : memref<3x1x1xf32, #tpu.memory_space<vmem>>, vector<1x1x1xf32>
    %get3A_185 = vector.extract %get3A_184[0, 0, 0] : f32 from vector<1x1x1xf32>
    %mul3A_186 = vector.broadcast %get3A_185 : f32 to vector<90x128xf32>
    %mul3A_187 = arith.mulf %mul3A_186, %get3A_178 : vector<90x128xf32>
    %add3A_188 = arith.addf %dot_general3A_180, %mul3A_187 : vector<90x128xf32>
    %get3A_189 = arith.constant 2 : index
    %get3A_190 = arith.constant 0 : index
    %get3A_191 = arith.constant 0 : index
    %get3A_192 = vector.load %arg4[%get3A_189, %get3A_190, %get3A_191] : memref<3x128x128xf32, #tpu.memory_space<vmem>>, vector<1x128x128xf32>
    %get3A_193 = vector.shape_cast %get3A_192 : vector<1x128x128xf32> to vector<128x128xf32>
    %dot_general3A_194 = arith.constant dense<0.000000e+00> : vector<90x128xf32>
    %dot_general3A_195 = tpu.matmul %add3A_188, %get3A_193, %dot_general3A_194 {dimension_numbers = #tpu.dot_dimension_numbers<[1], [0], [0], [1], [0, 0, 1, 1], [], []>, transpose_lhs_hint = false} : vector<90x128xf32>, vector<128x128xf32>, vector<90x128xf32> -> vector<90x128xf32>
    %get3A_196 = arith.constant 2 : index
    %get3A_197 = arith.constant 0 : index
    %get3A_198 = arith.constant 0 : index
    %get3A_199 = vector.load %arg5[%get3A_196, %get3A_197, %get3A_198] : memref<3x1x128xf32, #tpu.memory_space<vmem>>, vector<1x1x128xf32>
    %get3A_200 = vector.shape_cast %get3A_199 : vector<1x1x128xf32> to vector<1x128xf32>
    %add3A_201 = vector.broadcast %get3A_200 : vector<1x128xf32> to vector<90x128xf32>
    %add3A_202 = arith.addf %dot_general3A_195, %add3A_201 : vector<90x128xf32>
    %swap3A_203 = arith.constant 2 : index
    %swap3A_204 = arith.constant 0 : index
    %swap3A_205 = arith.constant 0 : index
    %swap3A_206 = arith.constant 0 : index
    %swap3A_207 = arith.constant 0 : index
    %swap3A_208 = vector.load %arg7[%swap3A_203, %swap3A_204, %swap3A_205, %swap3A_206, %swap3A_207] : memref<3x1x4x90x128xf32, #tpu.memory_space<vmem>>, vector<1x1x1x90x128xf32>
    %swap3A_209 = vector.shape_cast %swap3A_208 : vector<1x1x1x90x128xf32> to vector<90x128xf32>
    %swap3A_210 = vector.shape_cast %add3A_202 : vector<90x128xf32> to vector<1x1x1x90x128xf32>
    tpu.vector_store %arg7[%swap3A_203, %swap3A_204, %swap3A_205, %swap3A_206, %swap3A_207], %swap3A_210 {strides = array<i32>} : memref<3x1x4x90x128xf32, #tpu.memory_space<vmem>>, vector<1x1x1x90x128xf32>,
    %get3A_211 = arith.constant 2 : index
    %get3A_212 = arith.constant 0 : index
    %get3A_213 = arith.constant 0 : index
    %get3A_214 = vector.load %arg9[%get3A_211, %get3A_212, %get3A_213] : memref<3x8x128xf32, #tpu.memory_space<vmem>>, vector<1x1x128xf32>
    %get3A_215 = vector.shape_cast %get3A_214 : vector<1x1x128xf32> to vector<1x128xf32>
    %reduce_sum3A_216 = arith.constant dense<0.000000e+00> : vector<128xf32>
    %reduce_sum3A_217 = vector.multi_reduction <add>, %add3A_202, %reduce_sum3A_216 [0] : vector<90x128xf32> to vector<128xf32>
    %broadcast_in_dim3A_218 = vector.shape_cast %reduce_sum3A_217 : vector<128xf32> to vector<1x128xf32>
    %add3A_219 = arith.addf %get3A_215, %broadcast_in_dim3A_218 : vector<1x128xf32>
    %swap3A_220 = arith.constant 2 : index
    %swap3A_221 = arith.constant 0 : index
    %swap3A_222 = arith.constant 0 : index
    %swap3A_223 = vector.load %arg9[%swap3A_220, %swap3A_221, %swap3A_222] : memref<3x8x128xf32, #tpu.memory_space<vmem>>, vector<1x1x128xf32>
    %swap3A_224 = vector.shape_cast %swap3A_223 : vector<1x1x128xf32> to vector<1x128xf32>
    %swap3A_225 = vector.shape_cast %add3A_219 : vector<1x128xf32> to vector<1x1x128xf32>
    tpu.vector_store %arg9[%swap3A_220, %swap3A_221, %swap3A_222], %swap3A_225 {strides = array<i32>} : memref<3x8x128xf32, #tpu.memory_space<vmem>>, vector<1x1x128xf32>,
    %get3A_226 = arith.constant 2 : index
    %get3A_227 = arith.constant 1 : index
    %get3A_228 = arith.constant 0 : index
    %get3A_229 = vector.load %arg9[%get3A_226, %get3A_227, %get3A_228] : memref<3x8x128xf32, #tpu.memory_space<vmem>>, vector<1x1x128xf32>
    %get3A_230 = vector.shape_cast %get3A_229 : vector<1x1x128xf32> to vector<1x128xf32>
    %mul3A_231 = arith.mulf %add3A_202, %add3A_202 : vector<90x128xf32>
    %reduce_sum3A_232 = arith.constant dense<0.000000e+00> : vector<128xf32>
    %reduce_sum3A_233 = vector.multi_reduction <add>, %mul3A_231, %reduce_sum3A_232 [0] : vector<90x128xf32> to vector<128xf32>
    %broadcast_in_dim3A_234 = vector.shape_cast %reduce_sum3A_233 : vector<128xf32> to vector<1x128xf32>
    %add3A_235 = arith.addf %get3A_230, %broadcast_in_dim3A_234 : vector<1x128xf32>
    %swap3A_236 = arith.constant 2 : index
    %swap3A_237 = arith.constant 1 : index
    %swap3A_238 = arith.constant 0 : index
    %swap3A_239 = vector.load %arg9[%swap3A_236, %swap3A_237, %swap3A_238] : memref<3x8x128xf32, #tpu.memory_space<vmem>>, vector<1x1x128xf32>
    %swap3A_240 = vector.shape_cast %swap3A_239 : vector<1x1x128xf32> to vector<1x128xf32>
    %swap3A_241 = vector.shape_cast %add3A_235 : vector<1x128xf32> to vector<1x1x128xf32>
    tpu.vector_store %arg9[%swap3A_236, %swap3A_237, %swap3A_238], %swap3A_241 {strides = array<i32>} : memref<3x8x128xf32, #tpu.memory_space<vmem>>, vector<1x1x128xf32>,
    %get3A_242 = arith.constant 0 : index
    %get3A_243 = arith.constant 0 : index
    %get3A_244 = arith.constant 1 : index
    %get3A_245 = arith.constant 0 : index
    %get3A_246 = arith.constant 0 : index
    %get3A_247 = vector.load %arg2[%get3A_242, %get3A_243, %get3A_244, %get3A_245, %get3A_246] : memref<1x90x4x3x90xf32, #tpu.memory_space<vmem>>, vector<1x90x1x1x90xf32>
    %get3A_248 = vector.shape_cast %get3A_247 : vector<1x90x1x1x90xf32> to vector<90x90xf32>
    %ne3A_249 = arith.constant 0.000000e+00 : f32
    %ne3A_250 = vector.broadcast %ne3A_249 : f32 to vector<90x90xf32>
    %ne3A_251 = arith.cmpf one, %get3A_248, %ne3A_250 : vector<90x90xf32>
    %convert_element_type3A_252 = arith.extui %ne3A_251 : vector<90x90xi1> to vector<90x90xi32>
    %convert_element_type3A_253 = arith.sitofp %convert_element_type3A_252 : vector<90x90xi32> to vector<90x90xf32>
    %get3A_254 = arith.constant 0 : index
    %get3A_255 = arith.constant 0 : index
    %get3A_256 = arith.constant 1 : index
    %get3A_257 = arith.constant 0 : index
    %get3A_258 = arith.constant 0 : index
    %get3A_259 = vector.load %arg3[%get3A_254, %get3A_255, %get3A_256, %get3A_257, %get3A_258] : memref<1x90x4x3x128xf32, #tpu.memory_space<vmem>>, vector<1x90x1x1x128xf32>
    %get3A_260 = vector.shape_cast %get3A_259 : vector<1x90x1x1x128xf32> to vector<90x128xf32>
    %dot_general3A_261 = arith.constant dense<0.000000e+00> : vector<90x128xf32>
    %dot_general3A_262 = tpu.matmul %convert_element_type3A_253, %get3A_260, %dot_general3A_261 {dimension_numbers = #tpu.dot_dimension_numbers<[1], [0], [0], [1], [0, 0, 1, 1], [], []>, transpose_lhs_hint = false} : vector<90x90xf32>, vector<90x128xf32>, vector<90x128xf32> -> vector<90x128xf32>
    %get3A_263 = arith.constant 0 : index
    %get3A_264 = arith.constant 0 : index
    %get3A_265 = arith.constant 0 : index
    %get3A_266 = vector.load %arg6[%get3A_263, %get3A_264, %get3A_265] : memref<3x1x1xf32, #tpu.memory_space<vmem>>, vector<1x1x1xf32>
    %get3A_267 = vector.extract %get3A_266[0, 0, 0] : f32 from vector<1x1x1xf32>
    %mul3A_268 = vector.broadcast %get3A_267 : f32 to vector<90x128xf32>
    %mul3A_269 = arith.mulf %mul3A_268, %get3A_260 : vector<90x128xf32>
    %add3A_270 = arith.addf %dot_general3A_262, %mul3A_269 : vector<90x128xf32>
    %get3A_271 = arith.constant 0 : index
    %get3A_272 = arith.constant 0 : index
    %get3A_273 = arith.constant 0 : index
    %get3A_274 = vector.load %arg4[%get3A_271, %get3A_272, %get3A_273] : memref<3x128x128xf32, #tpu.memory_space<vmem>>, vector<1x128x128xf32>
    %get3A_275 = vector.shape_cast %get3A_274 : vector<1x128x128xf32> to vector<128x128xf32>
    %dot_general3A_276 = arith.constant dense<0.000000e+00> : vector<90x128xf32>
    %dot_general3A_277 = tpu.matmul %add3A_270, %get3A_275, %dot_general3A_276 {dimension_numbers = #tpu.dot_dimension_numbers<[1], [0], [0], [1], [0, 0, 1, 1], [], []>, transpose_lhs_hint = false} : vector<90x128xf32>, vector<128x128xf32>, vector<90x128xf32> -> vector<90x128xf32>
    %get3A_278 = arith.constant 0 : index
    %get3A_279 = arith.constant 0 : index
    %get3A_280 = arith.constant 0 : index
    %get3A_281 = vector.load %arg5[%get3A_278, %get3A_279, %get3A_280] : memref<3x1x128xf32, #tpu.memory_space<vmem>>, vector<1x1x128xf32>
    %get3A_282 = vector.shape_cast %get3A_281 : vector<1x1x128xf32> to vector<1x128xf32>
    %add3A_283 = vector.broadcast %get3A_282 : vector<1x128xf32> to vector<90x128xf32>
    %add3A_284 = arith.addf %dot_general3A_277, %add3A_283 : vector<90x128xf32>
    %swap3A_285 = arith.constant 0 : index
    %swap3A_286 = arith.constant 0 : index
    %swap3A_287 = arith.constant 1 : index
    %swap3A_288 = arith.constant 0 : index
    %swap3A_289 = arith.constant 0 : index
    %swap3A_290 = vector.load %arg7[%swap3A_285, %swap3A_286, %swap3A_287, %swap3A_288, %swap3A_289] : memref<3x1x4x90x128xf32, #tpu.memory_space<vmem>>, vector<1x1x1x90x128xf32>
    %swap3A_291 = vector.shape_cast %swap3A_290 : vector<1x1x1x90x128xf32> to vector<90x128xf32>
    %swap3A_292 = vector.shape_cast %add3A_284 : vector<90x128xf32> to vector<1x1x1x90x128xf32>
    tpu.vector_store %arg7[%swap3A_285, %swap3A_286, %swap3A_287, %swap3A_288, %swap3A_289], %swap3A_292 {strides = array<i32>} : memref<3x1x4x90x128xf32, #tpu.memory_space<vmem>>, vector<1x1x1x90x128xf32>,
    %get3A_293 = arith.constant 0 : index
    %get3A_294 = arith.constant 0 : index
    %get3A_295 = arith.constant 0 : index
    %get3A_296 = vector.load %arg9[%get3A_293, %get3A_294, %get3A_295] : memref<3x8x128xf32, #tpu.memory_space<vmem>>, vector<1x1x128xf32>
    %get3A_297 = vector.shape_cast %get3A_296 : vector<1x1x128xf32> to vector<1x128xf32>
    %reduce_sum3A_298 = arith.constant dense<0.000000e+00> : vector<128xf32>
    %reduce_sum3A_299 = vector.multi_reduction <add>, %add3A_284, %reduce_sum3A_298 [0] : vector<90x128xf32> to vector<128xf32>
    %broadcast_in_dim3A_300 = vector.shape_cast %reduce_sum3A_299 : vector<128xf32> to vector<1x128xf32>
    %add3A_301 = arith.addf %get3A_297, %broadcast_in_dim3A_300 : vector<1x128xf32>
    %swap3A_302 = arith.constant 0 : index
    %swap3A_303 = arith.constant 0 : index
    %swap3A_304 = arith.constant 0 : index
    %swap3A_305 = vector.load %arg9[%swap3A_302, %swap3A_303, %swap3A_304] : memref<3x8x128xf32, #tpu.memory_space<vmem>>, vector<1x1x128xf32>
    %swap3A_306 = vector.shape_cast %swap3A_305 : vector<1x1x128xf32> to vector<1x128xf32>
    %swap3A_307 = vector.shape_cast %add3A_301 : vector<1x128xf32> to vector<1x1x128xf32>
    tpu.vector_store %arg9[%swap3A_302, %swap3A_303, %swap3A_304], %swap3A_307 {strides = array<i32>} : memref<3x8x128xf32, #tpu.memory_space<vmem>>, vector<1x1x128xf32>,
    %get3A_308 = arith.constant 0 : index
    %get3A_309 = arith.constant 1 : index
    %get3A_310 = arith.constant 0 : index
    %get3A_311 = vector.load %arg9[%get3A_308, %get3A_309, %get3A_310] : memref<3x8x128xf32, #tpu.memory_space<vmem>>, vector<1x1x128xf32>
    %get3A_312 = vector.shape_cast %get3A_311 : vector<1x1x128xf32> to vector<1x128xf32>
    %mul3A_313 = arith.mulf %add3A_284, %add3A_284 : vector<90x128xf32>
    %reduce_sum3A_314 = arith.constant dense<0.000000e+00> : vector<128xf32>
    %reduce_sum3A_315 = vector.multi_reduction <add>, %mul3A_313, %reduce_sum3A_314 [0] : vector<90x128xf32> to vector<128xf32>
    %broadcast_in_dim3A_316 = vector.shape_cast %reduce_sum3A_315 : vector<128xf32> to vector<1x128xf32>
    %add3A_317 = arith.addf %get3A_312, %broadcast_in_dim3A_316 : vector<1x128xf32>
    %swap3A_318 = arith.constant 0 : index
    %swap3A_319 = arith.constant 1 : index
    %swap3A_320 = arith.constant 0 : index
    %swap3A_321 = vector.load %arg9[%swap3A_318, %swap3A_319, %swap3A_320] : memref<3x8x128xf32, #tpu.memory_space<vmem>>, vector<1x1x128xf32>
    %swap3A_322 = vector.shape_cast %swap3A_321 : vector<1x1x128xf32> to vector<1x128xf32>
    %swap3A_323 = vector.shape_cast %add3A_317 : vector<1x128xf32> to vector<1x1x128xf32>
    tpu.vector_store %arg9[%swap3A_318, %swap3A_319, %swap3A_320], %swap3A_323 {strides = array<i32>} : memref<3x8x128xf32, #tpu.memory_space<vmem>>, vector<1x1x128xf32>,
    %get3A_324 = arith.constant 0 : index
    %get3A_325 = arith.constant 0 : index
    %get3A_326 = arith.constant 1 : index
    %get3A_327 = arith.constant 1 : index
    %get3A_328 = arith.constant 0 : index
    %get3A_329 = vector.load %arg2[%get3A_324, %get3A_325, %get3A_326, %get3A_327, %get3A_328] : memref<1x90x4x3x90xf32, #tpu.memory_space<vmem>>, vector<1x90x1x1x90xf32>
    %get3A_330 = vector.shape_cast %get3A_329 : vector<1x90x1x1x90xf32> to vector<90x90xf32>
    %ne3A_331 = arith.constant 0.000000e+00 : f32
    %ne3A_332 = vector.broadcast %ne3A_331 : f32 to vector<90x90xf32>
    %ne3A_333 = arith.cmpf one, %get3A_330, %ne3A_332 : vector<90x90xf32>
    %convert_element_type3A_334 = arith.extui %ne3A_333 : vector<90x90xi1> to vector<90x90xi32>
    %convert_element_type3A_335 = arith.sitofp %convert_element_type3A_334 : vector<90x90xi32> to vector<90x90xf32>
    %get3A_336 = arith.constant 0 : index
    %get3A_337 = arith.constant 0 : index
    %get3A_338 = arith.constant 1 : index
    %get3A_339 = arith.constant 1 : index
    %get3A_340 = arith.constant 0 : index
    %get3A_341 = vector.load %arg3[%get3A_336, %get3A_337, %get3A_338, %get3A_339, %get3A_340] : memref<1x90x4x3x128xf32, #tpu.memory_space<vmem>>, vector<1x90x1x1x128xf32>
    %get3A_342 = vector.shape_cast %get3A_341 : vector<1x90x1x1x128xf32> to vector<90x128xf32>
    %dot_general3A_343 = arith.constant dense<0.000000e+00> : vector<90x128xf32>
    %dot_general3A_344 = tpu.matmul %convert_element_type3A_335, %get3A_342, %dot_general3A_343 {dimension_numbers = #tpu.dot_dimension_numbers<[1], [0], [0], [1], [0, 0, 1, 1], [], []>, transpose_lhs_hint = false} : vector<90x90xf32>, vector<90x128xf32>, vector<90x128xf32> -> vector<90x128xf32>
    %get3A_345 = arith.constant 1 : index
    %get3A_346 = arith.constant 0 : index
    %get3A_347 = arith.constant 0 : index
    %get3A_348 = vector.load %arg6[%get3A_345, %get3A_346, %get3A_347] : memref<3x1x1xf32, #tpu.memory_space<vmem>>, vector<1x1x1xf32>
    %get3A_349 = vector.extract %get3A_348[0, 0, 0] : f32 from vector<1x1x1xf32>
    %mul3A_350 = vector.broadcast %get3A_349 : f32 to vector<90x128xf32>
    %mul3A_351 = arith.mulf %mul3A_350, %get3A_342 : vector<90x128xf32>
    %add3A_352 = arith.addf %dot_general3A_344, %mul3A_351 : vector<90x128xf32>
    %get3A_353 = arith.constant 1 : index
    %get3A_354 = arith.constant 0 : index
    %get3A_355 = arith.constant 0 : index
    %get3A_356 = vector.load %arg4[%get3A_353, %get3A_354, %get3A_355] : memref<3x128x128xf32, #tpu.memory_space<vmem>>, vector<1x128x128xf32>
    %get3A_357 = vector.shape_cast %get3A_356 : vector<1x128x128xf32> to vector<128x128xf32>
    %dot_general3A_358 = arith.constant dense<0.000000e+00> : vector<90x128xf32>
    %dot_general3A_359 = tpu.matmul %add3A_352, %get3A_357, %dot_general3A_358 {dimension_numbers = #tpu.dot_dimension_numbers<[1], [0], [0], [1], [0, 0, 1, 1], [], []>, transpose_lhs_hint = false} : vector<90x128xf32>, vector<128x128xf32>, vector<90x128xf32> -> vector<90x128xf32>
    %get3A_360 = arith.constant 1 : index
    %get3A_361 = arith.constant 0 : index
    %get3A_362 = arith.constant 0 : index
    %get3A_363 = vector.load %arg5[%get3A_360, %get3A_361, %get3A_362] : memref<3x1x128xf32, #tpu.memory_space<vmem>>, vector<1x1x128xf32>
    %get3A_364 = vector.shape_cast %get3A_363 : vector<1x1x128xf32> to vector<1x128xf32>
    %add3A_365 = vector.broadcast %get3A_364 : vector<1x128xf32> to vector<90x128xf32>
    %add3A_366 = arith.addf %dot_general3A_359, %add3A_365 : vector<90x128xf32>
    %swap3A_367 = arith.constant 1 : index
    %swap3A_368 = arith.constant 0 : index
    %swap3A_369 = arith.constant 1 : index
    %swap3A_370 = arith.constant 0 : index
    %swap3A_371 = arith.constant 0 : index
    %swap3A_372 = vector.load %arg7[%swap3A_367, %swap3A_368, %swap3A_369, %swap3A_370, %swap3A_371] : memref<3x1x4x90x128xf32, #tpu.memory_space<vmem>>, vector<1x1x1x90x128xf32>
    %swap3A_373 = vector.shape_cast %swap3A_372 : vector<1x1x1x90x128xf32> to vector<90x128xf32>
    %swap3A_374 = vector.shape_cast %add3A_366 : vector<90x128xf32> to vector<1x1x1x90x128xf32>
    tpu.vector_store %arg7[%swap3A_367, %swap3A_368, %swap3A_369, %swap3A_370, %swap3A_371], %swap3A_374 {strides = array<i32>} : memref<3x1x4x90x128xf32, #tpu.memory_space<vmem>>, vector<1x1x1x90x128xf32>,
    %get3A_375 = arith.constant 1 : index
    %get3A_376 = arith.constant 0 : index
    %get3A_377 = arith.constant 0 : index
    %get3A_378 = vector.load %arg9[%get3A_375, %get3A_376, %get3A_377] : memref<3x8x128xf32, #tpu.memory_space<vmem>>, vector<1x1x128xf32>
    %get3A_379 = vector.shape_cast %get3A_378 : vector<1x1x128xf32> to vector<1x128xf32>
    %reduce_sum3A_380 = arith.constant dense<0.000000e+00> : vector<128xf32>
    %reduce_sum3A_381 = vector.multi_reduction <add>, %add3A_366, %reduce_sum3A_380 [0] : vector<90x128xf32> to vector<128xf32>
    %broadcast_in_dim3A_382 = vector.shape_cast %reduce_sum3A_381 : vector<128xf32> to vector<1x128xf32>
    %add3A_383 = arith.addf %get3A_379, %broadcast_in_dim3A_382 : vector<1x128xf32>
    %swap3A_384 = arith.constant 1 : index
    %swap3A_385 = arith.constant 0 : index
    %swap3A_386 = arith.constant 0 : index
    %swap3A_387 = vector.load %arg9[%swap3A_384, %swap3A_385, %swap3A_386] : memref<3x8x128xf32, #tpu.memory_space<vmem>>, vector<1x1x128xf32>
    %swap3A_388 = vector.shape_cast %swap3A_387 : vector<1x1x128xf32> to vector<1x128xf32>
    %swap3A_389 = vector.shape_cast %add3A_383 : vector<1x128xf32> to vector<1x1x128xf32>
    tpu.vector_store %arg9[%swap3A_384, %swap3A_385, %swap3A_386], %swap3A_389 {strides = array<i32>} : memref<3x8x128xf32, #tpu.memory_space<vmem>>, vector<1x1x128xf32>,
    %get3A_390 = arith.constant 1 : index
    %get3A_391 = arith.constant 1 : index
    %get3A_392 = arith.constant 0 : index
    %get3A_393 = vector.load %arg9[%get3A_390, %get3A_391, %get3A_392] : memref<3x8x128xf32, #tpu.memory_space<vmem>>, vector<1x1x128xf32>
    %get3A_394 = vector.shape_cast %get3A_393 : vector<1x1x128xf32> to vector<1x128xf32>
    %mul3A_395 = arith.mulf %add3A_366, %add3A_366 : vector<90x128xf32>
    %reduce_sum3A_396 = arith.constant dense<0.000000e+00> : vector<128xf32>
    %reduce_sum3A_397 = vector.multi_reduction <add>, %mul3A_395, %reduce_sum3A_396 [0] : vector<90x128xf32> to vector<128xf32>
    %broadcast_in_dim3A_398 = vector.shape_cast %reduce_sum3A_397 : vector<128xf32> to vector<1x128xf32>
    %add3A_399 = arith.addf %get3A_394, %broadcast_in_dim3A_398 : vector<1x128xf32>
    %swap3A_400 = arith.constant 1 : index
    %swap3A_401 = arith.constant 1 : index
    %swap3A_402 = arith.constant 0 : index
    %swap3A_403 = vector.load %arg9[%swap3A_400, %swap3A_401, %swap3A_402] : memref<3x8x128xf32, #tpu.memory_space<vmem>>, vector<1x1x128xf32>
    %swap3A_404 = vector.shape_cast %swap3A_403 : vector<1x1x128xf32> to vector<1x128xf32>
    %swap3A_405 = vector.shape_cast %add3A_399 : vector<1x128xf32> to vector<1x1x128xf32>
    tpu.vector_store %arg9[%swap3A_400, %swap3A_401, %swap3A_402], %swap3A_405 {strides = array<i32>} : memref<3x8x128xf32, #tpu.memory_space<vmem>>, vector<1x1x128xf32>,
    %get3A_406 = arith.constant 0 : index
    %get3A_407 = arith.constant 0 : index
    %get3A_408 = arith.constant 1 : index
    %get3A_409 = arith.constant 2 : index
    %get3A_410 = arith.constant 0 : index
    %get3A_411 = vector.load %arg2[%get3A_406, %get3A_407, %get3A_408, %get3A_409, %get3A_410] : memref<1x90x4x3x90xf32, #tpu.memory_space<vmem>>, vector<1x90x1x1x90xf32>
    %get3A_412 = vector.shape_cast %get3A_411 : vector<1x90x1x1x90xf32> to vector<90x90xf32>
    %ne3A_413 = arith.constant 0.000000e+00 : f32
    %ne3A_414 = vector.broadcast %ne3A_413 : f32 to vector<90x90xf32>
    %ne3A_415 = arith.cmpf one, %get3A_412, %ne3A_414 : vector<90x90xf32>
    %convert_element_type3A_416 = arith.extui %ne3A_415 : vector<90x90xi1> to vector<90x90xi32>
    %convert_element_type3A_417 = arith.sitofp %convert_element_type3A_416 : vector<90x90xi32> to vector<90x90xf32>
    %get3A_418 = arith.constant 0 : index
    %get3A_419 = arith.constant 0 : index
    %get3A_420 = arith.constant 1 : index
    %get3A_421 = arith.constant 2 : index
    %get3A_422 = arith.constant 0 : index
    %get3A_423 = vector.load %arg3[%get3A_418, %get3A_419, %get3A_420, %get3A_421, %get3A_422] : memref<1x90x4x3x128xf32, #tpu.memory_space<vmem>>, vector<1x90x1x1x128xf32>
    %get3A_424 = vector.shape_cast %get3A_423 : vector<1x90x1x1x128xf32> to vector<90x128xf32>
    %dot_general3A_425 = arith.constant dense<0.000000e+00> : vector<90x128xf32>
    %dot_general3A_426 = tpu.matmul %convert_element_type3A_417, %get3A_424, %dot_general3A_425 {dimension_numbers = #tpu.dot_dimension_numbers<[1], [0], [0], [1], [0, 0, 1, 1], [], []>, transpose_lhs_hint = false} : vector<90x90xf32>, vector<90x128xf32>, vector<90x128xf32> -> vector<90x128xf32>
    %get3A_427 = arith.constant 2 : index
    %get3A_428 = arith.constant 0 : index
    %get3A_429 = arith.constant 0 : index
    %get3A_430 = vector.load %arg6[%get3A_427, %get3A_428, %get3A_429] : memref<3x1x1xf32, #tpu.memory_space<vmem>>, vector<1x1x1xf32>
    %get3A_431 = vector.extract %get3A_430[0, 0, 0] : f32 from vector<1x1x1xf32>
    %mul3A_432 = vector.broadcast %get3A_431 : f32 to vector<90x128xf32>
    %mul3A_433 = arith.mulf %mul3A_432, %get3A_424 : vector<90x128xf32>
    %add3A_434 = arith.addf %dot_general3A_426, %mul3A_433 : vector<90x128xf32>
    %get3A_435 = arith.constant 2 : index
    %get3A_436 = arith.constant 0 : index
    %get3A_437 = arith.constant 0 : index
    %get3A_438 = vector.load %arg4[%get3A_435, %get3A_436, %get3A_437] : memref<3x128x128xf32, #tpu.memory_space<vmem>>, vector<1x128x128xf32>
    %get3A_439 = vector.shape_cast %get3A_438 : vector<1x128x128xf32> to vector<128x128xf32>
    %dot_general3A_440 = arith.constant dense<0.000000e+00> : vector<90x128xf32>
    %dot_general3A_441 = tpu.matmul %add3A_434, %get3A_439, %dot_general3A_440 {dimension_numbers = #tpu.dot_dimension_numbers<[1], [0], [0], [1], [0, 0, 1, 1], [], []>, transpose_lhs_hint = false} : vector<90x128xf32>, vector<128x128xf32>, vector<90x128xf32> -> vector<90x128xf32>
    %get3A_442 = arith.constant 2 : index
    %get3A_443 = arith.constant 0 : index
    %get3A_444 = arith.constant 0 : index
    %get3A_445 = vector.load %arg5[%get3A_442, %get3A_443, %get3A_444] : memref<3x1x128xf32, #tpu.memory_space<vmem>>, vector<1x1x128xf32>
    %get3A_446 = vector.shape_cast %get3A_445 : vector<1x1x128xf32> to vector<1x128xf32>
    %add3A_447 = vector.broadcast %get3A_446 : vector<1x128xf32> to vector<90x128xf32>
    %add3A_448 = arith.addf %dot_general3A_441, %add3A_447 : vector<90x128xf32>
    %swap3A_449 = arith.constant 2 : index
    %swap3A_450 = arith.constant 0 : index
    %swap3A_451 = arith.constant 1 : index
    %swap3A_452 = arith.constant 0 : index
    %swap3A_453 = arith.constant 0 : index
    %swap3A_454 = vector.load %arg7[%swap3A_449, %swap3A_450, %swap3A_451, %swap3A_452, %swap3A_453] : memref<3x1x4x90x128xf32, #tpu.memory_space<vmem>>, vector<1x1x1x90x128xf32>
    %swap3A_455 = vector.shape_cast %swap3A_454 : vector<1x1x1x90x128xf32> to vector<90x128xf32>
    %swap3A_456 = vector.shape_cast %add3A_448 : vector<90x128xf32> to vector<1x1x1x90x128xf32>
    tpu.vector_store %arg7[%swap3A_449, %swap3A_450, %swap3A_451, %swap3A_452, %swap3A_453], %swap3A_456 {strides = array<i32>} : memref<3x1x4x90x128xf32, #tpu.memory_space<vmem>>, vector<1x1x1x90x128xf32>,
    %get3A_457 = arith.constant 2 : index
    %get3A_458 = arith.constant 0 : index
    %get3A_459 = arith.constant 0 : index
    %get3A_460 = vector.load %arg9[%get3A_457, %get3A_458, %get3A_459] : memref<3x8x128xf32, #tpu.memory_space<vmem>>, vector<1x1x128xf32>
    %get3A_461 = vector.shape_cast %get3A_460 : vector<1x1x128xf32> to vector<1x128xf32>
    %reduce_sum3A_462 = arith.constant dense<0.000000e+00> : vector<128xf32>
    %reduce_sum3A_463 = vector.multi_reduction <add>, %add3A_448, %reduce_sum3A_462 [0] : vector<90x128xf32> to vector<128xf32>
    %broadcast_in_dim3A_464 = vector.shape_cast %reduce_sum3A_463 : vector<128xf32> to vector<1x128xf32>
    %add3A_465 = arith.addf %get3A_461, %broadcast_in_dim3A_464 : vector<1x128xf32>
    %swap3A_466 = arith.constant 2 : index
    %swap3A_467 = arith.constant 0 : index
    %swap3A_468 = arith.constant 0 : index
    %swap3A_469 = vector.load %arg9[%swap3A_466, %swap3A_467, %swap3A_468] : memref<3x8x128xf32, #tpu.memory_space<vmem>>, vector<1x1x128xf32>
    %swap3A_470 = vector.shape_cast %swap3A_469 : vector<1x1x128xf32> to vector<1x128xf32>
    %swap3A_471 = vector.shape_cast %add3A_465 : vector<1x128xf32> to vector<1x1x128xf32>
    tpu.vector_store %arg9[%swap3A_466, %swap3A_467, %swap3A_468], %swap3A_471 {strides = array<i32>} : memref<3x8x128xf32, #tpu.memory_space<vmem>>, vector<1x1x128xf32>,
    %get3A_472 = arith.constant 2 : index
    %get3A_473 = arith.constant 1 : index
    %get3A_474 = arith.constant 0 : index
    %get3A_475 = vector.load %arg9[%get3A_472, %get3A_473, %get3A_474] : memref<3x8x128xf32, #tpu.memory_space<vmem>>, vector<1x1x128xf32>
    %get3A_476 = vector.shape_cast %get3A_475 : vector<1x1x128xf32> to vector<1x128xf32>
    %mul3A_477 = arith.mulf %add3A_448, %add3A_448 : vector<90x128xf32>
    %reduce_sum3A_478 = arith.constant dense<0.000000e+00> : vector<128xf32>
    %reduce_sum3A_479 = vector.multi_reduction <add>, %mul3A_477, %reduce_sum3A_478 [0] : vector<90x128xf32> to vector<128xf32>
    %broadcast_in_dim3A_480 = vector.shape_cast %reduce_sum3A_479 : vector<128xf32> to vector<1x128xf32>
    %add3A_481 = arith.addf %get3A_476, %broadcast_in_dim3A_480 : vector<1x128xf32>
    %swap3A_482 = arith.constant 2 : index
    %swap3A_483 = arith.constant 1 : index
    %swap3A_484 = arith.constant 0 : index
    %swap3A_485 = vector.load %arg9[%swap3A_482, %swap3A_483, %swap3A_484] : memref<3x8x128xf32, #tpu.memory_space<vmem>>, vector<1x1x128xf32>
    %swap3A_486 = vector.shape_cast %swap3A_485 : vector<1x1x128xf32> to vector<1x128xf32>
    %swap3A_487 = vector.shape_cast %add3A_481 : vector<1x128xf32> to vector<1x1x128xf32>
    tpu.vector_store %arg9[%swap3A_482, %swap3A_483, %swap3A_484], %swap3A_487 {strides = array<i32>} : memref<3x8x128xf32, #tpu.memory_space<vmem>>, vector<1x1x128xf32>,
    %get3A_488 = arith.constant 0 : index
    %get3A_489 = arith.constant 0 : index
    %get3A_490 = arith.constant 2 : index
    %get3A_491 = arith.constant 0 : index
    %get3A_492 = arith.constant 0 : index
    %get3A_493 = vector.load %arg2[%get3A_488, %get3A_489, %get3A_490, %get3A_491, %get3A_492] : memref<1x90x4x3x90xf32, #tpu.memory_space<vmem>>, vector<1x90x1x1x90xf32>
    %get3A_494 = vector.shape_cast %get3A_493 : vector<1x90x1x1x90xf32> to vector<90x90xf32>
    %ne3A_495 = arith.constant 0.000000e+00 : f32
    %ne3A_496 = vector.broadcast %ne3A_495 : f32 to vector<90x90xf32>
    %ne3A_497 = arith.cmpf one, %get3A_494, %ne3A_496 : vector<90x90xf32>
    %convert_element_type3A_498 = arith.extui %ne3A_497 : vector<90x90xi1> to vector<90x90xi32>
    %convert_element_type3A_499 = arith.sitofp %convert_element_type3A_498 : vector<90x90xi32> to vector<90x90xf32>
    %get3A_500 = arith.constant 0 : index
    %get3A_501 = arith.constant 0 : index
    %get3A_502 = arith.constant 2 : index
    %get3A_503 = arith.constant 0 : index
    %get3A_504 = arith.constant 0 : index
    %get3A_505 = vector.load %arg3[%get3A_500, %get3A_501, %get3A_502, %get3A_503, %get3A_504] : memref<1x90x4x3x128xf32, #tpu.memory_space<vmem>>, vector<1x90x1x1x128xf32>
    %get3A_506 = vector.shape_cast %get3A_505 : vector<1x90x1x1x128xf32> to vector<90x128xf32>
    %dot_general3A_507 = arith.constant dense<0.000000e+00> : vector<90x128xf32>
    %dot_general3A_508 = tpu.matmul %convert_element_type3A_499, %get3A_506, %dot_general3A_507 {dimension_numbers = #tpu.dot_dimension_numbers<[1], [0], [0], [1], [0, 0, 1, 1], [], []>, transpose_lhs_hint = false} : vector<90x90xf32>, vector<90x128xf32>, vector<90x128xf32> -> vector<90x128xf32>
    %get3A_509 = arith.constant 0 : index
    %get3A_510 = arith.constant 0 : index
    %get3A_511 = arith.constant 0 : index
    %get3A_512 = vector.load %arg6[%get3A_509, %get3A_510, %get3A_511] : memref<3x1x1xf32, #tpu.memory_space<vmem>>, vector<1x1x1xf32>
    %get3A_513 = vector.extract %get3A_512[0, 0, 0] : f32 from vector<1x1x1xf32>
    %mul3A_514 = vector.broadcast %get3A_513 : f32 to vector<90x128xf32>
    %mul3A_515 = arith.mulf %mul3A_514, %get3A_506 : vector<90x128xf32>
    %add3A_516 = arith.addf %dot_general3A_508, %mul3A_515 : vector<90x128xf32>
    %get3A_517 = arith.constant 0 : index
    %get3A_518 = arith.constant 0 : index
    %get3A_519 = arith.constant 0 : index
    %get3A_520 = vector.load %arg4[%get3A_517, %get3A_518, %get3A_519] : memref<3x128x128xf32, #tpu.memory_space<vmem>>, vector<1x128x128xf32>
    %get3A_521 = vector.shape_cast %get3A_520 : vector<1x128x128xf32> to vector<128x128xf32>
    %dot_general3A_522 = arith.constant dense<0.000000e+00> : vector<90x128xf32>
    %dot_general3A_523 = tpu.matmul %add3A_516, %get3A_521, %dot_general3A_522 {dimension_numbers = #tpu.dot_dimension_numbers<[1], [0], [0], [1], [0, 0, 1, 1], [], []>, transpose_lhs_hint = false} : vector<90x128xf32>, vector<128x128xf32>, vector<90x128xf32> -> vector<90x128xf32>
    %get3A_524 = arith.constant 0 : index
    %get3A_525 = arith.constant 0 : index
    %get3A_526 = arith.constant 0 : index
    %get3A_527 = vector.load %arg5[%get3A_524, %get3A_525, %get3A_526] : memref<3x1x128xf32, #tpu.memory_space<vmem>>, vector<1x1x128xf32>
    %get3A_528 = vector.shape_cast %get3A_527 : vector<1x1x128xf32> to vector<1x128xf32>
    %add3A_529 = vector.broadcast %get3A_528 : vector<1x128xf32> to vector<90x128xf32>
    %add3A_530 = arith.addf %dot_general3A_523, %add3A_529 : vector<90x128xf32>
    %swap3A_531 = arith.constant 0 : index
    %swap3A_532 = arith.constant 0 : index
    %swap3A_533 = arith.constant 2 : index
    %swap3A_534 = arith.constant 0 : index
    %swap3A_535 = arith.constant 0 : index
    %swap3A_536 = vector.load %arg7[%swap3A_531, %swap3A_532, %swap3A_533, %swap3A_534, %swap3A_535] : memref<3x1x4x90x128xf32, #tpu.memory_space<vmem>>, vector<1x1x1x90x128xf32>
    %swap3A_537 = vector.shape_cast %swap3A_536 : vector<1x1x1x90x128xf32> to vector<90x128xf32>
    %swap3A_538 = vector.shape_cast %add3A_530 : vector<90x128xf32> to vector<1x1x1x90x128xf32>
    tpu.vector_store %arg7[%swap3A_531, %swap3A_532, %swap3A_533, %swap3A_534, %swap3A_535], %swap3A_538 {strides = array<i32>} : memref<3x1x4x90x128xf32, #tpu.memory_space<vmem>>, vector<1x1x1x90x128xf32>,
    %get3A_539 = arith.constant 0 : index
    %get3A_540 = arith.constant 0 : index
    %get3A_541 = arith.constant 0 : index
    %get3A_542 = vector.load %arg9[%get3A_539, %get3A_540, %get3A_541] : memref<3x8x128xf32, #tpu.memory_space<vmem>>, vector<1x1x128xf32>
    %get3A_543 = vector.shape_cast %get3A_542 : vector<1x1x128xf32> to vector<1x128xf32>
    %reduce_sum3A_544 = arith.constant dense<0.000000e+00> : vector<128xf32>
    %reduce_sum3A_545 = vector.multi_reduction <add>, %add3A_530, %reduce_sum3A_544 [0] : vector<90x128xf32> to vector<128xf32>
    %broadcast_in_dim3A_546 = vector.shape_cast %reduce_sum3A_545 : vector<128xf32> to vector<1x128xf32>
    %add3A_547 = arith.addf %get3A_543, %broadcast_in_dim3A_546 : vector<1x128xf32>
    %swap3A_548 = arith.constant 0 : index
    %swap3A_549 = arith.constant 0 : index
    %swap3A_550 = arith.constant 0 : index
    %swap3A_551 = vector.load %arg9[%swap3A_548, %swap3A_549, %swap3A_550] : memref<3x8x128xf32, #tpu.memory_space<vmem>>, vector<1x1x128xf32>
    %swap3A_552 = vector.shape_cast %swap3A_551 : vector<1x1x128xf32> to vector<1x128xf32>
    %swap3A_553 = vector.shape_cast %add3A_547 : vector<1x128xf32> to vector<1x1x128xf32>
    tpu.vector_store %arg9[%swap3A_548, %swap3A_549, %swap3A_550], %swap3A_553 {strides = array<i32>} : memref<3x8x128xf32, #tpu.memory_space<vmem>>, vector<1x1x128xf32>,
    %get3A_554 = arith.constant 0 : index
    %get3A_555 = arith.constant 1 : index
    %get3A_556 = arith.constant 0 : index
    %get3A_557 = vector.load %arg9[%get3A_554, %get3A_555, %get3A_556] : memref<3x8x128xf32, #tpu.memory_space<vmem>>, vector<1x1x128xf32>
    %get3A_558 = vector.shape_cast %get3A_557 : vector<1x1x128xf32> to vector<1x128xf32>
    %mul3A_559 = arith.mulf %add3A_530, %add3A_530 : vector<90x128xf32>
    %reduce_sum3A_560 = arith.constant dense<0.000000e+00> : vector<128xf32>
    %reduce_sum3A_561 = vector.multi_reduction <add>, %mul3A_559, %reduce_sum3A_560 [0] : vector<90x128xf32> to vector<128xf32>
    %broadcast_in_dim3A_562 = vector.shape_cast %reduce_sum3A_561 : vector<128xf32> to vector<1x128xf32>
    %add3A_563 = arith.addf %get3A_558, %broadcast_in_dim3A_562 : vector<1x128xf32>
    %swap3A_564 = arith.constant 0 : index
    %swap3A_565 = arith.constant 1 : index
    %swap3A_566 = arith.constant 0 : index
    %swap3A_567 = vector.load %arg9[%swap3A_564, %swap3A_565, %swap3A_566] : memref<3x8x128xf32, #tpu.memory_space<vmem>>, vector<1x1x128xf32>
    %swap3A_568 = vector.shape_cast %swap3A_567 : vector<1x1x128xf32> to vector<1x128xf32>
    %swap3A_569 = vector.shape_cast %add3A_563 : vector<1x128xf32> to vector<1x1x128xf32>
    tpu.vector_store %arg9[%swap3A_564, %swap3A_565, %swap3A_566], %swap3A_569 {strides = array<i32>} : memref<3x8x128xf32, #tpu.memory_space<vmem>>, vector<1x1x128xf32>,
    %get3A_570 = arith.constant 0 : index
    %get3A_571 = arith.constant 0 : index
    %get3A_572 = arith.constant 2 : index
    %get3A_573 = arith.constant 1 : index
    %get3A_574 = arith.constant 0 : index
    %get3A_575 = vector.load %arg2[%get3A_570, %get3A_571, %get3A_572, %get3A_573, %get3A_574] : memref<1x90x4x3x90xf32, #tpu.memory_space<vmem>>, vector<1x90x1x1x90xf32>
    %get3A_576 = vector.shape_cast %get3A_575 : vector<1x90x1x1x90xf32> to vector<90x90xf32>
    %ne3A_577 = arith.constant 0.000000e+00 : f32
    %ne3A_578 = vector.broadcast %ne3A_577 : f32 to vector<90x90xf32>
    %ne3A_579 = arith.cmpf one, %get3A_576, %ne3A_578 : vector<90x90xf32>
    %convert_element_type3A_580 = arith.extui %ne3A_579 : vector<90x90xi1> to vector<90x90xi32>
    %convert_element_type3A_581 = arith.sitofp %convert_element_type3A_580 : vector<90x90xi32> to vector<90x90xf32>
    %get3A_582 = arith.constant 0 : index
    %get3A_583 = arith.constant 0 : index
    %get3A_584 = arith.constant 2 : index
    %get3A_585 = arith.constant 1 : index
    %get3A_586 = arith.constant 0 : index
    %get3A_587 = vector.load %arg3[%get3A_582, %get3A_583, %get3A_584, %get3A_585, %get3A_586] : memref<1x90x4x3x128xf32, #tpu.memory_space<vmem>>, vector<1x90x1x1x128xf32>
    %get3A_588 = vector.shape_cast %get3A_587 : vector<1x90x1x1x128xf32> to vector<90x128xf32>
    %dot_general3A_589 = arith.constant dense<0.000000e+00> : vector<90x128xf32>
    %dot_general3A_590 = tpu.matmul %convert_element_type3A_581, %get3A_588, %dot_general3A_589 {dimension_numbers = #tpu.dot_dimension_numbers<[1], [0], [0], [1], [0, 0, 1, 1], [], []>, transpose_lhs_hint = false} : vector<90x90xf32>, vector<90x128xf32>, vector<90x128xf32> -> vector<90x128xf32>
    %get3A_591 = arith.constant 1 : index
    %get3A_592 = arith.constant 0 : index
    %get3A_593 = arith.constant 0 : index
    %get3A_594 = vector.load %arg6[%get3A_591, %get3A_592, %get3A_593] : memref<3x1x1xf32, #tpu.memory_space<vmem>>, vector<1x1x1xf32>
    %get3A_595 = vector.extract %get3A_594[0, 0, 0] : f32 from vector<1x1x1xf32>
    %mul3A_596 = vector.broadcast %get3A_595 : f32 to vector<90x128xf32>
    %mul3A_597 = arith.mulf %mul3A_596, %get3A_588 : vector<90x128xf32>
    %add3A_598 = arith.addf %dot_general3A_590, %mul3A_597 : vector<90x128xf32>
    %get3A_599 = arith.constant 1 : index
    %get3A_600 = arith.constant 0 : index
    %get3A_601 = arith.constant 0 : index
    %get3A_602 = vector.load %arg4[%get3A_599, %get3A_600, %get3A_601] : memref<3x128x128xf32, #tpu.memory_space<vmem>>, vector<1x128x128xf32>
    %get3A_603 = vector.shape_cast %get3A_602 : vector<1x128x128xf32> to vector<128x128xf32>
    %dot_general3A_604 = arith.constant dense<0.000000e+00> : vector<90x128xf32>
    %dot_general3A_605 = tpu.matmul %add3A_598, %get3A_603, %dot_general3A_604 {dimension_numbers = #tpu.dot_dimension_numbers<[1], [0], [0], [1], [0, 0, 1, 1], [], []>, transpose_lhs_hint = false} : vector<90x128xf32>, vector<128x128xf32>, vector<90x128xf32> -> vector<90x128xf32>
    %get3A_606 = arith.constant 1 : index
    %get3A_607 = arith.constant 0 : index
    %get3A_608 = arith.constant 0 : index
    %get3A_609 = vector.load %arg5[%get3A_606, %get3A_607, %get3A_608] : memref<3x1x128xf32, #tpu.memory_space<vmem>>, vector<1x1x128xf32>
    %get3A_610 = vector.shape_cast %get3A_609 : vector<1x1x128xf32> to vector<1x128xf32>
    %add3A_611 = vector.broadcast %get3A_610 : vector<1x128xf32> to vector<90x128xf32>
    %add3A_612 = arith.addf %dot_general3A_605, %add3A_611 : vector<90x128xf32>
    %swap3A_613 = arith.constant 1 : index
    %swap3A_614 = arith.constant 0 : index
    %swap3A_615 = arith.constant 2 : index
    %swap3A_616 = arith.constant 0 : index
    %swap3A_617 = arith.constant 0 : index
    %swap3A_618 = vector.load %arg7[%swap3A_613, %swap3A_614, %swap3A_615, %swap3A_616, %swap3A_617] : memref<3x1x4x90x128xf32, #tpu.memory_space<vmem>>, vector<1x1x1x90x128xf32>
    %swap3A_619 = vector.shape_cast %swap3A_618 : vector<1x1x1x90x128xf32> to vector<90x128xf32>
    %swap3A_620 = vector.shape_cast %add3A_612 : vector<90x128xf32> to vector<1x1x1x90x128xf32>
    tpu.vector_store %arg7[%swap3A_613, %swap3A_614, %swap3A_615, %swap3A_616, %swap3A_617], %swap3A_620 {strides = array<i32>} : memref<3x1x4x90x128xf32, #tpu.memory_space<vmem>>, vector<1x1x1x90x128xf32>,
    %get3A_621 = arith.constant 1 : index
    %get3A_622 = arith.constant 0 : index
    %get3A_623 = arith.constant 0 : index
    %get3A_624 = vector.load %arg9[%get3A_621, %get3A_622, %get3A_623] : memref<3x8x128xf32, #tpu.memory_space<vmem>>, vector<1x1x128xf32>
    %get3A_625 = vector.shape_cast %get3A_624 : vector<1x1x128xf32> to vector<1x128xf32>
    %reduce_sum3A_626 = arith.constant dense<0.000000e+00> : vector<128xf32>
    %reduce_sum3A_627 = vector.multi_reduction <add>, %add3A_612, %reduce_sum3A_626 [0] : vector<90x128xf32> to vector<128xf32>
    %broadcast_in_dim3A_628 = vector.shape_cast %reduce_sum3A_627 : vector<128xf32> to vector<1x128xf32>
    %add3A_629 = arith.addf %get3A_625, %broadcast_in_dim3A_628 : vector<1x128xf32>
    %swap3A_630 = arith.constant 1 : index
    %swap3A_631 = arith.constant 0 : index
    %swap3A_632 = arith.constant 0 : index
    %swap3A_633 = vector.load %arg9[%swap3A_630, %swap3A_631, %swap3A_632] : memref<3x8x128xf32, #tpu.memory_space<vmem>>, vector<1x1x128xf32>
    %swap3A_634 = vector.shape_cast %swap3A_633 : vector<1x1x128xf32> to vector<1x128xf32>
    %swap3A_635 = vector.shape_cast %add3A_629 : vector<1x128xf32> to vector<1x1x128xf32>
    tpu.vector_store %arg9[%swap3A_630, %swap3A_631, %swap3A_632], %swap3A_635 {strides = array<i32>} : memref<3x8x128xf32, #tpu.memory_space<vmem>>, vector<1x1x128xf32>,
    %get3A_636 = arith.constant 1 : index
    %get3A_637 = arith.constant 1 : index
    %get3A_638 = arith.constant 0 : index
    %get3A_639 = vector.load %arg9[%get3A_636, %get3A_637, %get3A_638] : memref<3x8x128xf32, #tpu.memory_space<vmem>>, vector<1x1x128xf32>
    %get3A_640 = vector.shape_cast %get3A_639 : vector<1x1x128xf32> to vector<1x128xf32>
    %mul3A_641 = arith.mulf %add3A_612, %add3A_612 : vector<90x128xf32>
    %reduce_sum3A_642 = arith.constant dense<0.000000e+00> : vector<128xf32>
    %reduce_sum3A_643 = vector.multi_reduction <add>, %mul3A_641, %reduce_sum3A_642 [0] : vector<90x128xf32> to vector<128xf32>
    %broadcast_in_dim3A_644 = vector.shape_cast %reduce_sum3A_643 : vector<128xf32> to vector<1x128xf32>
    %add3A_645 = arith.addf %get3A_640, %broadcast_in_dim3A_644 : vector<1x128xf32>
    %swap3A_646 = arith.constant 1 : index
    %swap3A_647 = arith.constant 1 : index
    %swap3A_648 = arith.constant 0 : index
    %swap3A_649 = vector.load %arg9[%swap3A_646, %swap3A_647, %swap3A_648] : memref<3x8x128xf32, #tpu.memory_space<vmem>>, vector<1x1x128xf32>
    %swap3A_650 = vector.shape_cast %swap3A_649 : vector<1x1x128xf32> to vector<1x128xf32>
    %swap3A_651 = vector.shape_cast %add3A_645 : vector<1x128xf32> to vector<1x1x128xf32>
    tpu.vector_store %arg9[%swap3A_646, %swap3A_647, %swap3A_648], %swap3A_651 {strides = array<i32>} : memref<3x8x128xf32, #tpu.memory_space<vmem>>, vector<1x1x128xf32>,
    %get3A_652 = arith.constant 0 : index
    %get3A_653 = arith.constant 0 : index
    %get3A_654 = arith.constant 2 : index
    %get3A_655 = arith.constant 2 : index
    %get3A_656 = arith.constant 0 : index
    %get3A_657 = vector.load %arg2[%get3A_652, %get3A_653, %get3A_654, %get3A_655, %get3A_656] : memref<1x90x4x3x90xf32, #tpu.memory_space<vmem>>, vector<1x90x1x1x90xf32>
    %get3A_658 = vector.shape_cast %get3A_657 : vector<1x90x1x1x90xf32> to vector<90x90xf32>
    %ne3A_659 = arith.constant 0.000000e+00 : f32
    %ne3A_660 = vector.broadcast %ne3A_659 : f32 to vector<90x90xf32>
    %ne3A_661 = arith.cmpf one, %get3A_658, %ne3A_660 : vector<90x90xf32>
    %convert_element_type3A_662 = arith.extui %ne3A_661 : vector<90x90xi1> to vector<90x90xi32>
    %convert_element_type3A_663 = arith.sitofp %convert_element_type3A_662 : vector<90x90xi32> to vector<90x90xf32>
    %get3A_664 = arith.constant 0 : index
    %get3A_665 = arith.constant 0 : index
    %get3A_666 = arith.constant 2 : index
    %get3A_667 = arith.constant 2 : index
    %get3A_668 = arith.constant 0 : index
    %get3A_669 = vector.load %arg3[%get3A_664, %get3A_665, %get3A_666, %get3A_667, %get3A_668] : memref<1x90x4x3x128xf32, #tpu.memory_space<vmem>>, vector<1x90x1x1x128xf32>
    %get3A_670 = vector.shape_cast %get3A_669 : vector<1x90x1x1x128xf32> to vector<90x128xf32>
    %dot_general3A_671 = arith.constant dense<0.000000e+00> : vector<90x128xf32>
    %dot_general3A_672 = tpu.matmul %convert_element_type3A_663, %get3A_670, %dot_general3A_671 {dimension_numbers = #tpu.dot_dimension_numbers<[1], [0], [0], [1], [0, 0, 1, 1], [], []>, transpose_lhs_hint = false} : vector<90x90xf32>, vector<90x128xf32>, vector<90x128xf32> -> vector<90x128xf32>
    %get3A_673 = arith.constant 2 : index
    %get3A_674 = arith.constant 0 : index
    %get3A_675 = arith.constant 0 : index
    %get3A_676 = vector.load %arg6[%get3A_673, %get3A_674, %get3A_675] : memref<3x1x1xf32, #tpu.memory_space<vmem>>, vector<1x1x1xf32>
    %get3A_677 = vector.extract %get3A_676[0, 0, 0] : f32 from vector<1x1x1xf32>
    %mul3A_678 = vector.broadcast %get3A_677 : f32 to vector<90x128xf32>
    %mul3A_679 = arith.mulf %mul3A_678, %get3A_670 : vector<90x128xf32>
    %add3A_680 = arith.addf %dot_general3A_672, %mul3A_679 : vector<90x128xf32>
    %get3A_681 = arith.constant 2 : index
    %get3A_682 = arith.constant 0 : index
    %get3A_683 = arith.constant 0 : index
    %get3A_684 = vector.load %arg4[%get3A_681, %get3A_682, %get3A_683] : memref<3x128x128xf32, #tpu.memory_space<vmem>>, vector<1x128x128xf32>
    %get3A_685 = vector.shape_cast %get3A_684 : vector<1x128x128xf32> to vector<128x128xf32>
    %dot_general3A_686 = arith.constant dense<0.000000e+00> : vector<90x128xf32>
    %dot_general3A_687 = tpu.matmul %add3A_680, %get3A_685, %dot_general3A_686 {dimension_numbers = #tpu.dot_dimension_numbers<[1], [0], [0], [1], [0, 0, 1, 1], [], []>, transpose_lhs_hint = false} : vector<90x128xf32>, vector<128x128xf32>, vector<90x128xf32> -> vector<90x128xf32>
    %get3A_688 = arith.constant 2 : index
    %get3A_689 = arith.constant 0 : index
    %get3A_690 = arith.constant 0 : index
    %get3A_691 = vector.load %arg5[%get3A_688, %get3A_689, %get3A_690] : memref<3x1x128xf32, #tpu.memory_space<vmem>>, vector<1x1x128xf32>
    %get3A_692 = vector.shape_cast %get3A_691 : vector<1x1x128xf32> to vector<1x128xf32>
    %add3A_693 = vector.broadcast %get3A_692 : vector<1x128xf32> to vector<90x128xf32>
    %add3A_694 = arith.addf %dot_general3A_687, %add3A_693 : vector<90x128xf32>
    %swap3A_695 = arith.constant 2 : index
    %swap3A_696 = arith.constant 0 : index
    %swap3A_697 = arith.constant 2 : index
    %swap3A_698 = arith.constant 0 : index
    %swap3A_699 = arith.constant 0 : index
    %swap3A_700 = vector.load %arg7[%swap3A_695, %swap3A_696, %swap3A_697, %swap3A_698, %swap3A_699] : memref<3x1x4x90x128xf32, #tpu.memory_space<vmem>>, vector<1x1x1x90x128xf32>
    %swap3A_701 = vector.shape_cast %swap3A_700 : vector<1x1x1x90x128xf32> to vector<90x128xf32>
    %swap3A_702 = vector.shape_cast %add3A_694 : vector<90x128xf32> to vector<1x1x1x90x128xf32>
    tpu.vector_store %arg7[%swap3A_695, %swap3A_696, %swap3A_697, %swap3A_698, %swap3A_699], %swap3A_702 {strides = array<i32>} : memref<3x1x4x90x128xf32, #tpu.memory_space<vmem>>, vector<1x1x1x90x128xf32>,
    %get3A_703 = arith.constant 2 : index
    %get3A_704 = arith.constant 0 : index
    %get3A_705 = arith.constant 0 : index
    %get3A_706 = vector.load %arg9[%get3A_703, %get3A_704, %get3A_705] : memref<3x8x128xf32, #tpu.memory_space<vmem>>, vector<1x1x128xf32>
    %get3A_707 = vector.shape_cast %get3A_706 : vector<1x1x128xf32> to vector<1x128xf32>
    %reduce_sum3A_708 = arith.constant dense<0.000000e+00> : vector<128xf32>
    %reduce_sum3A_709 = vector.multi_reduction <add>, %add3A_694, %reduce_sum3A_708 [0] : vector<90x128xf32> to vector<128xf32>
    %broadcast_in_dim3A_710 = vector.shape_cast %reduce_sum3A_709 : vector<128xf32> to vector<1x128xf32>
    %add3A_711 = arith.addf %get3A_707, %broadcast_in_dim3A_710 : vector<1x128xf32>
    %swap3A_712 = arith.constant 2 : index
    %swap3A_713 = arith.constant 0 : index
    %swap3A_714 = arith.constant 0 : index
    %swap3A_715 = vector.load %arg9[%swap3A_712, %swap3A_713, %swap3A_714] : memref<3x8x128xf32, #tpu.memory_space<vmem>>, vector<1x1x128xf32>
    %swap3A_716 = vector.shape_cast %swap3A_715 : vector<1x1x128xf32> to vector<1x128xf32>
    %swap3A_717 = vector.shape_cast %add3A_711 : vector<1x128xf32> to vector<1x1x128xf32>
    tpu.vector_store %arg9[%swap3A_712, %swap3A_713, %swap3A_714], %swap3A_717 {strides = array<i32>} : memref<3x8x128xf32, #tpu.memory_space<vmem>>, vector<1x1x128xf32>,
    %get3A_718 = arith.constant 2 : index
    %get3A_719 = arith.constant 1 : index
    %get3A_720 = arith.constant 0 : index
    %get3A_721 = vector.load %arg9[%get3A_718, %get3A_719, %get3A_720] : memref<3x8x128xf32, #tpu.memory_space<vmem>>, vector<1x1x128xf32>
    %get3A_722 = vector.shape_cast %get3A_721 : vector<1x1x128xf32> to vector<1x128xf32>
    %mul3A_723 = arith.mulf %add3A_694, %add3A_694 : vector<90x128xf32>
    %reduce_sum3A_724 = arith.constant dense<0.000000e+00> : vector<128xf32>
    %reduce_sum3A_725 = vector.multi_reduction <add>, %mul3A_723, %reduce_sum3A_724 [0] : vector<90x128xf32> to vector<128xf32>
    %broadcast_in_dim3A_726 = vector.shape_cast %reduce_sum3A_725 : vector<128xf32> to vector<1x128xf32>
    %add3A_727 = arith.addf %get3A_722, %broadcast_in_dim3A_726 : vector<1x128xf32>
    %swap3A_728 = arith.constant 2 : index
    %swap3A_729 = arith.constant 1 : index
    %swap3A_730 = arith.constant 0 : index
    %swap3A_731 = vector.load %arg9[%swap3A_728, %swap3A_729, %swap3A_730] : memref<3x8x128xf32, #tpu.memory_space<vmem>>, vector<1x1x128xf32>
    %swap3A_732 = vector.shape_cast %swap3A_731 : vector<1x1x128xf32> to vector<1x128xf32>
    %swap3A_733 = vector.shape_cast %add3A_727 : vector<1x128xf32> to vector<1x1x128xf32>
    tpu.vector_store %arg9[%swap3A_728, %swap3A_729, %swap3A_730], %swap3A_733 {strides = array<i32>} : memref<3x8x128xf32, #tpu.memory_space<vmem>>, vector<1x1x128xf32>,
    %get3A_734 = arith.constant 0 : index
    %get3A_735 = arith.constant 0 : index
    %get3A_736 = arith.constant 3 : index
    %get3A_737 = arith.constant 0 : index
    %get3A_738 = arith.constant 0 : index
    %get3A_739 = vector.load %arg2[%get3A_734, %get3A_735, %get3A_736, %get3A_737, %get3A_738] : memref<1x90x4x3x90xf32, #tpu.memory_space<vmem>>, vector<1x90x1x1x90xf32>
    %get3A_740 = vector.shape_cast %get3A_739 : vector<1x90x1x1x90xf32> to vector<90x90xf32>
    %ne3A_741 = arith.constant 0.000000e+00 : f32
    %ne3A_742 = vector.broadcast %ne3A_741 : f32 to vector<90x90xf32>
    %ne3A_743 = arith.cmpf one, %get3A_740, %ne3A_742 : vector<90x90xf32>
    %convert_element_type3A_744 = arith.extui %ne3A_743 : vector<90x90xi1> to vector<90x90xi32>
    %convert_element_type3A_745 = arith.sitofp %convert_element_type3A_744 : vector<90x90xi32> to vector<90x90xf32>
    %get3A_746 = arith.constant 0 : index
    %get3A_747 = arith.constant 0 : index
    %get3A_748 = arith.constant 3 : index
    %get3A_749 = arith.constant 0 : index
    %get3A_750 = arith.constant 0 : index
    %get3A_751 = vector.load %arg3[%get3A_746, %get3A_747, %get3A_748, %get3A_749, %get3A_750] : memref<1x90x4x3x128xf32, #tpu.memory_space<vmem>>, vector<1x90x1x1x128xf32>
    %get3A_752 = vector.shape_cast %get3A_751 : vector<1x90x1x1x128xf32> to vector<90x128xf32>
    %dot_general3A_753 = arith.constant dense<0.000000e+00> : vector<90x128xf32>
    %dot_general3A_754 = tpu.matmul %convert_element_type3A_745, %get3A_752, %dot_general3A_753 {dimension_numbers = #tpu.dot_dimension_numbers<[1], [0], [0], [1], [0, 0, 1, 1], [], []>, transpose_lhs_hint = false} : vector<90x90xf32>, vector<90x128xf32>, vector<90x128xf32> -> vector<90x128xf32>
    %get3A_755 = arith.constant 0 : index
    %get3A_756 = arith.constant 0 : index
    %get3A_757 = arith.constant 0 : index
    %get3A_758 = vector.load %arg6[%get3A_755, %get3A_756, %get3A_757] : memref<3x1x1xf32, #tpu.memory_space<vmem>>, vector<1x1x1xf32>
    %get3A_759 = vector.extract %get3A_758[0, 0, 0] : f32 from vector<1x1x1xf32>
    %mul3A_760 = vector.broadcast %get3A_759 : f32 to vector<90x128xf32>
    %mul3A_761 = arith.mulf %mul3A_760, %get3A_752 : vector<90x128xf32>
    %add3A_762 = arith.addf %dot_general3A_754, %mul3A_761 : vector<90x128xf32>
    %get3A_763 = arith.constant 0 : index
    %get3A_764 = arith.constant 0 : index
    %get3A_765 = arith.constant 0 : index
    %get3A_766 = vector.load %arg4[%get3A_763, %get3A_764, %get3A_765] : memref<3x128x128xf32, #tpu.memory_space<vmem>>, vector<1x128x128xf32>
    %get3A_767 = vector.shape_cast %get3A_766 : vector<1x128x128xf32> to vector<128x128xf32>
    %dot_general3A_768 = arith.constant dense<0.000000e+00> : vector<90x128xf32>
    %dot_general3A_769 = tpu.matmul %add3A_762, %get3A_767, %dot_general3A_768 {dimension_numbers = #tpu.dot_dimension_numbers<[1], [0], [0], [1], [0, 0, 1, 1], [], []>, transpose_lhs_hint = false} : vector<90x128xf32>, vector<128x128xf32>, vector<90x128xf32> -> vector<90x128xf32>
    %get3A_770 = arith.constant 0 : index
    %get3A_771 = arith.constant 0 : index
    %get3A_772 = arith.constant 0 : index
    %get3A_773 = vector.load %arg5[%get3A_770, %get3A_771, %get3A_772] : memref<3x1x128xf32, #tpu.memory_space<vmem>>, vector<1x1x128xf32>
    %get3A_774 = vector.shape_cast %get3A_773 : vector<1x1x128xf32> to vector<1x128xf32>
    %add3A_775 = vector.broadcast %get3A_774 : vector<1x128xf32> to vector<90x128xf32>
    %add3A_776 = arith.addf %dot_general3A_769, %add3A_775 : vector<90x128xf32>
    %swap3A_777 = arith.constant 0 : index
    %swap3A_778 = arith.constant 0 : index
    %swap3A_779 = arith.constant 3 : index
    %swap3A_780 = arith.constant 0 : index
    %swap3A_781 = arith.constant 0 : index
    %swap3A_782 = vector.load %arg7[%swap3A_777, %swap3A_778, %swap3A_779, %swap3A_780, %swap3A_781] : memref<3x1x4x90x128xf32, #tpu.memory_space<vmem>>, vector<1x1x1x90x128xf32>
    %swap3A_783 = vector.shape_cast %swap3A_782 : vector<1x1x1x90x128xf32> to vector<90x128xf32>
    %swap3A_784 = vector.shape_cast %add3A_776 : vector<90x128xf32> to vector<1x1x1x90x128xf32>
    tpu.vector_store %arg7[%swap3A_777, %swap3A_778, %swap3A_779, %swap3A_780, %swap3A_781], %swap3A_784 {strides = array<i32>} : memref<3x1x4x90x128xf32, #tpu.memory_space<vmem>>, vector<1x1x1x90x128xf32>,
    %get3A_785 = arith.constant 0 : index
    %get3A_786 = arith.constant 0 : index
    %get3A_787 = arith.constant 0 : index
    %get3A_788 = vector.load %arg9[%get3A_785, %get3A_786, %get3A_787] : memref<3x8x128xf32, #tpu.memory_space<vmem>>, vector<1x1x128xf32>
    %get3A_789 = vector.shape_cast %get3A_788 : vector<1x1x128xf32> to vector<1x128xf32>
    %reduce_sum3A_790 = arith.constant dense<0.000000e+00> : vector<128xf32>
    %reduce_sum3A_791 = vector.multi_reduction <add>, %add3A_776, %reduce_sum3A_790 [0] : vector<90x128xf32> to vector<128xf32>
    %broadcast_in_dim3A_792 = vector.shape_cast %reduce_sum3A_791 : vector<128xf32> to vector<1x128xf32>
    %add3A_793 = arith.addf %get3A_789, %broadcast_in_dim3A_792 : vector<1x128xf32>
    %swap3A_794 = arith.constant 0 : index
    %swap3A_795 = arith.constant 0 : index
    %swap3A_796 = arith.constant 0 : index
    %swap3A_797 = vector.load %arg9[%swap3A_794, %swap3A_795, %swap3A_796] : memref<3x8x128xf32, #tpu.memory_space<vmem>>, vector<1x1x128xf32>
    %swap3A_798 = vector.shape_cast %swap3A_797 : vector<1x1x128xf32> to vector<1x128xf32>
    %swap3A_799 = vector.shape_cast %add3A_793 : vector<1x128xf32> to vector<1x1x128xf32>
    tpu.vector_store %arg9[%swap3A_794, %swap3A_795, %swap3A_796], %swap3A_799 {strides = array<i32>} : memref<3x8x128xf32, #tpu.memory_space<vmem>>, vector<1x1x128xf32>,
    %get3A_800 = arith.constant 0 : index
    %get3A_801 = arith.constant 1 : index
    %get3A_802 = arith.constant 0 : index
    %get3A_803 = vector.load %arg9[%get3A_800, %get3A_801, %get3A_802] : memref<3x8x128xf32, #tpu.memory_space<vmem>>, vector<1x1x128xf32>
    %get3A_804 = vector.shape_cast %get3A_803 : vector<1x1x128xf32> to vector<1x128xf32>
    %mul3A_805 = arith.mulf %add3A_776, %add3A_776 : vector<90x128xf32>
    %reduce_sum3A_806 = arith.constant dense<0.000000e+00> : vector<128xf32>
    %reduce_sum3A_807 = vector.multi_reduction <add>, %mul3A_805, %reduce_sum3A_806 [0] : vector<90x128xf32> to vector<128xf32>
    %broadcast_in_dim3A_808 = vector.shape_cast %reduce_sum3A_807 : vector<128xf32> to vector<1x128xf32>
    %add3A_809 = arith.addf %get3A_804, %broadcast_in_dim3A_808 : vector<1x128xf32>
    %swap3A_810 = arith.constant 0 : index
    %swap3A_811 = arith.constant 1 : index
    %swap3A_812 = arith.constant 0 : index
    %swap3A_813 = vector.load %arg9[%swap3A_810, %swap3A_811, %swap3A_812] : memref<3x8x128xf32, #tpu.memory_space<vmem>>, vector<1x1x128xf32>
    %swap3A_814 = vector.shape_cast %swap3A_813 : vector<1x1x128xf32> to vector<1x128xf32>
    %swap3A_815 = vector.shape_cast %add3A_809 : vector<1x128xf32> to vector<1x1x128xf32>
    tpu.vector_store %arg9[%swap3A_810, %swap3A_811, %swap3A_812], %swap3A_815 {strides = array<i32>} : memref<3x8x128xf32, #tpu.memory_space<vmem>>, vector<1x1x128xf32>,
    %get3A_816 = arith.constant 0 : index
    %get3A_817 = arith.constant 0 : index
    %get3A_818 = arith.constant 3 : index
    %get3A_819 = arith.constant 1 : index
    %get3A_820 = arith.constant 0 : index
    %get3A_821 = vector.load %arg2[%get3A_816, %get3A_817, %get3A_818, %get3A_819, %get3A_820] : memref<1x90x4x3x90xf32, #tpu.memory_space<vmem>>, vector<1x90x1x1x90xf32>
    %get3A_822 = vector.shape_cast %get3A_821 : vector<1x90x1x1x90xf32> to vector<90x90xf32>
    %ne3A_823 = arith.constant 0.000000e+00 : f32
    %ne3A_824 = vector.broadcast %ne3A_823 : f32 to vector<90x90xf32>
    %ne3A_825 = arith.cmpf one, %get3A_822, %ne3A_824 : vector<90x90xf32>
    %convert_element_type3A_826 = arith.extui %ne3A_825 : vector<90x90xi1> to vector<90x90xi32>
    %convert_element_type3A_827 = arith.sitofp %convert_element_type3A_826 : vector<90x90xi32> to vector<90x90xf32>
    %get3A_828 = arith.constant 0 : index
    %get3A_829 = arith.constant 0 : index
    %get3A_830 = arith.constant 3 : index
    %get3A_831 = arith.constant 1 : index
    %get3A_832 = arith.constant 0 : index
    %get3A_833 = vector.load %arg3[%get3A_828, %get3A_829, %get3A_830, %get3A_831, %get3A_832] : memref<1x90x4x3x128xf32, #tpu.memory_space<vmem>>, vector<1x90x1x1x128xf32>
    %get3A_834 = vector.shape_cast %get3A_833 : vector<1x90x1x1x128xf32> to vector<90x128xf32>
    %dot_general3A_835 = arith.constant dense<0.000000e+00> : vector<90x128xf32>
    %dot_general3A_836 = tpu.matmul %convert_element_type3A_827, %get3A_834, %dot_general3A_835 {dimension_numbers = #tpu.dot_dimension_numbers<[1], [0], [0], [1], [0, 0, 1, 1], [], []>, transpose_lhs_hint = false} : vector<90x90xf32>, vector<90x128xf32>, vector<90x128xf32> -> vector<90x128xf32>
    %get3A_837 = arith.constant 1 : index
    %get3A_838 = arith.constant 0 : index
    %get3A_839 = arith.constant 0 : index
    %get3A_840 = vector.load %arg6[%get3A_837, %get3A_838, %get3A_839] : memref<3x1x1xf32, #tpu.memory_space<vmem>>, vector<1x1x1xf32>
    %get3A_841 = vector.extract %get3A_840[0, 0, 0] : f32 from vector<1x1x1xf32>
    %mul3A_842 = vector.broadcast %get3A_841 : f32 to vector<90x128xf32>
    %mul3A_843 = arith.mulf %mul3A_842, %get3A_834 : vector<90x128xf32>
    %add3A_844 = arith.addf %dot_general3A_836, %mul3A_843 : vector<90x128xf32>
    %get3A_845 = arith.constant 1 : index
    %get3A_846 = arith.constant 0 : index
    %get3A_847 = arith.constant 0 : index
    %get3A_848 = vector.load %arg4[%get3A_845, %get3A_846, %get3A_847] : memref<3x128x128xf32, #tpu.memory_space<vmem>>, vector<1x128x128xf32>
    %get3A_849 = vector.shape_cast %get3A_848 : vector<1x128x128xf32> to vector<128x128xf32>
    %dot_general3A_850 = arith.constant dense<0.000000e+00> : vector<90x128xf32>
    %dot_general3A_851 = tpu.matmul %add3A_844, %get3A_849, %dot_general3A_850 {dimension_numbers = #tpu.dot_dimension_numbers<[1], [0], [0], [1], [0, 0, 1, 1], [], []>, transpose_lhs_hint = false} : vector<90x128xf32>, vector<128x128xf32>, vector<90x128xf32> -> vector<90x128xf32>
    %get3A_852 = arith.constant 1 : index
    %get3A_853 = arith.constant 0 : index
    %get3A_854 = arith.constant 0 : index
    %get3A_855 = vector.load %arg5[%get3A_852, %get3A_853, %get3A_854] : memref<3x1x128xf32, #tpu.memory_space<vmem>>, vector<1x1x128xf32>
    %get3A_856 = vector.shape_cast %get3A_855 : vector<1x1x128xf32> to vector<1x128xf32>
    %add3A_857 = vector.broadcast %get3A_856 : vector<1x128xf32> to vector<90x128xf32>
    %add3A_858 = arith.addf %dot_general3A_851, %add3A_857 : vector<90x128xf32>
    %swap3A_859 = arith.constant 1 : index
    %swap3A_860 = arith.constant 0 : index
    %swap3A_861 = arith.constant 3 : index
    %swap3A_862 = arith.constant 0 : index
    %swap3A_863 = arith.constant 0 : index
    %swap3A_864 = vector.load %arg7[%swap3A_859, %swap3A_860, %swap3A_861, %swap3A_862, %swap3A_863] : memref<3x1x4x90x128xf32, #tpu.memory_space<vmem>>, vector<1x1x1x90x128xf32>
    %swap3A_865 = vector.shape_cast %swap3A_864 : vector<1x1x1x90x128xf32> to vector<90x128xf32>
    %swap3A_866 = vector.shape_cast %add3A_858 : vector<90x128xf32> to vector<1x1x1x90x128xf32>
    tpu.vector_store %arg7[%swap3A_859, %swap3A_860, %swap3A_861, %swap3A_862, %swap3A_863], %swap3A_866 {strides = array<i32>} : memref<3x1x4x90x128xf32, #tpu.memory_space<vmem>>, vector<1x1x1x90x128xf32>,
    %get3A_867 = arith.constant 1 : index
    %get3A_868 = arith.constant 0 : index
    %get3A_869 = arith.constant 0 : index
    %get3A_870 = vector.load %arg9[%get3A_867, %get3A_868, %get3A_869] : memref<3x8x128xf32, #tpu.memory_space<vmem>>, vector<1x1x128xf32>
    %get3A_871 = vector.shape_cast %get3A_870 : vector<1x1x128xf32> to vector<1x128xf32>
    %reduce_sum3A_872 = arith.constant dense<0.000000e+00> : vector<128xf32>
    %reduce_sum3A_873 = vector.multi_reduction <add>, %add3A_858, %reduce_sum3A_872 [0] : vector<90x128xf32> to vector<128xf32>
    %broadcast_in_dim3A_874 = vector.shape_cast %reduce_sum3A_873 : vector<128xf32> to vector<1x128xf32>
    %add3A_875 = arith.addf %get3A_871, %broadcast_in_dim3A_874 : vector<1x128xf32>
    %swap3A_876 = arith.constant 1 : index
    %swap3A_877 = arith.constant 0 : index
    %swap3A_878 = arith.constant 0 : index
    %swap3A_879 = vector.load %arg9[%swap3A_876, %swap3A_877, %swap3A_878] : memref<3x8x128xf32, #tpu.memory_space<vmem>>, vector<1x1x128xf32>
    %swap3A_880 = vector.shape_cast %swap3A_879 : vector<1x1x128xf32> to vector<1x128xf32>
    %swap3A_881 = vector.shape_cast %add3A_875 : vector<1x128xf32> to vector<1x1x128xf32>
    tpu.vector_store %arg9[%swap3A_876, %swap3A_877, %swap3A_878], %swap3A_881 {strides = array<i32>} : memref<3x8x128xf32, #tpu.memory_space<vmem>>, vector<1x1x128xf32>,
    %get3A_882 = arith.constant 1 : index
    %get3A_883 = arith.constant 1 : index
    %get3A_884 = arith.constant 0 : index
    %get3A_885 = vector.load %arg9[%get3A_882, %get3A_883, %get3A_884] : memref<3x8x128xf32, #tpu.memory_space<vmem>>, vector<1x1x128xf32>
    %get3A_886 = vector.shape_cast %get3A_885 : vector<1x1x128xf32> to vector<1x128xf32>
    %mul3A_887 = arith.mulf %add3A_858, %add3A_858 : vector<90x128xf32>
    %reduce_sum3A_888 = arith.constant dense<0.000000e+00> : vector<128xf32>
    %reduce_sum3A_889 = vector.multi_reduction <add>, %mul3A_887, %reduce_sum3A_888 [0] : vector<90x128xf32> to vector<128xf32>
    %broadcast_in_dim3A_890 = vector.shape_cast %reduce_sum3A_889 : vector<128xf32> to vector<1x128xf32>
    %add3A_891 = arith.addf %get3A_886, %broadcast_in_dim3A_890 : vector<1x128xf32>
    %swap3A_892 = arith.constant 1 : index
    %swap3A_893 = arith.constant 1 : index
    %swap3A_894 = arith.constant 0 : index
    %swap3A_895 = vector.load %arg9[%swap3A_892, %swap3A_893, %swap3A_894] : memref<3x8x128xf32, #tpu.memory_space<vmem>>, vector<1x1x128xf32>
    %swap3A_896 = vector.shape_cast %swap3A_895 : vector<1x1x128xf32> to vector<1x128xf32>
    %swap3A_897 = vector.shape_cast %add3A_891 : vector<1x128xf32> to vector<1x1x128xf32>
    tpu.vector_store %arg9[%swap3A_892, %swap3A_893, %swap3A_894], %swap3A_897 {strides = array<i32>} : memref<3x8x128xf32, #tpu.memory_space<vmem>>, vector<1x1x128xf32>,
    %get3A_898 = arith.constant 0 : index
    %get3A_899 = arith.constant 0 : index
    %get3A_900 = arith.constant 3 : index
    %get3A_901 = arith.constant 2 : index
    %get3A_902 = arith.constant 0 : index
    %get3A_903 = vector.load %arg2[%get3A_898, %get3A_899, %get3A_900, %get3A_901, %get3A_902] : memref<1x90x4x3x90xf32, #tpu.memory_space<vmem>>, vector<1x90x1x1x90xf32>
    %get3A_904 = vector.shape_cast %get3A_903 : vector<1x90x1x1x90xf32> to vector<90x90xf32>
    %ne3A_905 = arith.constant 0.000000e+00 : f32
    %ne3A_906 = vector.broadcast %ne3A_905 : f32 to vector<90x90xf32>
    %ne3A_907 = arith.cmpf one, %get3A_904, %ne3A_906 : vector<90x90xf32>
    %convert_element_type3A_908 = arith.extui %ne3A_907 : vector<90x90xi1> to vector<90x90xi32>
    %convert_element_type3A_909 = arith.sitofp %convert_element_type3A_908 : vector<90x90xi32> to vector<90x90xf32>
    %get3A_910 = arith.constant 0 : index
    %get3A_911 = arith.constant 0 : index
    %get3A_912 = arith.constant 3 : index
    %get3A_913 = arith.constant 2 : index
    %get3A_914 = arith.constant 0 : index
    %get3A_915 = vector.load %arg3[%get3A_910, %get3A_911, %get3A_912, %get3A_913, %get3A_914] : memref<1x90x4x3x128xf32, #tpu.memory_space<vmem>>, vector<1x90x1x1x128xf32>
    %get3A_916 = vector.shape_cast %get3A_915 : vector<1x90x1x1x128xf32> to vector<90x128xf32>
    %dot_general3A_917 = arith.constant dense<0.000000e+00> : vector<90x128xf32>
    %dot_general3A_918 = tpu.matmul %convert_element_type3A_909, %get3A_916, %dot_general3A_917 {dimension_numbers = #tpu.dot_dimension_numbers<[1], [0], [0], [1], [0, 0, 1, 1], [], []>, transpose_lhs_hint = false} : vector<90x90xf32>, vector<90x128xf32>, vector<90x128xf32> -> vector<90x128xf32>
    %get3A_919 = arith.constant 2 : index
    %get3A_920 = arith.constant 0 : index
    %get3A_921 = arith.constant 0 : index
    %get3A_922 = vector.load %arg6[%get3A_919, %get3A_920, %get3A_921] : memref<3x1x1xf32, #tpu.memory_space<vmem>>, vector<1x1x1xf32>
    %get3A_923 = vector.extract %get3A_922[0, 0, 0] : f32 from vector<1x1x1xf32>
    %mul3A_924 = vector.broadcast %get3A_923 : f32 to vector<90x128xf32>
    %mul3A_925 = arith.mulf %mul3A_924, %get3A_916 : vector<90x128xf32>
    %add3A_926 = arith.addf %dot_general3A_918, %mul3A_925 : vector<90x128xf32>
    %get3A_927 = arith.constant 2 : index
    %get3A_928 = arith.constant 0 : index
    %get3A_929 = arith.constant 0 : index
    %get3A_930 = vector.load %arg4[%get3A_927, %get3A_928, %get3A_929] : memref<3x128x128xf32, #tpu.memory_space<vmem>>, vector<1x128x128xf32>
    %get3A_931 = vector.shape_cast %get3A_930 : vector<1x128x128xf32> to vector<128x128xf32>
    %dot_general3A_932 = arith.constant dense<0.000000e+00> : vector<90x128xf32>
    %dot_general3A_933 = tpu.matmul %add3A_926, %get3A_931, %dot_general3A_932 {dimension_numbers = #tpu.dot_dimension_numbers<[1], [0], [0], [1], [0, 0, 1, 1], [], []>, transpose_lhs_hint = false} : vector<90x128xf32>, vector<128x128xf32>, vector<90x128xf32> -> vector<90x128xf32>
    %get3A_934 = arith.constant 2 : index
    %get3A_935 = arith.constant 0 : index
    %get3A_936 = arith.constant 0 : index
    %get3A_937 = vector.load %arg5[%get3A_934, %get3A_935, %get3A_936] : memref<3x1x128xf32, #tpu.memory_space<vmem>>, vector<1x1x128xf32>
    %get3A_938 = vector.shape_cast %get3A_937 : vector<1x1x128xf32> to vector<1x128xf32>
    %add3A_939 = vector.broadcast %get3A_938 : vector<1x128xf32> to vector<90x128xf32>
    %add3A_940 = arith.addf %dot_general3A_933, %add3A_939 : vector<90x128xf32>
    %swap3A_941 = arith.constant 2 : index
    %swap3A_942 = arith.constant 0 : index
    %swap3A_943 = arith.constant 3 : index
    %swap3A_944 = arith.constant 0 : index
    %swap3A_945 = arith.constant 0 : index
    %swap3A_946 = vector.load %arg7[%swap3A_941, %swap3A_942, %swap3A_943, %swap3A_944, %swap3A_945] : memref<3x1x4x90x128xf32, #tpu.memory_space<vmem>>, vector<1x1x1x90x128xf32>
    %swap3A_947 = vector.shape_cast %swap3A_946 : vector<1x1x1x90x128xf32> to vector<90x128xf32>
    %swap3A_948 = vector.shape_cast %add3A_940 : vector<90x128xf32> to vector<1x1x1x90x128xf32>
    tpu.vector_store %arg7[%swap3A_941, %swap3A_942, %swap3A_943, %swap3A_944, %swap3A_945], %swap3A_948 {strides = array<i32>} : memref<3x1x4x90x128xf32, #tpu.memory_space<vmem>>, vector<1x1x1x90x128xf32>,
    %get3A_949 = arith.constant 2 : index
    %get3A_950 = arith.constant 0 : index
    %get3A_951 = arith.constant 0 : index
    %get3A_952 = vector.load %arg9[%get3A_949, %get3A_950, %get3A_951] : memref<3x8x128xf32, #tpu.memory_space<vmem>>, vector<1x1x128xf32>
    %get3A_953 = vector.shape_cast %get3A_952 : vector<1x1x128xf32> to vector<1x128xf32>
    %reduce_sum3A_954 = arith.constant dense<0.000000e+00> : vector<128xf32>
    %reduce_sum3A_955 = vector.multi_reduction <add>, %add3A_940, %reduce_sum3A_954 [0] : vector<90x128xf32> to vector<128xf32>
    %broadcast_in_dim3A_956 = vector.shape_cast %reduce_sum3A_955 : vector<128xf32> to vector<1x128xf32>
    %add3A_957 = arith.addf %get3A_953, %broadcast_in_dim3A_956 : vector<1x128xf32>
    %swap3A_958 = arith.constant 2 : index
    %swap3A_959 = arith.constant 0 : index
    %swap3A_960 = arith.constant 0 : index
    %swap3A_961 = vector.load %arg9[%swap3A_958, %swap3A_959, %swap3A_960] : memref<3x8x128xf32, #tpu.memory_space<vmem>>, vector<1x1x128xf32>
    %swap3A_962 = vector.shape_cast %swap3A_961 : vector<1x1x128xf32> to vector<1x128xf32>
    %swap3A_963 = vector.shape_cast %add3A_957 : vector<1x128xf32> to vector<1x1x128xf32>
    tpu.vector_store %arg9[%swap3A_958, %swap3A_959, %swap3A_960], %swap3A_963 {strides = array<i32>} : memref<3x8x128xf32, #tpu.memory_space<vmem>>, vector<1x1x128xf32>,
    %get3A_964 = arith.constant 2 : index
    %get3A_965 = arith.constant 1 : index
    %get3A_966 = arith.constant 0 : index
    %get3A_967 = vector.load %arg9[%get3A_964, %get3A_965, %get3A_966] : memref<3x8x128xf32, #tpu.memory_space<vmem>>, vector<1x1x128xf32>
    %get3A_968 = vector.shape_cast %get3A_967 : vector<1x1x128xf32> to vector<1x128xf32>
    %mul3A_969 = arith.mulf %add3A_940, %add3A_940 : vector<90x128xf32>
    %reduce_sum3A_970 = arith.constant dense<0.000000e+00> : vector<128xf32>
    %reduce_sum3A_971 = vector.multi_reduction <add>, %mul3A_969, %reduce_sum3A_970 [0] : vector<90x128xf32> to vector<128xf32>
    %broadcast_in_dim3A_972 = vector.shape_cast %reduce_sum3A_971 : vector<128xf32> to vector<1x128xf32>
    %add3A_973 = arith.addf %get3A_968, %broadcast_in_dim3A_972 : vector<1x128xf32>
    %swap3A_974 = arith.constant 2 : index
    %swap3A_975 = arith.constant 1 : index
    %swap3A_976 = arith.constant 0 : index
    %swap3A_977 = vector.load %arg9[%swap3A_974, %swap3A_975, %swap3A_976] : memref<3x8x128xf32, #tpu.memory_space<vmem>>, vector<1x1x128xf32>
    %swap3A_978 = vector.shape_cast %swap3A_977 : vector<1x1x128xf32> to vector<1x128xf32>
    %swap3A_979 = vector.shape_cast %add3A_973 : vector<1x128xf32> to vector<1x1x128xf32>
    tpu.vector_store %arg9[%swap3A_974, %swap3A_975, %swap3A_976], %swap3A_979 {strides = array<i32>} : memref<3x8x128xf32, #tpu.memory_space<vmem>>, vector<1x1x128xf32>,
    %eq3A_980 = arith.constant 3 : i32
    %eq3A_981 = arith.cmpi eq, %arg0, %eq3A_980 : i32
    %eq3A_982 = arith.constant 15 : i32
    %eq3A_983 = arith.cmpi eq, %arg1, %eq3A_982 : i32
    %and3A_984 = arith.andi %eq3A_981, %eq3A_983 : i1
    %convert_element_type3A_985 = arith.extui %and3A_984 : i1 to i32
    %cond3A_986 = arith.constant 0 : i32
    %cond3A_987 = arith.cmpi ne, %convert_element_type3A_985, %cond3A_986 : i32
    scf.if %cond3A_987 {
      %get3A_988 = arith.constant 0 : index
      %get3A_989 = arith.constant 0 : index
      %get3A_990 = arith.constant 0 : index
      %get3A_991 = vector.load %arg9[%get3A_988, %get3A_989, %get3A_990] : memref<3x8x128xf32, #tpu.memory_space<vmem>>, vector<3x8x128xf32>
      %swap3A_992 = arith.constant 0 : index
      %swap3A_993 = arith.constant 0 : index
      %swap3A_994 = arith.constant 0 : index
      %swap3A_995 = vector.load %arg8[%swap3A_992, %swap3A_993, %swap3A_994] : memref<3x8x128xf32, #tpu.memory_space<vmem>>, vector<3x8x128xf32>
      tpu.vector_store %arg8[%swap3A_992, %swap3A_993, %swap3A_994], %get3A_991 {strides = array<i32>} : memref<3x8x128xf32, #tpu.memory_space<vmem>>, vector<3x8x128xf32>,
    } else {
    }
    return
  }
  func.func @transform_0(%arg0: i32, %arg1: i32) -> (i32, i32, i32, i32, i32) {
    %c0_i32 = arith.constant 0 : i32
    %c0_i32_0 = arith.constant 0 : i32
    %c0_i32_1 = arith.constant 0 : i32
    %c0_i32_2 = arith.constant 0 : i32
    return %arg0, %c0_i32, %arg1, %c0_i32_0, %c0_i32_1 : i32, i32, i32, i32, i32
  }
  func.func @transform_1(%arg0: i32, %arg1: i32) -> (i32, i32, i32, i32, i32) {
    %c0_i32 = arith.constant 0 : i32
    %c0_i32_0 = arith.constant 0 : i32
    %c0_i32_1 = arith.constant 0 : i32
    %c0_i32_2 = arith.constant 0 : i32
    return %arg0, %c0_i32, %arg1, %c0_i32_0, %c0_i32_1 : i32, i32, i32, i32, i32
  }
  func.func @transform_2(%arg0: i32, %arg1: i32) -> (i32, i32, i32) {
    %c0_i32 = arith.constant 0 : i32
    %c0_i32_0 = arith.constant 0 : i32
    %c0_i32_1 = arith.constant 0 : i32
    %c0_i32_2 = arith.constant 0 : i32
    return %c0_i32, %c0_i32_0, %c0_i32_1 : i32, i32, i32
  }
  func.func @transform_3(%arg0: i32, %arg1: i32) -> (i32, i32, i32) {
    %c0_i32 = arith.constant 0 : i32
    %c0_i32_0 = arith.constant 0 : i32
    %c0_i32_1 = arith.constant 0 : i32
    %c0_i32_2 = arith.constant 0 : i32
    return %c0_i32, %c0_i32_0, %c0_i32_1 : i32, i32, i32
  }
  func.func @transform_4(%arg0: i32, %arg1: i32) -> (i32, i32, i32) {
    %c0_i32 = arith.constant 0 : i32
    %c0_i32_0 = arith.constant 0 : i32
    %c0_i32_1 = arith.constant 0 : i32
    %c0_i32_2 = arith.constant 0 : i32
    return %c0_i32, %c0_i32_0, %c0_i32_1 : i32, i32, i32
  }
  func.func @transform_5(%arg0: i32, %arg1: i32) -> (i32, i32, i32, i32, i32) {
    %c0_i32 = arith.constant 0 : i32
    %c0_i32_0 = arith.constant 0 : i32
    %c0_i32_1 = arith.constant 0 : i32
    %c0_i32_2 = arith.constant 0 : i32
    return %c0_i32, %arg0, %arg1, %c0_i32_0, %c0_i32_1 : i32, i32, i32, i32, i32
  }
  func.func @transform_6(%arg0: i32, %arg1: i32) -> (i32, i32, i32) {
    %c0_i32 = arith.constant 0 : i32
    %c0_i32_0 = arith.constant 0 : i32
    %c0_i32_1 = arith.constant 0 : i32
    %c0_i32_2 = arith.constant 0 : i32
    return %c0_i32, %c0_i32_0, %c0_i32_1 : i32, i32, i32
  }
}

module attributes {stable_mosaic.version = 14 : i64} {
  func.func @_k2_body(%arg0: i32, %arg1: i32, %arg2: memref<1x9x256x128xf32, #tpu.memory_space<vmem>>, %arg3: memref<1x1x128xf32, #tpu.memory_space<vmem>>, %arg4: memref<1x1x128xf32, #tpu.memory_space<vmem>>, %arg5: memref<1x128x128xf32, #tpu.memory_space<vmem>>, %arg6: memref<1x1x128xf32, #tpu.memory_space<vmem>>, %arg7: memref<1x9x256x128xf32, #tpu.memory_space<vmem>>, %arg8: memref<1x8x128xf32, #tpu.memory_space<vmem>>, %arg9: memref<8x128xf32, #tpu.memory_space<vmem>>) attributes {dimension_semantics = [#tpu.dimension_semantics<arbitrary>, #tpu.dimension_semantics<arbitrary>], iteration_bounds = array<i64: 3, 10>, scalar_prefetch = 0 : i64, scratch_operands = 1 : i64, tpu.core_type = #tpu.core_type<tc>, window_params = [{transform_indices = @transform_0, window_bounds = array<i64: 1, 9, 256, 128>}, {transform_indices = @transform_1, window_bounds = array<i64: 1, 1, 128>}, {transform_indices = @transform_2, window_bounds = array<i64: 1, 1, 128>}, {transform_indices = @transform_3, window_bounds = array<i64: 1, 128, 128>}, {transform_indices = @transform_4, window_bounds = array<i64: 1, 1, 128>}, {transform_indices = @transform_5, window_bounds = array<i64: 1, 9, 256, 128>}, {transform_indices = @transform_6, window_bounds = array<i64: 1, 8, 128>}]} {
    %eq3A = arith.constant 0 : i32
    %eq3A_0 = arith.cmpi eq, %arg1, %eq3A : i32
    %convert_element_type3A = arith.extui %eq3A_0 : i1 to i32
    %cond3A = arith.constant 0 : i32
    %cond3A_1 = arith.cmpi ne, %convert_element_type3A, %cond3A : i32
    scf.if %cond3A_1 {
      %broadcast_in_dim3A_67 = arith.constant 0.000000e+00 : f32
      %broadcast_in_dim3A_68 = vector.broadcast %broadcast_in_dim3A_67 : f32 to vector<8x128xf32>
      %swap3A_69 = arith.constant 0 : index
      %swap3A_70 = arith.constant 0 : index
      %swap3A_71 = vector.load %arg9[%swap3A_69, %swap3A_70] : memref<8x128xf32, #tpu.memory_space<vmem>>, vector<8x128xf32>
      tpu.vector_store %arg9[%swap3A_69, %swap3A_70], %broadcast_in_dim3A_68 {strides = array<i32>} : memref<8x128xf32, #tpu.memory_space<vmem>>, vector<8x128xf32>,
    } else {
    }
    %get3A = arith.constant 0 : index
    %get3A_2 = arith.constant 0 : index
    %get3A_3 = arith.constant 0 : index
    %get3A_4 = arith.constant 0 : index
    %get3A_5 = vector.load %arg2[%get3A, %get3A_2, %get3A_3, %get3A_4] : memref<1x9x256x128xf32, #tpu.memory_space<vmem>>, vector<1x9x256x128xf32>
    %get3A_6 = vector.shape_cast %get3A_5 : vector<1x9x256x128xf32> to vector<9x256x128xf32>
    %reshape3A = vector.shape_cast %get3A_6 : vector<9x256x128xf32> to vector<2304x128xf32>
    %get3A_7 = arith.constant 0 : index
    %get3A_8 = arith.constant 0 : index
    %get3A_9 = arith.constant 0 : index
    %get3A_10 = vector.load %arg3[%get3A_7, %get3A_8, %get3A_9] : memref<1x1x128xf32, #tpu.memory_space<vmem>>, vector<1x1x128xf32>
    %get3A_11 = vector.shape_cast %get3A_10 : vector<1x1x128xf32> to vector<1x128xf32>
    %mul3A = vector.broadcast %get3A_11 : vector<1x128xf32> to vector<2304x128xf32>
    %mul3A_12 = arith.mulf %reshape3A, %mul3A : vector<2304x128xf32>
    %get3A_13 = arith.constant 0 : index
    %get3A_14 = arith.constant 0 : index
    %get3A_15 = arith.constant 0 : index
    %get3A_16 = vector.load %arg4[%get3A_13, %get3A_14, %get3A_15] : memref<1x1x128xf32, #tpu.memory_space<vmem>>, vector<1x1x128xf32>
    %get3A_17 = vector.shape_cast %get3A_16 : vector<1x1x128xf32> to vector<1x128xf32>
    %add3A = vector.broadcast %get3A_17 : vector<1x128xf32> to vector<2304x128xf32>
    %add3A_18 = arith.addf %mul3A_12, %add3A : vector<2304x128xf32>
    %gt3A = arith.constant 0.000000e+00 : f32
    %gt3A_19 = vector.broadcast %gt3A : f32 to vector<2304x128xf32>
    %gt3A_20 = arith.cmpf ogt, %add3A_18, %gt3A_19 : vector<2304x128xf32>
    %exp3A = math.exp %add3A_18 : vector<2304x128xf32>
    %sub3A = arith.constant 1.000000e+00 : f32
    %sub3A_21 = vector.broadcast %sub3A : f32 to vector<2304x128xf32>
    %sub3A_22 = arith.subf %exp3A, %sub3A_21 : vector<2304x128xf32>
    %select_n3A = arith.select %gt3A_20, %add3A_18, %sub3A_22 : vector<2304x128xi1>, vector<2304x128xf32>
    %get3A_23 = arith.constant 0 : index
    %get3A_24 = arith.constant 0 : index
    %get3A_25 = arith.constant 0 : index
    %get3A_26 = vector.load %arg5[%get3A_23, %get3A_24, %get3A_25] : memref<1x128x128xf32, #tpu.memory_space<vmem>>, vector<1x128x128xf32>
    %get3A_27 = vector.shape_cast %get3A_26 : vector<1x128x128xf32> to vector<128x128xf32>
    %dot_general3A = arith.constant dense<0.000000e+00> : vector<2304x128xf32>
    %dot_general3A_28 = tpu.matmul %select_n3A, %get3A_27, %dot_general3A {dimension_numbers = #tpu.dot_dimension_numbers<[1], [0], [0], [1], [0, 0, 1, 1], [], []>, transpose_lhs_hint = false} : vector<2304x128xf32>, vector<128x128xf32>, vector<2304x128xf32> -> vector<2304x128xf32>
    %get3A_29 = arith.constant 0 : index
    %get3A_30 = arith.constant 0 : index
    %get3A_31 = arith.constant 0 : index
    %get3A_32 = vector.load %arg6[%get3A_29, %get3A_30, %get3A_31] : memref<1x1x128xf32, #tpu.memory_space<vmem>>, vector<1x1x128xf32>
    %get3A_33 = vector.shape_cast %get3A_32 : vector<1x1x128xf32> to vector<1x128xf32>
    %add3A_34 = vector.broadcast %get3A_33 : vector<1x128xf32> to vector<2304x128xf32>
    %add3A_35 = arith.addf %dot_general3A_28, %add3A_34 : vector<2304x128xf32>
    %reshape3A_36 = vector.shape_cast %add3A_35 : vector<2304x128xf32> to vector<9x256x128xf32>
    %swap3A = arith.constant 0 : index
    %swap3A_37 = arith.constant 0 : index
    %swap3A_38 = arith.constant 0 : index
    %swap3A_39 = arith.constant 0 : index
    %swap3A_40 = vector.load %arg7[%swap3A, %swap3A_37, %swap3A_38, %swap3A_39] : memref<1x9x256x128xf32, #tpu.memory_space<vmem>>, vector<1x9x256x128xf32>
    %swap3A_41 = vector.shape_cast %swap3A_40 : vector<1x9x256x128xf32> to vector<9x256x128xf32>
    %swap3A_42 = vector.shape_cast %reshape3A_36 : vector<9x256x128xf32> to vector<1x9x256x128xf32>
    tpu.vector_store %arg7[%swap3A, %swap3A_37, %swap3A_38, %swap3A_39], %swap3A_42 {strides = array<i32>} : memref<1x9x256x128xf32, #tpu.memory_space<vmem>>, vector<1x9x256x128xf32>,
    %get3A_43 = arith.constant 0 : index
    %get3A_44 = arith.constant 0 : index
    %get3A_45 = vector.load %arg9[%get3A_43, %get3A_44] : memref<8x128xf32, #tpu.memory_space<vmem>>, vector<1x128xf32>
    %reduce_sum3A = arith.constant dense<0.000000e+00> : vector<128xf32>
    %reduce_sum3A_46 = vector.multi_reduction <add>, %add3A_35, %reduce_sum3A [0] : vector<2304x128xf32> to vector<128xf32>
    %broadcast_in_dim3A = vector.shape_cast %reduce_sum3A_46 : vector<128xf32> to vector<1x128xf32>
    %add3A_47 = arith.addf %get3A_45, %broadcast_in_dim3A : vector<1x128xf32>
    %swap3A_48 = arith.constant 0 : index
    %swap3A_49 = arith.constant 0 : index
    %swap3A_50 = vector.load %arg9[%swap3A_48, %swap3A_49] : memref<8x128xf32, #tpu.memory_space<vmem>>, vector<1x128xf32>
    tpu.vector_store %arg9[%swap3A_48, %swap3A_49], %add3A_47 {strides = array<i32>} : memref<8x128xf32, #tpu.memory_space<vmem>>, vector<1x128xf32>,
    %get3A_51 = arith.constant 1 : index
    %get3A_52 = arith.constant 0 : index
    %get3A_53 = vector.load %arg9[%get3A_51, %get3A_52] : memref<8x128xf32, #tpu.memory_space<vmem>>, vector<1x128xf32>
    %mul3A_54 = arith.mulf %add3A_35, %add3A_35 : vector<2304x128xf32>
    %reduce_sum3A_55 = arith.constant dense<0.000000e+00> : vector<128xf32>
    %reduce_sum3A_56 = vector.multi_reduction <add>, %mul3A_54, %reduce_sum3A_55 [0] : vector<2304x128xf32> to vector<128xf32>
    %broadcast_in_dim3A_57 = vector.shape_cast %reduce_sum3A_56 : vector<128xf32> to vector<1x128xf32>
    %add3A_58 = arith.addf %get3A_53, %broadcast_in_dim3A_57 : vector<1x128xf32>
    %swap3A_59 = arith.constant 1 : index
    %swap3A_60 = arith.constant 0 : index
    %swap3A_61 = vector.load %arg9[%swap3A_59, %swap3A_60] : memref<8x128xf32, #tpu.memory_space<vmem>>, vector<1x128xf32>
    tpu.vector_store %arg9[%swap3A_59, %swap3A_60], %add3A_58 {strides = array<i32>} : memref<8x128xf32, #tpu.memory_space<vmem>>, vector<1x128xf32>,
    %eq3A_62 = arith.constant 9 : i32
    %eq3A_63 = arith.cmpi eq, %arg1, %eq3A_62 : i32
    %convert_element_type3A_64 = arith.extui %eq3A_63 : i1 to i32
    %cond3A_65 = arith.constant 0 : i32
    %cond3A_66 = arith.cmpi ne, %convert_element_type3A_64, %cond3A_65 : i32
    scf.if %cond3A_66 {
      %get3A_67 = arith.constant 0 : index
      %get3A_68 = arith.constant 0 : index
      %get3A_69 = vector.load %arg9[%get3A_67, %get3A_68] : memref<8x128xf32, #tpu.memory_space<vmem>>, vector<8x128xf32>
      %swap3A_70 = arith.constant 0 : index
      %swap3A_71 = arith.constant 0 : index
      %swap3A_72 = arith.constant 0 : index
      %swap3A_73 = vector.load %arg8[%swap3A_70, %swap3A_71, %swap3A_72] : memref<1x8x128xf32, #tpu.memory_space<vmem>>, vector<1x8x128xf32>
      %swap3A_74 = vector.shape_cast %swap3A_73 : vector<1x8x128xf32> to vector<8x128xf32>
      %swap3A_75 = vector.shape_cast %get3A_69 : vector<8x128xf32> to vector<1x8x128xf32>
      tpu.vector_store %arg8[%swap3A_70, %swap3A_71, %swap3A_72], %swap3A_75 {strides = array<i32>} : memref<1x8x128xf32, #tpu.memory_space<vmem>>, vector<1x8x128xf32>,
    } else {
    }
    return
  }
  func.func @transform_0(%arg0: i32, %arg1: i32) -> (i32, i32, i32, i32) {
    %c0_i32 = arith.constant 0 : i32
    %c0_i32_0 = arith.constant 0 : i32
    %c0_i32_1 = arith.constant 0 : i32
    return %arg0, %arg1, %c0_i32, %c0_i32_0 : i32, i32, i32, i32
  }
  func.func @transform_1(%arg0: i32, %arg1: i32) -> (i32, i32, i32) {
    %c0_i32 = arith.constant 0 : i32
    %c0_i32_0 = arith.constant 0 : i32
    %c0_i32_1 = arith.constant 0 : i32
    return %arg0, %c0_i32, %c0_i32_0 : i32, i32, i32
  }
  func.func @transform_2(%arg0: i32, %arg1: i32) -> (i32, i32, i32) {
    %c0_i32 = arith.constant 0 : i32
    %c0_i32_0 = arith.constant 0 : i32
    %c0_i32_1 = arith.constant 0 : i32
    return %arg0, %c0_i32, %c0_i32_0 : i32, i32, i32
  }
  func.func @transform_3(%arg0: i32, %arg1: i32) -> (i32, i32, i32) {
    %c0_i32 = arith.constant 0 : i32
    %c0_i32_0 = arith.constant 0 : i32
    %c0_i32_1 = arith.constant 0 : i32
    return %arg0, %c0_i32, %c0_i32_0 : i32, i32, i32
  }
  func.func @transform_4(%arg0: i32, %arg1: i32) -> (i32, i32, i32) {
    %c0_i32 = arith.constant 0 : i32
    %c0_i32_0 = arith.constant 0 : i32
    %c0_i32_1 = arith.constant 0 : i32
    return %arg0, %c0_i32, %c0_i32_0 : i32, i32, i32
  }
  func.func @transform_5(%arg0: i32, %arg1: i32) -> (i32, i32, i32, i32) {
    %c0_i32 = arith.constant 0 : i32
    %c0_i32_0 = arith.constant 0 : i32
    %c0_i32_1 = arith.constant 0 : i32
    return %arg0, %arg1, %c0_i32, %c0_i32_0 : i32, i32, i32, i32
  }
  func.func @transform_6(%arg0: i32, %arg1: i32) -> (i32, i32, i32) {
    %c0_i32 = arith.constant 0 : i32
    %c0_i32_0 = arith.constant 0 : i32
    %c0_i32_1 = arith.constant 0 : i32
    return %arg0, %c0_i32, %c0_i32_0 : i32, i32, i32
  }
}

module attributes {stable_mosaic.version = 14 : i64} {
  func.func @_k3_body(%arg0: i32, %arg1: memref<3x3x256x128xf32, #tpu.memory_space<vmem>>, %arg2: memref<3x1x128xf32, #tpu.memory_space<vmem>>, %arg3: memref<3x1x128xf32, #tpu.memory_space<vmem>>, %arg4: memref<9x384x128xf32, #tpu.memory_space<vmem>>, %arg5: memref<9x1x384xf32, #tpu.memory_space<vmem>>, %arg6: memref<64x9x4x384xbf16, #tpu.memory_space<vmem>>) attributes {dimension_semantics = [#tpu.dimension_semantics<arbitrary>], iteration_bounds = array<i64: 30>, scalar_prefetch = 0 : i64, scratch_operands = 0 : i64, tpu.core_type = #tpu.core_type<tc>, window_params = [{transform_indices = @transform_0, window_bounds = array<i64: 3, 3, 256, 128>}, {pipeline_mode = #tpu.pipeline_mode<synchronous>, transform_indices = @transform_1, window_bounds = array<i64: 3, 1, 128>}, {pipeline_mode = #tpu.pipeline_mode<synchronous>, transform_indices = @transform_2, window_bounds = array<i64: 3, 1, 128>}, {transform_indices = @transform_3, window_bounds = array<i64: 9, 384, 128>}, {transform_indices = @transform_4, window_bounds = array<i64: 9, 1, 384>}, {transform_indices = @transform_5, window_bounds = array<i64: 64, 9, 4, 384>}]} {
    %get3A = arith.constant 0 : index
    %get3A_0 = arith.constant 0 : index
    %get3A_1 = arith.constant 0 : index
    %get3A_2 = arith.constant 0 : index
    %get3A_3 = vector.load %arg1[%get3A, %get3A_0, %get3A_1, %get3A_2] : memref<3x3x256x128xf32, #tpu.memory_space<vmem>>, vector<1x1x256x128xf32>
    %get3A_4 = vector.shape_cast %get3A_3 : vector<1x1x256x128xf32> to vector<256x128xf32>
    %get3A_5 = arith.constant 0 : index
    %get3A_6 = arith.constant 0 : index
    %get3A_7 = arith.constant 0 : index
    %get3A_8 = vector.load %arg2[%get3A_5, %get3A_6, %get3A_7] : memref<3x1x128xf32, #tpu.memory_space<vmem>>, vector<1x1x128xf32>
    %get3A_9 = vector.shape_cast %get3A_8 : vector<1x1x128xf32> to vector<1x128xf32>
    %mul3A = vector.broadcast %get3A_9 : vector<1x128xf32> to vector<256x128xf32>
    %mul3A_10 = arith.mulf %get3A_4, %mul3A : vector<256x128xf32>
    %get3A_11 = arith.constant 0 : index
    %get3A_12 = arith.constant 0 : index
    %get3A_13 = arith.constant 0 : index
    %get3A_14 = vector.load %arg3[%get3A_11, %get3A_12, %get3A_13] : memref<3x1x128xf32, #tpu.memory_space<vmem>>, vector<1x1x128xf32>
    %get3A_15 = vector.shape_cast %get3A_14 : vector<1x1x128xf32> to vector<1x128xf32>
    %add3A = vector.broadcast %get3A_15 : vector<1x128xf32> to vector<256x128xf32>
    %add3A_16 = arith.addf %mul3A_10, %add3A : vector<256x128xf32>
    %max3A = arith.constant 0.000000e+00 : f32
    %max3A_17 = vector.broadcast %max3A : f32 to vector<256x128xf32>
    %max3A_18 = arith.maximumf %add3A_16, %max3A_17 : vector<256x128xf32>
    %get3A_19 = arith.constant 0 : index
    %get3A_20 = arith.constant 0 : index
    %get3A_21 = arith.constant 0 : index
    %get3A_22 = vector.load %arg4[%get3A_19, %get3A_20, %get3A_21] : memref<9x384x128xf32, #tpu.memory_space<vmem>>, vector<1x384x128xf32>
    %get3A_23 = vector.shape_cast %get3A_22 : vector<1x384x128xf32> to vector<384x128xf32>
    %dot_general3A = arith.constant dense<0.000000e+00> : vector<256x384xf32>
    %dot_general3A_24 = tpu.matmul %max3A_18, %get3A_23, %dot_general3A {dimension_numbers = #tpu.dot_dimension_numbers<[1], [1], [0], [0], [0, 0, 1, 0], [], []>, transpose_lhs_hint = false} : vector<256x128xf32>, vector<384x128xf32>, vector<256x384xf32> -> vector<256x384xf32>
    %get3A_25 = arith.constant 0 : index
    %get3A_26 = arith.constant 0 : index
    %get3A_27 = arith.constant 0 : index
    %get3A_28 = vector.load %arg5[%get3A_25, %get3A_26, %get3A_27] : memref<9x1x384xf32, #tpu.memory_space<vmem>>, vector<1x1x384xf32>
    %get3A_29 = vector.shape_cast %get3A_28 : vector<1x1x384xf32> to vector<1x384xf32>
    %add3A_30 = vector.broadcast %get3A_29 : vector<1x384xf32> to vector<256x384xf32>
    %add3A_31 = arith.addf %dot_general3A_24, %add3A_30 : vector<256x384xf32>
    %convert_element_type3A = arith.truncf %add3A_31 : vector<256x384xf32> to vector<256x384xbf16>
    %reshape3A = vector.shape_cast %convert_element_type3A : vector<256x384xbf16> to vector<64x4x384xbf16>
    %swap3A = arith.constant 0 : index
    %swap3A_32 = arith.constant 0 : index
    %swap3A_33 = arith.constant 0 : index
    %swap3A_34 = arith.constant 0 : index
    %swap3A_35 = vector.load %arg6[%swap3A, %swap3A_32, %swap3A_33, %swap3A_34] : memref<64x9x4x384xbf16, #tpu.memory_space<vmem>>, vector<64x1x4x384xbf16>
    %swap3A_36 = vector.shape_cast %swap3A_35 : vector<64x1x4x384xbf16> to vector<64x4x384xbf16>
    %swap3A_37 = vector.shape_cast %reshape3A : vector<64x4x384xbf16> to vector<64x1x4x384xbf16>
    tpu.vector_store %arg6[%swap3A, %swap3A_32, %swap3A_33, %swap3A_34], %swap3A_37 {strides = array<i32>} : memref<64x9x4x384xbf16, #tpu.memory_space<vmem>>, vector<64x1x4x384xbf16>,
    %get3A_38 = arith.constant 1 : index
    %get3A_39 = arith.constant 0 : index
    %get3A_40 = arith.constant 0 : index
    %get3A_41 = arith.constant 0 : index
    %get3A_42 = vector.load %arg1[%get3A_38, %get3A_39, %get3A_40, %get3A_41] : memref<3x3x256x128xf32, #tpu.memory_space<vmem>>, vector<1x1x256x128xf32>
    %get3A_43 = vector.shape_cast %get3A_42 : vector<1x1x256x128xf32> to vector<256x128xf32>
    %get3A_44 = arith.constant 1 : index
    %get3A_45 = arith.constant 0 : index
    %get3A_46 = arith.constant 0 : index
    %get3A_47 = vector.load %arg2[%get3A_44, %get3A_45, %get3A_46] : memref<3x1x128xf32, #tpu.memory_space<vmem>>, vector<1x1x128xf32>
    %get3A_48 = vector.shape_cast %get3A_47 : vector<1x1x128xf32> to vector<1x128xf32>
    %mul3A_49 = vector.broadcast %get3A_48 : vector<1x128xf32> to vector<256x128xf32>
    %mul3A_50 = arith.mulf %get3A_43, %mul3A_49 : vector<256x128xf32>
    %get3A_51 = arith.constant 1 : index
    %get3A_52 = arith.constant 0 : index
    %get3A_53 = arith.constant 0 : index
    %get3A_54 = vector.load %arg3[%get3A_51, %get3A_52, %get3A_53] : memref<3x1x128xf32, #tpu.memory_space<vmem>>, vector<1x1x128xf32>
    %get3A_55 = vector.shape_cast %get3A_54 : vector<1x1x128xf32> to vector<1x128xf32>
    %add3A_56 = vector.broadcast %get3A_55 : vector<1x128xf32> to vector<256x128xf32>
    %add3A_57 = arith.addf %mul3A_50, %add3A_56 : vector<256x128xf32>
    %max3A_58 = arith.constant 0.000000e+00 : f32
    %max3A_59 = vector.broadcast %max3A_58 : f32 to vector<256x128xf32>
    %max3A_60 = arith.maximumf %add3A_57, %max3A_59 : vector<256x128xf32>
    %get3A_61 = arith.constant 1 : index
    %get3A_62 = arith.constant 0 : index
    %get3A_63 = arith.constant 0 : index
    %get3A_64 = vector.load %arg4[%get3A_61, %get3A_62, %get3A_63] : memref<9x384x128xf32, #tpu.memory_space<vmem>>, vector<1x384x128xf32>
    %get3A_65 = vector.shape_cast %get3A_64 : vector<1x384x128xf32> to vector<384x128xf32>
    %dot_general3A_66 = arith.constant dense<0.000000e+00> : vector<256x384xf32>
    %dot_general3A_67 = tpu.matmul %max3A_60, %get3A_65, %dot_general3A_66 {dimension_numbers = #tpu.dot_dimension_numbers<[1], [1], [0], [0], [0, 0, 1, 0], [], []>, transpose_lhs_hint = false} : vector<256x128xf32>, vector<384x128xf32>, vector<256x384xf32> -> vector<256x384xf32>
    %get3A_68 = arith.constant 1 : index
    %get3A_69 = arith.constant 0 : index
    %get3A_70 = arith.constant 0 : index
    %get3A_71 = vector.load %arg5[%get3A_68, %get3A_69, %get3A_70] : memref<9x1x384xf32, #tpu.memory_space<vmem>>, vector<1x1x384xf32>
    %get3A_72 = vector.shape_cast %get3A_71 : vector<1x1x384xf32> to vector<1x384xf32>
    %add3A_73 = vector.broadcast %get3A_72 : vector<1x384xf32> to vector<256x384xf32>
    %add3A_74 = arith.addf %dot_general3A_67, %add3A_73 : vector<256x384xf32>
    %convert_element_type3A_75 = arith.truncf %add3A_74 : vector<256x384xf32> to vector<256x384xbf16>
    %reshape3A_76 = vector.shape_cast %convert_element_type3A_75 : vector<256x384xbf16> to vector<64x4x384xbf16>
    %swap3A_77 = arith.constant 0 : index
    %swap3A_78 = arith.constant 1 : index
    %swap3A_79 = arith.constant 0 : index
    %swap3A_80 = arith.constant 0 : index
    %swap3A_81 = vector.load %arg6[%swap3A_77, %swap3A_78, %swap3A_79, %swap3A_80] : memref<64x9x4x384xbf16, #tpu.memory_space<vmem>>, vector<64x1x4x384xbf16>
    %swap3A_82 = vector.shape_cast %swap3A_81 : vector<64x1x4x384xbf16> to vector<64x4x384xbf16>
    %swap3A_83 = vector.shape_cast %reshape3A_76 : vector<64x4x384xbf16> to vector<64x1x4x384xbf16>
    tpu.vector_store %arg6[%swap3A_77, %swap3A_78, %swap3A_79, %swap3A_80], %swap3A_83 {strides = array<i32>} : memref<64x9x4x384xbf16, #tpu.memory_space<vmem>>, vector<64x1x4x384xbf16>,
    %get3A_84 = arith.constant 2 : index
    %get3A_85 = arith.constant 0 : index
    %get3A_86 = arith.constant 0 : index
    %get3A_87 = arith.constant 0 : index
    %get3A_88 = vector.load %arg1[%get3A_84, %get3A_85, %get3A_86, %get3A_87] : memref<3x3x256x128xf32, #tpu.memory_space<vmem>>, vector<1x1x256x128xf32>
    %get3A_89 = vector.shape_cast %get3A_88 : vector<1x1x256x128xf32> to vector<256x128xf32>
    %get3A_90 = arith.constant 2 : index
    %get3A_91 = arith.constant 0 : index
    %get3A_92 = arith.constant 0 : index
    %get3A_93 = vector.load %arg2[%get3A_90, %get3A_91, %get3A_92] : memref<3x1x128xf32, #tpu.memory_space<vmem>>, vector<1x1x128xf32>
    %get3A_94 = vector.shape_cast %get3A_93 : vector<1x1x128xf32> to vector<1x128xf32>
    %mul3A_95 = vector.broadcast %get3A_94 : vector<1x128xf32> to vector<256x128xf32>
    %mul3A_96 = arith.mulf %get3A_89, %mul3A_95 : vector<256x128xf32>
    %get3A_97 = arith.constant 2 : index
    %get3A_98 = arith.constant 0 : index
    %get3A_99 = arith.constant 0 : index
    %get3A_100 = vector.load %arg3[%get3A_97, %get3A_98, %get3A_99] : memref<3x1x128xf32, #tpu.memory_space<vmem>>, vector<1x1x128xf32>
    %get3A_101 = vector.shape_cast %get3A_100 : vector<1x1x128xf32> to vector<1x128xf32>
    %add3A_102 = vector.broadcast %get3A_101 : vector<1x128xf32> to vector<256x128xf32>
    %add3A_103 = arith.addf %mul3A_96, %add3A_102 : vector<256x128xf32>
    %max3A_104 = arith.constant 0.000000e+00 : f32
    %max3A_105 = vector.broadcast %max3A_104 : f32 to vector<256x128xf32>
    %max3A_106 = arith.maximumf %add3A_103, %max3A_105 : vector<256x128xf32>
    %get3A_107 = arith.constant 2 : index
    %get3A_108 = arith.constant 0 : index
    %get3A_109 = arith.constant 0 : index
    %get3A_110 = vector.load %arg4[%get3A_107, %get3A_108, %get3A_109] : memref<9x384x128xf32, #tpu.memory_space<vmem>>, vector<1x384x128xf32>
    %get3A_111 = vector.shape_cast %get3A_110 : vector<1x384x128xf32> to vector<384x128xf32>
    %dot_general3A_112 = arith.constant dense<0.000000e+00> : vector<256x384xf32>
    %dot_general3A_113 = tpu.matmul %max3A_106, %get3A_111, %dot_general3A_112 {dimension_numbers = #tpu.dot_dimension_numbers<[1], [1], [0], [0], [0, 0, 1, 0], [], []>, transpose_lhs_hint = false} : vector<256x128xf32>, vector<384x128xf32>, vector<256x384xf32> -> vector<256x384xf32>
    %get3A_114 = arith.constant 2 : index
    %get3A_115 = arith.constant 0 : index
    %get3A_116 = arith.constant 0 : index
    %get3A_117 = vector.load %arg5[%get3A_114, %get3A_115, %get3A_116] : memref<9x1x384xf32, #tpu.memory_space<vmem>>, vector<1x1x384xf32>
    %get3A_118 = vector.shape_cast %get3A_117 : vector<1x1x384xf32> to vector<1x384xf32>
    %add3A_119 = vector.broadcast %get3A_118 : vector<1x384xf32> to vector<256x384xf32>
    %add3A_120 = arith.addf %dot_general3A_113, %add3A_119 : vector<256x384xf32>
    %convert_element_type3A_121 = arith.truncf %add3A_120 : vector<256x384xf32> to vector<256x384xbf16>
    %reshape3A_122 = vector.shape_cast %convert_element_type3A_121 : vector<256x384xbf16> to vector<64x4x384xbf16>
    %swap3A_123 = arith.constant 0 : index
    %swap3A_124 = arith.constant 2 : index
    %swap3A_125 = arith.constant 0 : index
    %swap3A_126 = arith.constant 0 : index
    %swap3A_127 = vector.load %arg6[%swap3A_123, %swap3A_124, %swap3A_125, %swap3A_126] : memref<64x9x4x384xbf16, #tpu.memory_space<vmem>>, vector<64x1x4x384xbf16>
    %swap3A_128 = vector.shape_cast %swap3A_127 : vector<64x1x4x384xbf16> to vector<64x4x384xbf16>
    %swap3A_129 = vector.shape_cast %reshape3A_122 : vector<64x4x384xbf16> to vector<64x1x4x384xbf16>
    tpu.vector_store %arg6[%swap3A_123, %swap3A_124, %swap3A_125, %swap3A_126], %swap3A_129 {strides = array<i32>} : memref<64x9x4x384xbf16, #tpu.memory_space<vmem>>, vector<64x1x4x384xbf16>,
    %get3A_130 = arith.constant 0 : index
    %get3A_131 = arith.constant 1 : index
    %get3A_132 = arith.constant 0 : index
    %get3A_133 = arith.constant 0 : index
    %get3A_134 = vector.load %arg1[%get3A_130, %get3A_131, %get3A_132, %get3A_133] : memref<3x3x256x128xf32, #tpu.memory_space<vmem>>, vector<1x1x256x128xf32>
    %get3A_135 = vector.shape_cast %get3A_134 : vector<1x1x256x128xf32> to vector<256x128xf32>
    %get3A_136 = arith.constant 0 : index
    %get3A_137 = arith.constant 0 : index
    %get3A_138 = arith.constant 0 : index
    %get3A_139 = vector.load %arg2[%get3A_136, %get3A_137, %get3A_138] : memref<3x1x128xf32, #tpu.memory_space<vmem>>, vector<1x1x128xf32>
    %get3A_140 = vector.shape_cast %get3A_139 : vector<1x1x128xf32> to vector<1x128xf32>
    %mul3A_141 = vector.broadcast %get3A_140 : vector<1x128xf32> to vector<256x128xf32>
    %mul3A_142 = arith.mulf %get3A_135, %mul3A_141 : vector<256x128xf32>
    %get3A_143 = arith.constant 0 : index
    %get3A_144 = arith.constant 0 : index
    %get3A_145 = arith.constant 0 : index
    %get3A_146 = vector.load %arg3[%get3A_143, %get3A_144, %get3A_145] : memref<3x1x128xf32, #tpu.memory_space<vmem>>, vector<1x1x128xf32>
    %get3A_147 = vector.shape_cast %get3A_146 : vector<1x1x128xf32> to vector<1x128xf32>
    %add3A_148 = vector.broadcast %get3A_147 : vector<1x128xf32> to vector<256x128xf32>
    %add3A_149 = arith.addf %mul3A_142, %add3A_148 : vector<256x128xf32>
    %max3A_150 = arith.constant 0.000000e+00 : f32
    %max3A_151 = vector.broadcast %max3A_150 : f32 to vector<256x128xf32>
    %max3A_152 = arith.maximumf %add3A_149, %max3A_151 : vector<256x128xf32>
    %get3A_153 = arith.constant 3 : index
    %get3A_154 = arith.constant 0 : index
    %get3A_155 = arith.constant 0 : index
    %get3A_156 = vector.load %arg4[%get3A_153, %get3A_154, %get3A_155] : memref<9x384x128xf32, #tpu.memory_space<vmem>>, vector<1x384x128xf32>
    %get3A_157 = vector.shape_cast %get3A_156 : vector<1x384x128xf32> to vector<384x128xf32>
    %dot_general3A_158 = arith.constant dense<0.000000e+00> : vector<256x384xf32>
    %dot_general3A_159 = tpu.matmul %max3A_152, %get3A_157, %dot_general3A_158 {dimension_numbers = #tpu.dot_dimension_numbers<[1], [1], [0], [0], [0, 0, 1, 0], [], []>, transpose_lhs_hint = false} : vector<256x128xf32>, vector<384x128xf32>, vector<256x384xf32> -> vector<256x384xf32>
    %get3A_160 = arith.constant 3 : index
    %get3A_161 = arith.constant 0 : index
    %get3A_162 = arith.constant 0 : index
    %get3A_163 = vector.load %arg5[%get3A_160, %get3A_161, %get3A_162] : memref<9x1x384xf32, #tpu.memory_space<vmem>>, vector<1x1x384xf32>
    %get3A_164 = vector.shape_cast %get3A_163 : vector<1x1x384xf32> to vector<1x384xf32>
    %add3A_165 = vector.broadcast %get3A_164 : vector<1x384xf32> to vector<256x384xf32>
    %add3A_166 = arith.addf %dot_general3A_159, %add3A_165 : vector<256x384xf32>
    %convert_element_type3A_167 = arith.truncf %add3A_166 : vector<256x384xf32> to vector<256x384xbf16>
    %reshape3A_168 = vector.shape_cast %convert_element_type3A_167 : vector<256x384xbf16> to vector<64x4x384xbf16>
    %swap3A_169 = arith.constant 0 : index
    %swap3A_170 = arith.constant 3 : index
    %swap3A_171 = arith.constant 0 : index
    %swap3A_172 = arith.constant 0 : index
    %swap3A_173 = vector.load %arg6[%swap3A_169, %swap3A_170, %swap3A_171, %swap3A_172] : memref<64x9x4x384xbf16, #tpu.memory_space<vmem>>, vector<64x1x4x384xbf16>
    %swap3A_174 = vector.shape_cast %swap3A_173 : vector<64x1x4x384xbf16> to vector<64x4x384xbf16>
    %swap3A_175 = vector.shape_cast %reshape3A_168 : vector<64x4x384xbf16> to vector<64x1x4x384xbf16>
    tpu.vector_store %arg6[%swap3A_169, %swap3A_170, %swap3A_171, %swap3A_172], %swap3A_175 {strides = array<i32>} : memref<64x9x4x384xbf16, #tpu.memory_space<vmem>>, vector<64x1x4x384xbf16>,
    %get3A_176 = arith.constant 1 : index
    %get3A_177 = arith.constant 1 : index
    %get3A_178 = arith.constant 0 : index
    %get3A_179 = arith.constant 0 : index
    %get3A_180 = vector.load %arg1[%get3A_176, %get3A_177, %get3A_178, %get3A_179] : memref<3x3x256x128xf32, #tpu.memory_space<vmem>>, vector<1x1x256x128xf32>
    %get3A_181 = vector.shape_cast %get3A_180 : vector<1x1x256x128xf32> to vector<256x128xf32>
    %get3A_182 = arith.constant 1 : index
    %get3A_183 = arith.constant 0 : index
    %get3A_184 = arith.constant 0 : index
    %get3A_185 = vector.load %arg2[%get3A_182, %get3A_183, %get3A_184] : memref<3x1x128xf32, #tpu.memory_space<vmem>>, vector<1x1x128xf32>
    %get3A_186 = vector.shape_cast %get3A_185 : vector<1x1x128xf32> to vector<1x128xf32>
    %mul3A_187 = vector.broadcast %get3A_186 : vector<1x128xf32> to vector<256x128xf32>
    %mul3A_188 = arith.mulf %get3A_181, %mul3A_187 : vector<256x128xf32>
    %get3A_189 = arith.constant 1 : index
    %get3A_190 = arith.constant 0 : index
    %get3A_191 = arith.constant 0 : index
    %get3A_192 = vector.load %arg3[%get3A_189, %get3A_190, %get3A_191] : memref<3x1x128xf32, #tpu.memory_space<vmem>>, vector<1x1x128xf32>
    %get3A_193 = vector.shape_cast %get3A_192 : vector<1x1x128xf32> to vector<1x128xf32>
    %add3A_194 = vector.broadcast %get3A_193 : vector<1x128xf32> to vector<256x128xf32>
    %add3A_195 = arith.addf %mul3A_188, %add3A_194 : vector<256x128xf32>
    %max3A_196 = arith.constant 0.000000e+00 : f32
    %max3A_197 = vector.broadcast %max3A_196 : f32 to vector<256x128xf32>
    %max3A_198 = arith.maximumf %add3A_195, %max3A_197 : vector<256x128xf32>
    %get3A_199 = arith.constant 4 : index
    %get3A_200 = arith.constant 0 : index
    %get3A_201 = arith.constant 0 : index
    %get3A_202 = vector.load %arg4[%get3A_199, %get3A_200, %get3A_201] : memref<9x384x128xf32, #tpu.memory_space<vmem>>, vector<1x384x128xf32>
    %get3A_203 = vector.shape_cast %get3A_202 : vector<1x384x128xf32> to vector<384x128xf32>
    %dot_general3A_204 = arith.constant dense<0.000000e+00> : vector<256x384xf32>
    %dot_general3A_205 = tpu.matmul %max3A_198, %get3A_203, %dot_general3A_204 {dimension_numbers = #tpu.dot_dimension_numbers<[1], [1], [0], [0], [0, 0, 1, 0], [], []>, transpose_lhs_hint = false} : vector<256x128xf32>, vector<384x128xf32>, vector<256x384xf32> -> vector<256x384xf32>
    %get3A_206 = arith.constant 4 : index
    %get3A_207 = arith.constant 0 : index
    %get3A_208 = arith.constant 0 : index
    %get3A_209 = vector.load %arg5[%get3A_206, %get3A_207, %get3A_208] : memref<9x1x384xf32, #tpu.memory_space<vmem>>, vector<1x1x384xf32>
    %get3A_210 = vector.shape_cast %get3A_209 : vector<1x1x384xf32> to vector<1x384xf32>
    %add3A_211 = vector.broadcast %get3A_210 : vector<1x384xf32> to vector<256x384xf32>
    %add3A_212 = arith.addf %dot_general3A_205, %add3A_211 : vector<256x384xf32>
    %convert_element_type3A_213 = arith.truncf %add3A_212 : vector<256x384xf32> to vector<256x384xbf16>
    %reshape3A_214 = vector.shape_cast %convert_element_type3A_213 : vector<256x384xbf16> to vector<64x4x384xbf16>
    %swap3A_215 = arith.constant 0 : index
    %swap3A_216 = arith.constant 4 : index
    %swap3A_217 = arith.constant 0 : index
    %swap3A_218 = arith.constant 0 : index
    %swap3A_219 = vector.load %arg6[%swap3A_215, %swap3A_216, %swap3A_217, %swap3A_218] : memref<64x9x4x384xbf16, #tpu.memory_space<vmem>>, vector<64x1x4x384xbf16>
    %swap3A_220 = vector.shape_cast %swap3A_219 : vector<64x1x4x384xbf16> to vector<64x4x384xbf16>
    %swap3A_221 = vector.shape_cast %reshape3A_214 : vector<64x4x384xbf16> to vector<64x1x4x384xbf16>
    tpu.vector_store %arg6[%swap3A_215, %swap3A_216, %swap3A_217, %swap3A_218], %swap3A_221 {strides = array<i32>} : memref<64x9x4x384xbf16, #tpu.memory_space<vmem>>, vector<64x1x4x384xbf16>,
    %get3A_222 = arith.constant 2 : index
    %get3A_223 = arith.constant 1 : index
    %get3A_224 = arith.constant 0 : index
    %get3A_225 = arith.constant 0 : index
    %get3A_226 = vector.load %arg1[%get3A_222, %get3A_223, %get3A_224, %get3A_225] : memref<3x3x256x128xf32, #tpu.memory_space<vmem>>, vector<1x1x256x128xf32>
    %get3A_227 = vector.shape_cast %get3A_226 : vector<1x1x256x128xf32> to vector<256x128xf32>
    %get3A_228 = arith.constant 2 : index
    %get3A_229 = arith.constant 0 : index
    %get3A_230 = arith.constant 0 : index
    %get3A_231 = vector.load %arg2[%get3A_228, %get3A_229, %get3A_230] : memref<3x1x128xf32, #tpu.memory_space<vmem>>, vector<1x1x128xf32>
    %get3A_232 = vector.shape_cast %get3A_231 : vector<1x1x128xf32> to vector<1x128xf32>
    %mul3A_233 = vector.broadcast %get3A_232 : vector<1x128xf32> to vector<256x128xf32>
    %mul3A_234 = arith.mulf %get3A_227, %mul3A_233 : vector<256x128xf32>
    %get3A_235 = arith.constant 2 : index
    %get3A_236 = arith.constant 0 : index
    %get3A_237 = arith.constant 0 : index
    %get3A_238 = vector.load %arg3[%get3A_235, %get3A_236, %get3A_237] : memref<3x1x128xf32, #tpu.memory_space<vmem>>, vector<1x1x128xf32>
    %get3A_239 = vector.shape_cast %get3A_238 : vector<1x1x128xf32> to vector<1x128xf32>
    %add3A_240 = vector.broadcast %get3A_239 : vector<1x128xf32> to vector<256x128xf32>
    %add3A_241 = arith.addf %mul3A_234, %add3A_240 : vector<256x128xf32>
    %max3A_242 = arith.constant 0.000000e+00 : f32
    %max3A_243 = vector.broadcast %max3A_242 : f32 to vector<256x128xf32>
    %max3A_244 = arith.maximumf %add3A_241, %max3A_243 : vector<256x128xf32>
    %get3A_245 = arith.constant 5 : index
    %get3A_246 = arith.constant 0 : index
    %get3A_247 = arith.constant 0 : index
    %get3A_248 = vector.load %arg4[%get3A_245, %get3A_246, %get3A_247] : memref<9x384x128xf32, #tpu.memory_space<vmem>>, vector<1x384x128xf32>
    %get3A_249 = vector.shape_cast %get3A_248 : vector<1x384x128xf32> to vector<384x128xf32>
    %dot_general3A_250 = arith.constant dense<0.000000e+00> : vector<256x384xf32>
    %dot_general3A_251 = tpu.matmul %max3A_244, %get3A_249, %dot_general3A_250 {dimension_numbers = #tpu.dot_dimension_numbers<[1], [1], [0], [0], [0, 0, 1, 0], [], []>, transpose_lhs_hint = false} : vector<256x128xf32>, vector<384x128xf32>, vector<256x384xf32> -> vector<256x384xf32>
    %get3A_252 = arith.constant 5 : index
    %get3A_253 = arith.constant 0 : index
    %get3A_254 = arith.constant 0 : index
    %get3A_255 = vector.load %arg5[%get3A_252, %get3A_253, %get3A_254] : memref<9x1x384xf32, #tpu.memory_space<vmem>>, vector<1x1x384xf32>
    %get3A_256 = vector.shape_cast %get3A_255 : vector<1x1x384xf32> to vector<1x384xf32>
    %add3A_257 = vector.broadcast %get3A_256 : vector<1x384xf32> to vector<256x384xf32>
    %add3A_258 = arith.addf %dot_general3A_251, %add3A_257 : vector<256x384xf32>
    %convert_element_type3A_259 = arith.truncf %add3A_258 : vector<256x384xf32> to vector<256x384xbf16>
    %reshape3A_260 = vector.shape_cast %convert_element_type3A_259 : vector<256x384xbf16> to vector<64x4x384xbf16>
    %swap3A_261 = arith.constant 0 : index
    %swap3A_262 = arith.constant 5 : index
    %swap3A_263 = arith.constant 0 : index
    %swap3A_264 = arith.constant 0 : index
    %swap3A_265 = vector.load %arg6[%swap3A_261, %swap3A_262, %swap3A_263, %swap3A_264] : memref<64x9x4x384xbf16, #tpu.memory_space<vmem>>, vector<64x1x4x384xbf16>
    %swap3A_266 = vector.shape_cast %swap3A_265 : vector<64x1x4x384xbf16> to vector<64x4x384xbf16>
    %swap3A_267 = vector.shape_cast %reshape3A_260 : vector<64x4x384xbf16> to vector<64x1x4x384xbf16>
    tpu.vector_store %arg6[%swap3A_261, %swap3A_262, %swap3A_263, %swap3A_264], %swap3A_267 {strides = array<i32>} : memref<64x9x4x384xbf16, #tpu.memory_space<vmem>>, vector<64x1x4x384xbf16>,
    %get3A_268 = arith.constant 0 : index
    %get3A_269 = arith.constant 2 : index
    %get3A_270 = arith.constant 0 : index
    %get3A_271 = arith.constant 0 : index
    %get3A_272 = vector.load %arg1[%get3A_268, %get3A_269, %get3A_270, %get3A_271] : memref<3x3x256x128xf32, #tpu.memory_space<vmem>>, vector<1x1x256x128xf32>
    %get3A_273 = vector.shape_cast %get3A_272 : vector<1x1x256x128xf32> to vector<256x128xf32>
    %get3A_274 = arith.constant 0 : index
    %get3A_275 = arith.constant 0 : index
    %get3A_276 = arith.constant 0 : index
    %get3A_277 = vector.load %arg2[%get3A_274, %get3A_275, %get3A_276] : memref<3x1x128xf32, #tpu.memory_space<vmem>>, vector<1x1x128xf32>
    %get3A_278 = vector.shape_cast %get3A_277 : vector<1x1x128xf32> to vector<1x128xf32>
    %mul3A_279 = vector.broadcast %get3A_278 : vector<1x128xf32> to vector<256x128xf32>
    %mul3A_280 = arith.mulf %get3A_273, %mul3A_279 : vector<256x128xf32>
    %get3A_281 = arith.constant 0 : index
    %get3A_282 = arith.constant 0 : index
    %get3A_283 = arith.constant 0 : index
    %get3A_284 = vector.load %arg3[%get3A_281, %get3A_282, %get3A_283] : memref<3x1x128xf32, #tpu.memory_space<vmem>>, vector<1x1x128xf32>
    %get3A_285 = vector.shape_cast %get3A_284 : vector<1x1x128xf32> to vector<1x128xf32>
    %add3A_286 = vector.broadcast %get3A_285 : vector<1x128xf32> to vector<256x128xf32>
    %add3A_287 = arith.addf %mul3A_280, %add3A_286 : vector<256x128xf32>
    %max3A_288 = arith.constant 0.000000e+00 : f32
    %max3A_289 = vector.broadcast %max3A_288 : f32 to vector<256x128xf32>
    %max3A_290 = arith.maximumf %add3A_287, %max3A_289 : vector<256x128xf32>
    %get3A_291 = arith.constant 6 : index
    %get3A_292 = arith.constant 0 : index
    %get3A_293 = arith.constant 0 : index
    %get3A_294 = vector.load %arg4[%get3A_291, %get3A_292, %get3A_293] : memref<9x384x128xf32, #tpu.memory_space<vmem>>, vector<1x384x128xf32>
    %get3A_295 = vector.shape_cast %get3A_294 : vector<1x384x128xf32> to vector<384x128xf32>
    %dot_general3A_296 = arith.constant dense<0.000000e+00> : vector<256x384xf32>
    %dot_general3A_297 = tpu.matmul %max3A_290, %get3A_295, %dot_general3A_296 {dimension_numbers = #tpu.dot_dimension_numbers<[1], [1], [0], [0], [0, 0, 1, 0], [], []>, transpose_lhs_hint = false} : vector<256x128xf32>, vector<384x128xf32>, vector<256x384xf32> -> vector<256x384xf32>
    %get3A_298 = arith.constant 6 : index
    %get3A_299 = arith.constant 0 : index
    %get3A_300 = arith.constant 0 : index
    %get3A_301 = vector.load %arg5[%get3A_298, %get3A_299, %get3A_300] : memref<9x1x384xf32, #tpu.memory_space<vmem>>, vector<1x1x384xf32>
    %get3A_302 = vector.shape_cast %get3A_301 : vector<1x1x384xf32> to vector<1x384xf32>
    %add3A_303 = vector.broadcast %get3A_302 : vector<1x384xf32> to vector<256x384xf32>
    %add3A_304 = arith.addf %dot_general3A_297, %add3A_303 : vector<256x384xf32>
    %convert_element_type3A_305 = arith.truncf %add3A_304 : vector<256x384xf32> to vector<256x384xbf16>
    %reshape3A_306 = vector.shape_cast %convert_element_type3A_305 : vector<256x384xbf16> to vector<64x4x384xbf16>
    %swap3A_307 = arith.constant 0 : index
    %swap3A_308 = arith.constant 6 : index
    %swap3A_309 = arith.constant 0 : index
    %swap3A_310 = arith.constant 0 : index
    %swap3A_311 = vector.load %arg6[%swap3A_307, %swap3A_308, %swap3A_309, %swap3A_310] : memref<64x9x4x384xbf16, #tpu.memory_space<vmem>>, vector<64x1x4x384xbf16>
    %swap3A_312 = vector.shape_cast %swap3A_311 : vector<64x1x4x384xbf16> to vector<64x4x384xbf16>
    %swap3A_313 = vector.shape_cast %reshape3A_306 : vector<64x4x384xbf16> to vector<64x1x4x384xbf16>
    tpu.vector_store %arg6[%swap3A_307, %swap3A_308, %swap3A_309, %swap3A_310], %swap3A_313 {strides = array<i32>} : memref<64x9x4x384xbf16, #tpu.memory_space<vmem>>, vector<64x1x4x384xbf16>,
    %get3A_314 = arith.constant 1 : index
    %get3A_315 = arith.constant 2 : index
    %get3A_316 = arith.constant 0 : index
    %get3A_317 = arith.constant 0 : index
    %get3A_318 = vector.load %arg1[%get3A_314, %get3A_315, %get3A_316, %get3A_317] : memref<3x3x256x128xf32, #tpu.memory_space<vmem>>, vector<1x1x256x128xf32>
    %get3A_319 = vector.shape_cast %get3A_318 : vector<1x1x256x128xf32> to vector<256x128xf32>
    %get3A_320 = arith.constant 1 : index
    %get3A_321 = arith.constant 0 : index
    %get3A_322 = arith.constant 0 : index
    %get3A_323 = vector.load %arg2[%get3A_320, %get3A_321, %get3A_322] : memref<3x1x128xf32, #tpu.memory_space<vmem>>, vector<1x1x128xf32>
    %get3A_324 = vector.shape_cast %get3A_323 : vector<1x1x128xf32> to vector<1x128xf32>
    %mul3A_325 = vector.broadcast %get3A_324 : vector<1x128xf32> to vector<256x128xf32>
    %mul3A_326 = arith.mulf %get3A_319, %mul3A_325 : vector<256x128xf32>
    %get3A_327 = arith.constant 1 : index
    %get3A_328 = arith.constant 0 : index
    %get3A_329 = arith.constant 0 : index
    %get3A_330 = vector.load %arg3[%get3A_327, %get3A_328, %get3A_329] : memref<3x1x128xf32, #tpu.memory_space<vmem>>, vector<1x1x128xf32>
    %get3A_331 = vector.shape_cast %get3A_330 : vector<1x1x128xf32> to vector<1x128xf32>
    %add3A_332 = vector.broadcast %get3A_331 : vector<1x128xf32> to vector<256x128xf32>
    %add3A_333 = arith.addf %mul3A_326, %add3A_332 : vector<256x128xf32>
    %max3A_334 = arith.constant 0.000000e+00 : f32
    %max3A_335 = vector.broadcast %max3A_334 : f32 to vector<256x128xf32>
    %max3A_336 = arith.maximumf %add3A_333, %max3A_335 : vector<256x128xf32>
    %get3A_337 = arith.constant 7 : index
    %get3A_338 = arith.constant 0 : index
    %get3A_339 = arith.constant 0 : index
    %get3A_340 = vector.load %arg4[%get3A_337, %get3A_338, %get3A_339] : memref<9x384x128xf32, #tpu.memory_space<vmem>>, vector<1x384x128xf32>
    %get3A_341 = vector.shape_cast %get3A_340 : vector<1x384x128xf32> to vector<384x128xf32>
    %dot_general3A_342 = arith.constant dense<0.000000e+00> : vector<256x384xf32>
    %dot_general3A_343 = tpu.matmul %max3A_336, %get3A_341, %dot_general3A_342 {dimension_numbers = #tpu.dot_dimension_numbers<[1], [1], [0], [0], [0, 0, 1, 0], [], []>, transpose_lhs_hint = false} : vector<256x128xf32>, vector<384x128xf32>, vector<256x384xf32> -> vector<256x384xf32>
    %get3A_344 = arith.constant 7 : index
    %get3A_345 = arith.constant 0 : index
    %get3A_346 = arith.constant 0 : index
    %get3A_347 = vector.load %arg5[%get3A_344, %get3A_345, %get3A_346] : memref<9x1x384xf32, #tpu.memory_space<vmem>>, vector<1x1x384xf32>
    %get3A_348 = vector.shape_cast %get3A_347 : vector<1x1x384xf32> to vector<1x384xf32>
    %add3A_349 = vector.broadcast %get3A_348 : vector<1x384xf32> to vector<256x384xf32>
    %add3A_350 = arith.addf %dot_general3A_343, %add3A_349 : vector<256x384xf32>
    %convert_element_type3A_351 = arith.truncf %add3A_350 : vector<256x384xf32> to vector<256x384xbf16>
    %reshape3A_352 = vector.shape_cast %convert_element_type3A_351 : vector<256x384xbf16> to vector<64x4x384xbf16>
    %swap3A_353 = arith.constant 0 : index
    %swap3A_354 = arith.constant 7 : index
    %swap3A_355 = arith.constant 0 : index
    %swap3A_356 = arith.constant 0 : index
    %swap3A_357 = vector.load %arg6[%swap3A_353, %swap3A_354, %swap3A_355, %swap3A_356] : memref<64x9x4x384xbf16, #tpu.memory_space<vmem>>, vector<64x1x4x384xbf16>
    %swap3A_358 = vector.shape_cast %swap3A_357 : vector<64x1x4x384xbf16> to vector<64x4x384xbf16>
    %swap3A_359 = vector.shape_cast %reshape3A_352 : vector<64x4x384xbf16> to vector<64x1x4x384xbf16>
    tpu.vector_store %arg6[%swap3A_353, %swap3A_354, %swap3A_355, %swap3A_356], %swap3A_359 {strides = array<i32>} : memref<64x9x4x384xbf16, #tpu.memory_space<vmem>>, vector<64x1x4x384xbf16>,
    %get3A_360 = arith.constant 2 : index
    %get3A_361 = arith.constant 2 : index
    %get3A_362 = arith.constant 0 : index
    %get3A_363 = arith.constant 0 : index
    %get3A_364 = vector.load %arg1[%get3A_360, %get3A_361, %get3A_362, %get3A_363] : memref<3x3x256x128xf32, #tpu.memory_space<vmem>>, vector<1x1x256x128xf32>
    %get3A_365 = vector.shape_cast %get3A_364 : vector<1x1x256x128xf32> to vector<256x128xf32>
    %get3A_366 = arith.constant 2 : index
    %get3A_367 = arith.constant 0 : index
    %get3A_368 = arith.constant 0 : index
    %get3A_369 = vector.load %arg2[%get3A_366, %get3A_367, %get3A_368] : memref<3x1x128xf32, #tpu.memory_space<vmem>>, vector<1x1x128xf32>
    %get3A_370 = vector.shape_cast %get3A_369 : vector<1x1x128xf32> to vector<1x128xf32>
    %mul3A_371 = vector.broadcast %get3A_370 : vector<1x128xf32> to vector<256x128xf32>
    %mul3A_372 = arith.mulf %get3A_365, %mul3A_371 : vector<256x128xf32>
    %get3A_373 = arith.constant 2 : index
    %get3A_374 = arith.constant 0 : index
    %get3A_375 = arith.constant 0 : index
    %get3A_376 = vector.load %arg3[%get3A_373, %get3A_374, %get3A_375] : memref<3x1x128xf32, #tpu.memory_space<vmem>>, vector<1x1x128xf32>
    %get3A_377 = vector.shape_cast %get3A_376 : vector<1x1x128xf32> to vector<1x128xf32>
    %add3A_378 = vector.broadcast %get3A_377 : vector<1x128xf32> to vector<256x128xf32>
    %add3A_379 = arith.addf %mul3A_372, %add3A_378 : vector<256x128xf32>
    %max3A_380 = arith.constant 0.000000e+00 : f32
    %max3A_381 = vector.broadcast %max3A_380 : f32 to vector<256x128xf32>
    %max3A_382 = arith.maximumf %add3A_379, %max3A_381 : vector<256x128xf32>
    %get3A_383 = arith.constant 8 : index
    %get3A_384 = arith.constant 0 : index
    %get3A_385 = arith.constant 0 : index
    %get3A_386 = vector.load %arg4[%get3A_383, %get3A_384, %get3A_385] : memref<9x384x128xf32, #tpu.memory_space<vmem>>, vector<1x384x128xf32>
    %get3A_387 = vector.shape_cast %get3A_386 : vector<1x384x128xf32> to vector<384x128xf32>
    %dot_general3A_388 = arith.constant dense<0.000000e+00> : vector<256x384xf32>
    %dot_general3A_389 = tpu.matmul %max3A_382, %get3A_387, %dot_general3A_388 {dimension_numbers = #tpu.dot_dimension_numbers<[1], [1], [0], [0], [0, 0, 1, 0], [], []>, transpose_lhs_hint = false} : vector<256x128xf32>, vector<384x128xf32>, vector<256x384xf32> -> vector<256x384xf32>
    %get3A_390 = arith.constant 8 : index
    %get3A_391 = arith.constant 0 : index
    %get3A_392 = arith.constant 0 : index
    %get3A_393 = vector.load %arg5[%get3A_390, %get3A_391, %get3A_392] : memref<9x1x384xf32, #tpu.memory_space<vmem>>, vector<1x1x384xf32>
    %get3A_394 = vector.shape_cast %get3A_393 : vector<1x1x384xf32> to vector<1x384xf32>
    %add3A_395 = vector.broadcast %get3A_394 : vector<1x384xf32> to vector<256x384xf32>
    %add3A_396 = arith.addf %dot_general3A_389, %add3A_395 : vector<256x384xf32>
    %convert_element_type3A_397 = arith.truncf %add3A_396 : vector<256x384xf32> to vector<256x384xbf16>
    %reshape3A_398 = vector.shape_cast %convert_element_type3A_397 : vector<256x384xbf16> to vector<64x4x384xbf16>
    %swap3A_399 = arith.constant 0 : index
    %swap3A_400 = arith.constant 8 : index
    %swap3A_401 = arith.constant 0 : index
    %swap3A_402 = arith.constant 0 : index
    %swap3A_403 = vector.load %arg6[%swap3A_399, %swap3A_400, %swap3A_401, %swap3A_402] : memref<64x9x4x384xbf16, #tpu.memory_space<vmem>>, vector<64x1x4x384xbf16>
    %swap3A_404 = vector.shape_cast %swap3A_403 : vector<64x1x4x384xbf16> to vector<64x4x384xbf16>
    %swap3A_405 = vector.shape_cast %reshape3A_398 : vector<64x4x384xbf16> to vector<64x1x4x384xbf16>
    tpu.vector_store %arg6[%swap3A_399, %swap3A_400, %swap3A_401, %swap3A_402], %swap3A_405 {strides = array<i32>} : memref<64x9x4x384xbf16, #tpu.memory_space<vmem>>, vector<64x1x4x384xbf16>,
    return
  }
  func.func @transform_0(%arg0: i32) -> (i32, i32, i32, i32) {
    %c0_i32 = arith.constant 0 : i32
    %c0_i32_0 = arith.constant 0 : i32
    %c0_i32_1 = arith.constant 0 : i32
    %c0_i32_2 = arith.constant 0 : i32
    return %c0_i32, %arg0, %c0_i32_0, %c0_i32_1 : i32, i32, i32, i32
  }
  func.func @transform_1(%arg0: i32) -> (i32, i32, i32) {
    %c0_i32 = arith.constant 0 : i32
    %c0_i32_0 = arith.constant 0 : i32
    %c0_i32_1 = arith.constant 0 : i32
    %c0_i32_2 = arith.constant 0 : i32
    return %c0_i32, %c0_i32_0, %c0_i32_1 : i32, i32, i32
  }
  func.func @transform_2(%arg0: i32) -> (i32, i32, i32) {
    %c0_i32 = arith.constant 0 : i32
    %c0_i32_0 = arith.constant 0 : i32
    %c0_i32_1 = arith.constant 0 : i32
    %c0_i32_2 = arith.constant 0 : i32
    return %c0_i32, %c0_i32_0, %c0_i32_1 : i32, i32, i32
  }
  func.func @transform_3(%arg0: i32) -> (i32, i32, i32) {
    %c0_i32 = arith.constant 0 : i32
    %c0_i32_0 = arith.constant 0 : i32
    %c0_i32_1 = arith.constant 0 : i32
    return %arg0, %c0_i32, %c0_i32_0 : i32, i32, i32
  }
  func.func @transform_4(%arg0: i32) -> (i32, i32, i32) {
    %c0_i32 = arith.constant 0 : i32
    %c0_i32_0 = arith.constant 0 : i32
    %c0_i32_1 = arith.constant 0 : i32
    return %arg0, %c0_i32, %c0_i32_0 : i32, i32, i32
  }
  func.func @transform_5(%arg0: i32) -> (i32, i32, i32, i32) {
    %c0_i32 = arith.constant 0 : i32
    %c0_i32_0 = arith.constant 0 : i32
    %c0_i32_1 = arith.constant 0 : i32
    %c0_i32_2 = arith.constant 0 : i32
    return %c0_i32, %arg0, %c0_i32_0, %c0_i32_1 : i32, i32, i32, i32
  }
}

module attributes {stable_mosaic.version = 14 : i64} {
  func.func @_k4_body(%arg0: i32, %arg1: i32, %arg2: memref<8x90x4x384xbf16, #tpu.memory_space<vmem>>, %arg3: memref<90x128x384xbf16, #tpu.memory_space<vmem>>, %arg4: memref<90x1x384xf32, #tpu.memory_space<vmem>>, %arg5: memref<8x90x4x128xf32, #tpu.memory_space<vmem>>, %arg6: memref<90x4x128xf32, #tpu.memory_space<vmem>>) attributes {dimension_semantics = [#tpu.dimension_semantics<arbitrary>, #tpu.dimension_semantics<arbitrary>], iteration_bounds = array<i64: 3, 8>, scalar_prefetch = 0 : i64, scratch_operands = 1 : i64, tpu.core_type = #tpu.core_type<tc>, window_params = [{transform_indices = @transform_0, window_bounds = array<i64: 8, 90, 4, 384>}, {transform_indices = @transform_1, window_bounds = array<i64: 90, 128, 384>}, {transform_indices = @transform_2, window_bounds = array<i64: 90, 1, 384>}, {transform_indices = @transform_3, window_bounds = array<i64: 8, 90, 4, 128>}]} {
    %eq3A = arith.constant 0 : i32
    %eq3A_0 = arith.cmpi eq, %arg1, %eq3A : i32
    %convert_element_type3A = arith.extui %eq3A_0 : i1 to i32
    %cond3A = arith.constant 0 : i32
    %cond3A_1 = arith.cmpi ne, %convert_element_type3A, %cond3A : i32
    scf.if %cond3A_1 {
      %broadcast_in_dim3A = arith.constant 0.000000e+00 : f32
      %broadcast_in_dim3A_449 = vector.broadcast %broadcast_in_dim3A : f32 to vector<90x4x128xf32>
      %swap3A_450 = arith.constant 0 : index
      %swap3A_451 = arith.constant 0 : index
      %swap3A_452 = arith.constant 0 : index
      %swap3A_453 = vector.load %arg6[%swap3A_450, %swap3A_451, %swap3A_452] : memref<90x4x128xf32, #tpu.memory_space<vmem>>, vector<90x4x128xf32>
      tpu.vector_store %arg6[%swap3A_450, %swap3A_451, %swap3A_452], %broadcast_in_dim3A_449 {strides = array<i32>} : memref<90x4x128xf32, #tpu.memory_space<vmem>>, vector<90x4x128xf32>,
    } else {
    }
    %get3A = arith.constant 0 : index
    %get3A_2 = arith.constant 0 : index
    %get3A_3 = arith.constant 0 : index
    %get3A_4 = vector.load %arg6[%get3A, %get3A_2, %get3A_3] : memref<90x4x128xf32, #tpu.memory_space<vmem>>, vector<90x4x128xf32>
    %convert_element_type3A_5 = arith.truncf %get3A_4 : vector<90x4x128xf32> to vector<90x4x128xbf16>
    %get3A_6 = arith.constant 0 : index
    %get3A_7 = arith.constant 0 : index
    %get3A_8 = arith.constant 0 : index
    %get3A_9 = vector.load %arg3[%get3A_6, %get3A_7, %get3A_8] : memref<90x128x384xbf16, #tpu.memory_space<vmem>>, vector<90x128x384xbf16>
    %dot_general3A = arith.constant dense<0.000000e+00> : vector<90x4x384xf32>
    %dot_general3A_10 = tpu.matmul %convert_element_type3A_5, %get3A_9, %dot_general3A {dimension_numbers = #tpu.dot_dimension_numbers<[2], [1], [1], [2], [0, 0, 0, 1, 1, 2], [0], [0]>, transpose_lhs_hint = false} : vector<90x4x128xbf16>, vector<90x128x384xbf16>, vector<90x4x384xf32> -> vector<90x4x384xf32>
    %get3A_11 = arith.constant 0 : index
    %get3A_12 = arith.constant 0 : index
    %get3A_13 = arith.constant 0 : index
    %get3A_14 = vector.load %arg4[%get3A_11, %get3A_12, %get3A_13] : memref<90x1x384xf32, #tpu.memory_space<vmem>>, vector<90x1x384xf32>
    %add3A = vector.broadcast %get3A_14 : vector<90x1x384xf32> to vector<90x4x384xf32>
    %add3A_15 = arith.addf %dot_general3A_10, %add3A : vector<90x4x384xf32>
    %get3A_16 = arith.constant 0 : index
    %get3A_17 = arith.constant 0 : index
    %get3A_18 = arith.constant 0 : index
    %get3A_19 = arith.constant 0 : index
    %get3A_20 = vector.load %arg2[%get3A_16, %get3A_17, %get3A_18, %get3A_19] : memref<8x90x4x384xbf16, #tpu.memory_space<vmem>>, vector<1x90x4x384xbf16>
    %get3A_21 = vector.shape_cast %get3A_20 : vector<1x90x4x384xbf16> to vector<90x4x384xbf16>
    %convert_element_type3A_22 = arith.extf %get3A_21 : vector<90x4x384xbf16> to vector<90x4x384xf32>
    %slice3A = vector.extract_strided_slice %convert_element_type3A_22 {offsets = [0, 0, 0], sizes = [90, 4, 128], strides = [1, 1, 1]} : vector<90x4x384xf32> to vector<90x4x128xf32>
    %slice3A_23 = vector.extract_strided_slice %add3A_15 {offsets = [0, 0, 0], sizes = [90, 4, 128], strides = [1, 1, 1]} : vector<90x4x384xf32> to vector<90x4x128xf32>
    %add3A_24 = arith.addf %slice3A, %slice3A_23 : vector<90x4x128xf32>
    %logistic3A = arith.negf %add3A_24 : vector<90x4x128xf32>
    %logistic3A_25 = math.exp %logistic3A : vector<90x4x128xf32>
    %logistic3A_26 = arith.constant 1.000000e+00 : f32
    %logistic3A_27 = vector.broadcast %logistic3A_26 : f32 to vector<90x4x128xf32>
    %logistic3A_28 = arith.addf %logistic3A_27, %logistic3A_25 : vector<90x4x128xf32>
    %logistic3A_29 = arith.divf %logistic3A_27, %logistic3A_28 : vector<90x4x128xf32>
    %slice3A_30 = vector.extract_strided_slice %convert_element_type3A_22 {offsets = [0, 0, 128], sizes = [90, 4, 128], strides = [1, 1, 1]} : vector<90x4x384xf32> to vector<90x4x128xf32>
    %slice3A_31 = vector.extract_strided_slice %add3A_15 {offsets = [0, 0, 128], sizes = [90, 4, 128], strides = [1, 1, 1]} : vector<90x4x384xf32> to vector<90x4x128xf32>
    %add3A_32 = arith.addf %slice3A_30, %slice3A_31 : vector<90x4x128xf32>
    %logistic3A_33 = arith.negf %add3A_32 : vector<90x4x128xf32>
    %logistic3A_34 = math.exp %logistic3A_33 : vector<90x4x128xf32>
    %logistic3A_35 = arith.constant 1.000000e+00 : f32
    %logistic3A_36 = vector.broadcast %logistic3A_35 : f32 to vector<90x4x128xf32>
    %logistic3A_37 = arith.addf %logistic3A_36, %logistic3A_34 : vector<90x4x128xf32>
    %logistic3A_38 = arith.divf %logistic3A_36, %logistic3A_37 : vector<90x4x128xf32>
    %slice3A_39 = vector.extract_strided_slice %convert_element_type3A_22 {offsets = [0, 0, 256], sizes = [90, 4, 128], strides = [1, 1, 1]} : vector<90x4x384xf32> to vector<90x4x128xf32>
    %slice3A_40 = vector.extract_strided_slice %add3A_15 {offsets = [0, 0, 256], sizes = [90, 4, 128], strides = [1, 1, 1]} : vector<90x4x384xf32> to vector<90x4x128xf32>
    %mul3A = arith.mulf %logistic3A_29, %slice3A_40 : vector<90x4x128xf32>
    %add3A_41 = arith.addf %slice3A_39, %mul3A : vector<90x4x128xf32>
    %tanh3A = math.tanh %add3A_41 : vector<90x4x128xf32>
    %sub3A = arith.constant 1.000000e+00 : f32
    %sub3A_42 = vector.broadcast %sub3A : f32 to vector<90x4x128xf32>
    %sub3A_43 = arith.subf %sub3A_42, %logistic3A_38 : vector<90x4x128xf32>
    %mul3A_44 = arith.mulf %sub3A_43, %tanh3A : vector<90x4x128xf32>
    %mul3A_45 = arith.mulf %logistic3A_38, %get3A_4 : vector<90x4x128xf32>
    %add3A_46 = arith.addf %mul3A_44, %mul3A_45 : vector<90x4x128xf32>
    %swap3A = arith.constant 0 : index
    %swap3A_47 = arith.constant 0 : index
    %swap3A_48 = arith.constant 0 : index
    %swap3A_49 = arith.constant 0 : index
    %swap3A_50 = vector.load %arg5[%swap3A, %swap3A_47, %swap3A_48, %swap3A_49] : memref<8x90x4x128xf32, #tpu.memory_space<vmem>>, vector<1x90x4x128xf32>
    %swap3A_51 = vector.shape_cast %swap3A_50 : vector<1x90x4x128xf32> to vector<90x4x128xf32>
    %swap3A_52 = vector.shape_cast %add3A_46 : vector<90x4x128xf32> to vector<1x90x4x128xf32>
    tpu.vector_store %arg5[%swap3A, %swap3A_47, %swap3A_48, %swap3A_49], %swap3A_52 {strides = array<i32>} : memref<8x90x4x128xf32, #tpu.memory_space<vmem>>, vector<1x90x4x128xf32>,
    %convert_element_type3A_53 = arith.truncf %add3A_46 : vector<90x4x128xf32> to vector<90x4x128xbf16>
    %get3A_54 = arith.constant 0 : index
    %get3A_55 = arith.constant 0 : index
    %get3A_56 = arith.constant 0 : index
    %get3A_57 = vector.load %arg3[%get3A_54, %get3A_55, %get3A_56] : memref<90x128x384xbf16, #tpu.memory_space<vmem>>, vector<90x128x384xbf16>
    %dot_general3A_58 = arith.constant dense<0.000000e+00> : vector<90x4x384xf32>
    %dot_general3A_59 = tpu.matmul %convert_element_type3A_53, %get3A_57, %dot_general3A_58 {dimension_numbers = #tpu.dot_dimension_numbers<[2], [1], [1], [2], [0, 0, 0, 1, 1, 2], [0], [0]>, transpose_lhs_hint = false} : vector<90x4x128xbf16>, vector<90x128x384xbf16>, vector<90x4x384xf32> -> vector<90x4x384xf32>
    %get3A_60 = arith.constant 0 : index
    %get3A_61 = arith.constant 0 : index
    %get3A_62 = arith.constant 0 : index
    %get3A_63 = vector.load %arg4[%get3A_60, %get3A_61, %get3A_62] : memref<90x1x384xf32, #tpu.memory_space<vmem>>, vector<90x1x384xf32>
    %add3A_64 = vector.broadcast %get3A_63 : vector<90x1x384xf32> to vector<90x4x384xf32>
    %add3A_65 = arith.addf %dot_general3A_59, %add3A_64 : vector<90x4x384xf32>
    %get3A_66 = arith.constant 1 : index
    %get3A_67 = arith.constant 0 : index
    %get3A_68 = arith.constant 0 : index
    %get3A_69 = arith.constant 0 : index
    %get3A_70 = vector.load %arg2[%get3A_66, %get3A_67, %get3A_68, %get3A_69] : memref<8x90x4x384xbf16, #tpu.memory_space<vmem>>, vector<1x90x4x384xbf16>
    %get3A_71 = vector.shape_cast %get3A_70 : vector<1x90x4x384xbf16> to vector<90x4x384xbf16>
    %convert_element_type3A_72 = arith.extf %get3A_71 : vector<90x4x384xbf16> to vector<90x4x384xf32>
    %slice3A_73 = vector.extract_strided_slice %convert_element_type3A_72 {offsets = [0, 0, 0], sizes = [90, 4, 128], strides = [1, 1, 1]} : vector<90x4x384xf32> to vector<90x4x128xf32>
    %slice3A_74 = vector.extract_strided_slice %add3A_65 {offsets = [0, 0, 0], sizes = [90, 4, 128], strides = [1, 1, 1]} : vector<90x4x384xf32> to vector<90x4x128xf32>
    %add3A_75 = arith.addf %slice3A_73, %slice3A_74 : vector<90x4x128xf32>
    %logistic3A_76 = arith.negf %add3A_75 : vector<90x4x128xf32>
    %logistic3A_77 = math.exp %logistic3A_76 : vector<90x4x128xf32>
    %logistic3A_78 = arith.constant 1.000000e+00 : f32
    %logistic3A_79 = vector.broadcast %logistic3A_78 : f32 to vector<90x4x128xf32>
    %logistic3A_80 = arith.addf %logistic3A_79, %logistic3A_77 : vector<90x4x128xf32>
    %logistic3A_81 = arith.divf %logistic3A_79, %logistic3A_80 : vector<90x4x128xf32>
    %slice3A_82 = vector.extract_strided_slice %convert_element_type3A_72 {offsets = [0, 0, 128], sizes = [90, 4, 128], strides = [1, 1, 1]} : vector<90x4x384xf32> to vector<90x4x128xf32>
    %slice3A_83 = vector.extract_strided_slice %add3A_65 {offsets = [0, 0, 128], sizes = [90, 4, 128], strides = [1, 1, 1]} : vector<90x4x384xf32> to vector<90x4x128xf32>
    %add3A_84 = arith.addf %slice3A_82, %slice3A_83 : vector<90x4x128xf32>
    %logistic3A_85 = arith.negf %add3A_84 : vector<90x4x128xf32>
    %logistic3A_86 = math.exp %logistic3A_85 : vector<90x4x128xf32>
    %logistic3A_87 = arith.constant 1.000000e+00 : f32
    %logistic3A_88 = vector.broadcast %logistic3A_87 : f32 to vector<90x4x128xf32>
    %logistic3A_89 = arith.addf %logistic3A_88, %logistic3A_86 : vector<90x4x128xf32>
    %logistic3A_90 = arith.divf %logistic3A_88, %logistic3A_89 : vector<90x4x128xf32>
    %slice3A_91 = vector.extract_strided_slice %convert_element_type3A_72 {offsets = [0, 0, 256], sizes = [90, 4, 128], strides = [1, 1, 1]} : vector<90x4x384xf32> to vector<90x4x128xf32>
    %slice3A_92 = vector.extract_strided_slice %add3A_65 {offsets = [0, 0, 256], sizes = [90, 4, 128], strides = [1, 1, 1]} : vector<90x4x384xf32> to vector<90x4x128xf32>
    %mul3A_93 = arith.mulf %logistic3A_81, %slice3A_92 : vector<90x4x128xf32>
    %add3A_94 = arith.addf %slice3A_91, %mul3A_93 : vector<90x4x128xf32>
    %tanh3A_95 = math.tanh %add3A_94 : vector<90x4x128xf32>
    %sub3A_96 = arith.constant 1.000000e+00 : f32
    %sub3A_97 = vector.broadcast %sub3A_96 : f32 to vector<90x4x128xf32>
    %sub3A_98 = arith.subf %sub3A_97, %logistic3A_90 : vector<90x4x128xf32>
    %mul3A_99 = arith.mulf %sub3A_98, %tanh3A_95 : vector<90x4x128xf32>
    %mul3A_100 = arith.mulf %logistic3A_90, %add3A_46 : vector<90x4x128xf32>
    %add3A_101 = arith.addf %mul3A_99, %mul3A_100 : vector<90x4x128xf32>
    %swap3A_102 = arith.constant 1 : index
    %swap3A_103 = arith.constant 0 : index
    %swap3A_104 = arith.constant 0 : index
    %swap3A_105 = arith.constant 0 : index
    %swap3A_106 = vector.load %arg5[%swap3A_102, %swap3A_103, %swap3A_104, %swap3A_105] : memref<8x90x4x128xf32, #tpu.memory_space<vmem>>, vector<1x90x4x128xf32>
    %swap3A_107 = vector.shape_cast %swap3A_106 : vector<1x90x4x128xf32> to vector<90x4x128xf32>
    %swap3A_108 = vector.shape_cast %add3A_101 : vector<90x4x128xf32> to vector<1x90x4x128xf32>
    tpu.vector_store %arg5[%swap3A_102, %swap3A_103, %swap3A_104, %swap3A_105], %swap3A_108 {strides = array<i32>} : memref<8x90x4x128xf32, #tpu.memory_space<vmem>>, vector<1x90x4x128xf32>,
    %convert_element_type3A_109 = arith.truncf %add3A_101 : vector<90x4x128xf32> to vector<90x4x128xbf16>
    %get3A_110 = arith.constant 0 : index
    %get3A_111 = arith.constant 0 : index
    %get3A_112 = arith.constant 0 : index
    %get3A_113 = vector.load %arg3[%get3A_110, %get3A_111, %get3A_112] : memref<90x128x384xbf16, #tpu.memory_space<vmem>>, vector<90x128x384xbf16>
    %dot_general3A_114 = arith.constant dense<0.000000e+00> : vector<90x4x384xf32>
    %dot_general3A_115 = tpu.matmul %convert_element_type3A_109, %get3A_113, %dot_general3A_114 {dimension_numbers = #tpu.dot_dimension_numbers<[2], [1], [1], [2], [0, 0, 0, 1, 1, 2], [0], [0]>, transpose_lhs_hint = false} : vector<90x4x128xbf16>, vector<90x128x384xbf16>, vector<90x4x384xf32> -> vector<90x4x384xf32>
    %get3A_116 = arith.constant 0 : index
    %get3A_117 = arith.constant 0 : index
    %get3A_118 = arith.constant 0 : index
    %get3A_119 = vector.load %arg4[%get3A_116, %get3A_117, %get3A_118] : memref<90x1x384xf32, #tpu.memory_space<vmem>>, vector<90x1x384xf32>
    %add3A_120 = vector.broadcast %get3A_119 : vector<90x1x384xf32> to vector<90x4x384xf32>
    %add3A_121 = arith.addf %dot_general3A_115, %add3A_120 : vector<90x4x384xf32>
    %get3A_122 = arith.constant 2 : index
    %get3A_123 = arith.constant 0 : index
    %get3A_124 = arith.constant 0 : index
    %get3A_125 = arith.constant 0 : index
    %get3A_126 = vector.load %arg2[%get3A_122, %get3A_123, %get3A_124, %get3A_125] : memref<8x90x4x384xbf16, #tpu.memory_space<vmem>>, vector<1x90x4x384xbf16>
    %get3A_127 = vector.shape_cast %get3A_126 : vector<1x90x4x384xbf16> to vector<90x4x384xbf16>
    %convert_element_type3A_128 = arith.extf %get3A_127 : vector<90x4x384xbf16> to vector<90x4x384xf32>
    %slice3A_129 = vector.extract_strided_slice %convert_element_type3A_128 {offsets = [0, 0, 0], sizes = [90, 4, 128], strides = [1, 1, 1]} : vector<90x4x384xf32> to vector<90x4x128xf32>
    %slice3A_130 = vector.extract_strided_slice %add3A_121 {offsets = [0, 0, 0], sizes = [90, 4, 128], strides = [1, 1, 1]} : vector<90x4x384xf32> to vector<90x4x128xf32>
    %add3A_131 = arith.addf %slice3A_129, %slice3A_130 : vector<90x4x128xf32>
    %logistic3A_132 = arith.negf %add3A_131 : vector<90x4x128xf32>
    %logistic3A_133 = math.exp %logistic3A_132 : vector<90x4x128xf32>
    %logistic3A_134 = arith.constant 1.000000e+00 : f32
    %logistic3A_135 = vector.broadcast %logistic3A_134 : f32 to vector<90x4x128xf32>
    %logistic3A_136 = arith.addf %logistic3A_135, %logistic3A_133 : vector<90x4x128xf32>
    %logistic3A_137 = arith.divf %logistic3A_135, %logistic3A_136 : vector<90x4x128xf32>
    %slice3A_138 = vector.extract_strided_slice %convert_element_type3A_128 {offsets = [0, 0, 128], sizes = [90, 4, 128], strides = [1, 1, 1]} : vector<90x4x384xf32> to vector<90x4x128xf32>
    %slice3A_139 = vector.extract_strided_slice %add3A_121 {offsets = [0, 0, 128], sizes = [90, 4, 128], strides = [1, 1, 1]} : vector<90x4x384xf32> to vector<90x4x128xf32>
    %add3A_140 = arith.addf %slice3A_138, %slice3A_139 : vector<90x4x128xf32>
    %logistic3A_141 = arith.negf %add3A_140 : vector<90x4x128xf32>
    %logistic3A_142 = math.exp %logistic3A_141 : vector<90x4x128xf32>
    %logistic3A_143 = arith.constant 1.000000e+00 : f32
    %logistic3A_144 = vector.broadcast %logistic3A_143 : f32 to vector<90x4x128xf32>
    %logistic3A_145 = arith.addf %logistic3A_144, %logistic3A_142 : vector<90x4x128xf32>
    %logistic3A_146 = arith.divf %logistic3A_144, %logistic3A_145 : vector<90x4x128xf32>
    %slice3A_147 = vector.extract_strided_slice %convert_element_type3A_128 {offsets = [0, 0, 256], sizes = [90, 4, 128], strides = [1, 1, 1]} : vector<90x4x384xf32> to vector<90x4x128xf32>
    %slice3A_148 = vector.extract_strided_slice %add3A_121 {offsets = [0, 0, 256], sizes = [90, 4, 128], strides = [1, 1, 1]} : vector<90x4x384xf32> to vector<90x4x128xf32>
    %mul3A_149 = arith.mulf %logistic3A_137, %slice3A_148 : vector<90x4x128xf32>
    %add3A_150 = arith.addf %slice3A_147, %mul3A_149 : vector<90x4x128xf32>
    %tanh3A_151 = math.tanh %add3A_150 : vector<90x4x128xf32>
    %sub3A_152 = arith.constant 1.000000e+00 : f32
    %sub3A_153 = vector.broadcast %sub3A_152 : f32 to vector<90x4x128xf32>
    %sub3A_154 = arith.subf %sub3A_153, %logistic3A_146 : vector<90x4x128xf32>
    %mul3A_155 = arith.mulf %sub3A_154, %tanh3A_151 : vector<90x4x128xf32>
    %mul3A_156 = arith.mulf %logistic3A_146, %add3A_101 : vector<90x4x128xf32>
    %add3A_157 = arith.addf %mul3A_155, %mul3A_156 : vector<90x4x128xf32>
    %swap3A_158 = arith.constant 2 : index
    %swap3A_159 = arith.constant 0 : index
    %swap3A_160 = arith.constant 0 : index
    %swap3A_161 = arith.constant 0 : index
    %swap3A_162 = vector.load %arg5[%swap3A_158, %swap3A_159, %swap3A_160, %swap3A_161] : memref<8x90x4x128xf32, #tpu.memory_space<vmem>>, vector<1x90x4x128xf32>
    %swap3A_163 = vector.shape_cast %swap3A_162 : vector<1x90x4x128xf32> to vector<90x4x128xf32>
    %swap3A_164 = vector.shape_cast %add3A_157 : vector<90x4x128xf32> to vector<1x90x4x128xf32>
    tpu.vector_store %arg5[%swap3A_158, %swap3A_159, %swap3A_160, %swap3A_161], %swap3A_164 {strides = array<i32>} : memref<8x90x4x128xf32, #tpu.memory_space<vmem>>, vector<1x90x4x128xf32>,
    %convert_element_type3A_165 = arith.truncf %add3A_157 : vector<90x4x128xf32> to vector<90x4x128xbf16>
    %get3A_166 = arith.constant 0 : index
    %get3A_167 = arith.constant 0 : index
    %get3A_168 = arith.constant 0 : index
    %get3A_169 = vector.load %arg3[%get3A_166, %get3A_167, %get3A_168] : memref<90x128x384xbf16, #tpu.memory_space<vmem>>, vector<90x128x384xbf16>
    %dot_general3A_170 = arith.constant dense<0.000000e+00> : vector<90x4x384xf32>
    %dot_general3A_171 = tpu.matmul %convert_element_type3A_165, %get3A_169, %dot_general3A_170 {dimension_numbers = #tpu.dot_dimension_numbers<[2], [1], [1], [2], [0, 0, 0, 1, 1, 2], [0], [0]>, transpose_lhs_hint = false} : vector<90x4x128xbf16>, vector<90x128x384xbf16>, vector<90x4x384xf32> -> vector<90x4x384xf32>
    %get3A_172 = arith.constant 0 : index
    %get3A_173 = arith.constant 0 : index
    %get3A_174 = arith.constant 0 : index
    %get3A_175 = vector.load %arg4[%get3A_172, %get3A_173, %get3A_174] : memref<90x1x384xf32, #tpu.memory_space<vmem>>, vector<90x1x384xf32>
    %add3A_176 = vector.broadcast %get3A_175 : vector<90x1x384xf32> to vector<90x4x384xf32>
    %add3A_177 = arith.addf %dot_general3A_171, %add3A_176 : vector<90x4x384xf32>
    %get3A_178 = arith.constant 3 : index
    %get3A_179 = arith.constant 0 : index
    %get3A_180 = arith.constant 0 : index
    %get3A_181 = arith.constant 0 : index
    %get3A_182 = vector.load %arg2[%get3A_178, %get3A_179, %get3A_180, %get3A_181] : memref<8x90x4x384xbf16, #tpu.memory_space<vmem>>, vector<1x90x4x384xbf16>
    %get3A_183 = vector.shape_cast %get3A_182 : vector<1x90x4x384xbf16> to vector<90x4x384xbf16>
    %convert_element_type3A_184 = arith.extf %get3A_183 : vector<90x4x384xbf16> to vector<90x4x384xf32>
    %slice3A_185 = vector.extract_strided_slice %convert_element_type3A_184 {offsets = [0, 0, 0], sizes = [90, 4, 128], strides = [1, 1, 1]} : vector<90x4x384xf32> to vector<90x4x128xf32>
    %slice3A_186 = vector.extract_strided_slice %add3A_177 {offsets = [0, 0, 0], sizes = [90, 4, 128], strides = [1, 1, 1]} : vector<90x4x384xf32> to vector<90x4x128xf32>
    %add3A_187 = arith.addf %slice3A_185, %slice3A_186 : vector<90x4x128xf32>
    %logistic3A_188 = arith.negf %add3A_187 : vector<90x4x128xf32>
    %logistic3A_189 = math.exp %logistic3A_188 : vector<90x4x128xf32>
    %logistic3A_190 = arith.constant 1.000000e+00 : f32
    %logistic3A_191 = vector.broadcast %logistic3A_190 : f32 to vector<90x4x128xf32>
    %logistic3A_192 = arith.addf %logistic3A_191, %logistic3A_189 : vector<90x4x128xf32>
    %logistic3A_193 = arith.divf %logistic3A_191, %logistic3A_192 : vector<90x4x128xf32>
    %slice3A_194 = vector.extract_strided_slice %convert_element_type3A_184 {offsets = [0, 0, 128], sizes = [90, 4, 128], strides = [1, 1, 1]} : vector<90x4x384xf32> to vector<90x4x128xf32>
    %slice3A_195 = vector.extract_strided_slice %add3A_177 {offsets = [0, 0, 128], sizes = [90, 4, 128], strides = [1, 1, 1]} : vector<90x4x384xf32> to vector<90x4x128xf32>
    %add3A_196 = arith.addf %slice3A_194, %slice3A_195 : vector<90x4x128xf32>
    %logistic3A_197 = arith.negf %add3A_196 : vector<90x4x128xf32>
    %logistic3A_198 = math.exp %logistic3A_197 : vector<90x4x128xf32>
    %logistic3A_199 = arith.constant 1.000000e+00 : f32
    %logistic3A_200 = vector.broadcast %logistic3A_199 : f32 to vector<90x4x128xf32>
    %logistic3A_201 = arith.addf %logistic3A_200, %logistic3A_198 : vector<90x4x128xf32>
    %logistic3A_202 = arith.divf %logistic3A_200, %logistic3A_201 : vector<90x4x128xf32>
    %slice3A_203 = vector.extract_strided_slice %convert_element_type3A_184 {offsets = [0, 0, 256], sizes = [90, 4, 128], strides = [1, 1, 1]} : vector<90x4x384xf32> to vector<90x4x128xf32>
    %slice3A_204 = vector.extract_strided_slice %add3A_177 {offsets = [0, 0, 256], sizes = [90, 4, 128], strides = [1, 1, 1]} : vector<90x4x384xf32> to vector<90x4x128xf32>
    %mul3A_205 = arith.mulf %logistic3A_193, %slice3A_204 : vector<90x4x128xf32>
    %add3A_206 = arith.addf %slice3A_203, %mul3A_205 : vector<90x4x128xf32>
    %tanh3A_207 = math.tanh %add3A_206 : vector<90x4x128xf32>
    %sub3A_208 = arith.constant 1.000000e+00 : f32
    %sub3A_209 = vector.broadcast %sub3A_208 : f32 to vector<90x4x128xf32>
    %sub3A_210 = arith.subf %sub3A_209, %logistic3A_202 : vector<90x4x128xf32>
    %mul3A_211 = arith.mulf %sub3A_210, %tanh3A_207 : vector<90x4x128xf32>
    %mul3A_212 = arith.mulf %logistic3A_202, %add3A_157 : vector<90x4x128xf32>
    %add3A_213 = arith.addf %mul3A_211, %mul3A_212 : vector<90x4x128xf32>
    %swap3A_214 = arith.constant 3 : index
    %swap3A_215 = arith.constant 0 : index
    %swap3A_216 = arith.constant 0 : index
    %swap3A_217 = arith.constant 0 : index
    %swap3A_218 = vector.load %arg5[%swap3A_214, %swap3A_215, %swap3A_216, %swap3A_217] : memref<8x90x4x128xf32, #tpu.memory_space<vmem>>, vector<1x90x4x128xf32>
    %swap3A_219 = vector.shape_cast %swap3A_218 : vector<1x90x4x128xf32> to vector<90x4x128xf32>
    %swap3A_220 = vector.shape_cast %add3A_213 : vector<90x4x128xf32> to vector<1x90x4x128xf32>
    tpu.vector_store %arg5[%swap3A_214, %swap3A_215, %swap3A_216, %swap3A_217], %swap3A_220 {strides = array<i32>} : memref<8x90x4x128xf32, #tpu.memory_space<vmem>>, vector<1x90x4x128xf32>,
    %convert_element_type3A_221 = arith.truncf %add3A_213 : vector<90x4x128xf32> to vector<90x4x128xbf16>
    %get3A_222 = arith.constant 0 : index
    %get3A_223 = arith.constant 0 : index
    %get3A_224 = arith.constant 0 : index
    %get3A_225 = vector.load %arg3[%get3A_222, %get3A_223, %get3A_224] : memref<90x128x384xbf16, #tpu.memory_space<vmem>>, vector<90x128x384xbf16>
    %dot_general3A_226 = arith.constant dense<0.000000e+00> : vector<90x4x384xf32>
    %dot_general3A_227 = tpu.matmul %convert_element_type3A_221, %get3A_225, %dot_general3A_226 {dimension_numbers = #tpu.dot_dimension_numbers<[2], [1], [1], [2], [0, 0, 0, 1, 1, 2], [0], [0]>, transpose_lhs_hint = false} : vector<90x4x128xbf16>, vector<90x128x384xbf16>, vector<90x4x384xf32> -> vector<90x4x384xf32>
    %get3A_228 = arith.constant 0 : index
    %get3A_229 = arith.constant 0 : index
    %get3A_230 = arith.constant 0 : index
    %get3A_231 = vector.load %arg4[%get3A_228, %get3A_229, %get3A_230] : memref<90x1x384xf32, #tpu.memory_space<vmem>>, vector<90x1x384xf32>
    %add3A_232 = vector.broadcast %get3A_231 : vector<90x1x384xf32> to vector<90x4x384xf32>
    %add3A_233 = arith.addf %dot_general3A_227, %add3A_232 : vector<90x4x384xf32>
    %get3A_234 = arith.constant 4 : index
    %get3A_235 = arith.constant 0 : index
    %get3A_236 = arith.constant 0 : index
    %get3A_237 = arith.constant 0 : index
    %get3A_238 = vector.load %arg2[%get3A_234, %get3A_235, %get3A_236, %get3A_237] : memref<8x90x4x384xbf16, #tpu.memory_space<vmem>>, vector<1x90x4x384xbf16>
    %get3A_239 = vector.shape_cast %get3A_238 : vector<1x90x4x384xbf16> to vector<90x4x384xbf16>
    %convert_element_type3A_240 = arith.extf %get3A_239 : vector<90x4x384xbf16> to vector<90x4x384xf32>
    %slice3A_241 = vector.extract_strided_slice %convert_element_type3A_240 {offsets = [0, 0, 0], sizes = [90, 4, 128], strides = [1, 1, 1]} : vector<90x4x384xf32> to vector<90x4x128xf32>
    %slice3A_242 = vector.extract_strided_slice %add3A_233 {offsets = [0, 0, 0], sizes = [90, 4, 128], strides = [1, 1, 1]} : vector<90x4x384xf32> to vector<90x4x128xf32>
    %add3A_243 = arith.addf %slice3A_241, %slice3A_242 : vector<90x4x128xf32>
    %logistic3A_244 = arith.negf %add3A_243 : vector<90x4x128xf32>
    %logistic3A_245 = math.exp %logistic3A_244 : vector<90x4x128xf32>
    %logistic3A_246 = arith.constant 1.000000e+00 : f32
    %logistic3A_247 = vector.broadcast %logistic3A_246 : f32 to vector<90x4x128xf32>
    %logistic3A_248 = arith.addf %logistic3A_247, %logistic3A_245 : vector<90x4x128xf32>
    %logistic3A_249 = arith.divf %logistic3A_247, %logistic3A_248 : vector<90x4x128xf32>
    %slice3A_250 = vector.extract_strided_slice %convert_element_type3A_240 {offsets = [0, 0, 128], sizes = [90, 4, 128], strides = [1, 1, 1]} : vector<90x4x384xf32> to vector<90x4x128xf32>
    %slice3A_251 = vector.extract_strided_slice %add3A_233 {offsets = [0, 0, 128], sizes = [90, 4, 128], strides = [1, 1, 1]} : vector<90x4x384xf32> to vector<90x4x128xf32>
    %add3A_252 = arith.addf %slice3A_250, %slice3A_251 : vector<90x4x128xf32>
    %logistic3A_253 = arith.negf %add3A_252 : vector<90x4x128xf32>
    %logistic3A_254 = math.exp %logistic3A_253 : vector<90x4x128xf32>
    %logistic3A_255 = arith.constant 1.000000e+00 : f32
    %logistic3A_256 = vector.broadcast %logistic3A_255 : f32 to vector<90x4x128xf32>
    %logistic3A_257 = arith.addf %logistic3A_256, %logistic3A_254 : vector<90x4x128xf32>
    %logistic3A_258 = arith.divf %logistic3A_256, %logistic3A_257 : vector<90x4x128xf32>
    %slice3A_259 = vector.extract_strided_slice %convert_element_type3A_240 {offsets = [0, 0, 256], sizes = [90, 4, 128], strides = [1, 1, 1]} : vector<90x4x384xf32> to vector<90x4x128xf32>
    %slice3A_260 = vector.extract_strided_slice %add3A_233 {offsets = [0, 0, 256], sizes = [90, 4, 128], strides = [1, 1, 1]} : vector<90x4x384xf32> to vector<90x4x128xf32>
    %mul3A_261 = arith.mulf %logistic3A_249, %slice3A_260 : vector<90x4x128xf32>
    %add3A_262 = arith.addf %slice3A_259, %mul3A_261 : vector<90x4x128xf32>
    %tanh3A_263 = math.tanh %add3A_262 : vector<90x4x128xf32>
    %sub3A_264 = arith.constant 1.000000e+00 : f32
    %sub3A_265 = vector.broadcast %sub3A_264 : f32 to vector<90x4x128xf32>
    %sub3A_266 = arith.subf %sub3A_265, %logistic3A_258 : vector<90x4x128xf32>
    %mul3A_267 = arith.mulf %sub3A_266, %tanh3A_263 : vector<90x4x128xf32>
    %mul3A_268 = arith.mulf %logistic3A_258, %add3A_213 : vector<90x4x128xf32>
    %add3A_269 = arith.addf %mul3A_267, %mul3A_268 : vector<90x4x128xf32>
    %swap3A_270 = arith.constant 4 : index
    %swap3A_271 = arith.constant 0 : index
    %swap3A_272 = arith.constant 0 : index
    %swap3A_273 = arith.constant 0 : index
    %swap3A_274 = vector.load %arg5[%swap3A_270, %swap3A_271, %swap3A_272, %swap3A_273] : memref<8x90x4x128xf32, #tpu.memory_space<vmem>>, vector<1x90x4x128xf32>
    %swap3A_275 = vector.shape_cast %swap3A_274 : vector<1x90x4x128xf32> to vector<90x4x128xf32>
    %swap3A_276 = vector.shape_cast %add3A_269 : vector<90x4x128xf32> to vector<1x90x4x128xf32>
    tpu.vector_store %arg5[%swap3A_270, %swap3A_271, %swap3A_272, %swap3A_273], %swap3A_276 {strides = array<i32>} : memref<8x90x4x128xf32, #tpu.memory_space<vmem>>, vector<1x90x4x128xf32>,
    %convert_element_type3A_277 = arith.truncf %add3A_269 : vector<90x4x128xf32> to vector<90x4x128xbf16>
    %get3A_278 = arith.constant 0 : index
    %get3A_279 = arith.constant 0 : index
    %get3A_280 = arith.constant 0 : index
    %get3A_281 = vector.load %arg3[%get3A_278, %get3A_279, %get3A_280] : memref<90x128x384xbf16, #tpu.memory_space<vmem>>, vector<90x128x384xbf16>
    %dot_general3A_282 = arith.constant dense<0.000000e+00> : vector<90x4x384xf32>
    %dot_general3A_283 = tpu.matmul %convert_element_type3A_277, %get3A_281, %dot_general3A_282 {dimension_numbers = #tpu.dot_dimension_numbers<[2], [1], [1], [2], [0, 0, 0, 1, 1, 2], [0], [0]>, transpose_lhs_hint = false} : vector<90x4x128xbf16>, vector<90x128x384xbf16>, vector<90x4x384xf32> -> vector<90x4x384xf32>
    %get3A_284 = arith.constant 0 : index
    %get3A_285 = arith.constant 0 : index
    %get3A_286 = arith.constant 0 : index
    %get3A_287 = vector.load %arg4[%get3A_284, %get3A_285, %get3A_286] : memref<90x1x384xf32, #tpu.memory_space<vmem>>, vector<90x1x384xf32>
    %add3A_288 = vector.broadcast %get3A_287 : vector<90x1x384xf32> to vector<90x4x384xf32>
    %add3A_289 = arith.addf %dot_general3A_283, %add3A_288 : vector<90x4x384xf32>
    %get3A_290 = arith.constant 5 : index
    %get3A_291 = arith.constant 0 : index
    %get3A_292 = arith.constant 0 : index
    %get3A_293 = arith.constant 0 : index
    %get3A_294 = vector.load %arg2[%get3A_290, %get3A_291, %get3A_292, %get3A_293] : memref<8x90x4x384xbf16, #tpu.memory_space<vmem>>, vector<1x90x4x384xbf16>
    %get3A_295 = vector.shape_cast %get3A_294 : vector<1x90x4x384xbf16> to vector<90x4x384xbf16>
    %convert_element_type3A_296 = arith.extf %get3A_295 : vector<90x4x384xbf16> to vector<90x4x384xf32>
    %slice3A_297 = vector.extract_strided_slice %convert_element_type3A_296 {offsets = [0, 0, 0], sizes = [90, 4, 128], strides = [1, 1, 1]} : vector<90x4x384xf32> to vector<90x4x128xf32>
    %slice3A_298 = vector.extract_strided_slice %add3A_289 {offsets = [0, 0, 0], sizes = [90, 4, 128], strides = [1, 1, 1]} : vector<90x4x384xf32> to vector<90x4x128xf32>
    %add3A_299 = arith.addf %slice3A_297, %slice3A_298 : vector<90x4x128xf32>
    %logistic3A_300 = arith.negf %add3A_299 : vector<90x4x128xf32>
    %logistic3A_301 = math.exp %logistic3A_300 : vector<90x4x128xf32>
    %logistic3A_302 = arith.constant 1.000000e+00 : f32
    %logistic3A_303 = vector.broadcast %logistic3A_302 : f32 to vector<90x4x128xf32>
    %logistic3A_304 = arith.addf %logistic3A_303, %logistic3A_301 : vector<90x4x128xf32>
    %logistic3A_305 = arith.divf %logistic3A_303, %logistic3A_304 : vector<90x4x128xf32>
    %slice3A_306 = vector.extract_strided_slice %convert_element_type3A_296 {offsets = [0, 0, 128], sizes = [90, 4, 128], strides = [1, 1, 1]} : vector<90x4x384xf32> to vector<90x4x128xf32>
    %slice3A_307 = vector.extract_strided_slice %add3A_289 {offsets = [0, 0, 128], sizes = [90, 4, 128], strides = [1, 1, 1]} : vector<90x4x384xf32> to vector<90x4x128xf32>
    %add3A_308 = arith.addf %slice3A_306, %slice3A_307 : vector<90x4x128xf32>
    %logistic3A_309 = arith.negf %add3A_308 : vector<90x4x128xf32>
    %logistic3A_310 = math.exp %logistic3A_309 : vector<90x4x128xf32>
    %logistic3A_311 = arith.constant 1.000000e+00 : f32
    %logistic3A_312 = vector.broadcast %logistic3A_311 : f32 to vector<90x4x128xf32>
    %logistic3A_313 = arith.addf %logistic3A_312, %logistic3A_310 : vector<90x4x128xf32>
    %logistic3A_314 = arith.divf %logistic3A_312, %logistic3A_313 : vector<90x4x128xf32>
    %slice3A_315 = vector.extract_strided_slice %convert_element_type3A_296 {offsets = [0, 0, 256], sizes = [90, 4, 128], strides = [1, 1, 1]} : vector<90x4x384xf32> to vector<90x4x128xf32>
    %slice3A_316 = vector.extract_strided_slice %add3A_289 {offsets = [0, 0, 256], sizes = [90, 4, 128], strides = [1, 1, 1]} : vector<90x4x384xf32> to vector<90x4x128xf32>
    %mul3A_317 = arith.mulf %logistic3A_305, %slice3A_316 : vector<90x4x128xf32>
    %add3A_318 = arith.addf %slice3A_315, %mul3A_317 : vector<90x4x128xf32>
    %tanh3A_319 = math.tanh %add3A_318 : vector<90x4x128xf32>
    %sub3A_320 = arith.constant 1.000000e+00 : f32
    %sub3A_321 = vector.broadcast %sub3A_320 : f32 to vector<90x4x128xf32>
    %sub3A_322 = arith.subf %sub3A_321, %logistic3A_314 : vector<90x4x128xf32>
    %mul3A_323 = arith.mulf %sub3A_322, %tanh3A_319 : vector<90x4x128xf32>
    %mul3A_324 = arith.mulf %logistic3A_314, %add3A_269 : vector<90x4x128xf32>
    %add3A_325 = arith.addf %mul3A_323, %mul3A_324 : vector<90x4x128xf32>
    %swap3A_326 = arith.constant 5 : index
    %swap3A_327 = arith.constant 0 : index
    %swap3A_328 = arith.constant 0 : index
    %swap3A_329 = arith.constant 0 : index
    %swap3A_330 = vector.load %arg5[%swap3A_326, %swap3A_327, %swap3A_328, %swap3A_329] : memref<8x90x4x128xf32, #tpu.memory_space<vmem>>, vector<1x90x4x128xf32>
    %swap3A_331 = vector.shape_cast %swap3A_330 : vector<1x90x4x128xf32> to vector<90x4x128xf32>
    %swap3A_332 = vector.shape_cast %add3A_325 : vector<90x4x128xf32> to vector<1x90x4x128xf32>
    tpu.vector_store %arg5[%swap3A_326, %swap3A_327, %swap3A_328, %swap3A_329], %swap3A_332 {strides = array<i32>} : memref<8x90x4x128xf32, #tpu.memory_space<vmem>>, vector<1x90x4x128xf32>,
    %convert_element_type3A_333 = arith.truncf %add3A_325 : vector<90x4x128xf32> to vector<90x4x128xbf16>
    %get3A_334 = arith.constant 0 : index
    %get3A_335 = arith.constant 0 : index
    %get3A_336 = arith.constant 0 : index
    %get3A_337 = vector.load %arg3[%get3A_334, %get3A_335, %get3A_336] : memref<90x128x384xbf16, #tpu.memory_space<vmem>>, vector<90x128x384xbf16>
    %dot_general3A_338 = arith.constant dense<0.000000e+00> : vector<90x4x384xf32>
    %dot_general3A_339 = tpu.matmul %convert_element_type3A_333, %get3A_337, %dot_general3A_338 {dimension_numbers = #tpu.dot_dimension_numbers<[2], [1], [1], [2], [0, 0, 0, 1, 1, 2], [0], [0]>, transpose_lhs_hint = false} : vector<90x4x128xbf16>, vector<90x128x384xbf16>, vector<90x4x384xf32> -> vector<90x4x384xf32>
    %get3A_340 = arith.constant 0 : index
    %get3A_341 = arith.constant 0 : index
    %get3A_342 = arith.constant 0 : index
    %get3A_343 = vector.load %arg4[%get3A_340, %get3A_341, %get3A_342] : memref<90x1x384xf32, #tpu.memory_space<vmem>>, vector<90x1x384xf32>
    %add3A_344 = vector.broadcast %get3A_343 : vector<90x1x384xf32> to vector<90x4x384xf32>
    %add3A_345 = arith.addf %dot_general3A_339, %add3A_344 : vector<90x4x384xf32>
    %get3A_346 = arith.constant 6 : index
    %get3A_347 = arith.constant 0 : index
    %get3A_348 = arith.constant 0 : index
    %get3A_349 = arith.constant 0 : index
    %get3A_350 = vector.load %arg2[%get3A_346, %get3A_347, %get3A_348, %get3A_349] : memref<8x90x4x384xbf16, #tpu.memory_space<vmem>>, vector<1x90x4x384xbf16>
    %get3A_351 = vector.shape_cast %get3A_350 : vector<1x90x4x384xbf16> to vector<90x4x384xbf16>
    %convert_element_type3A_352 = arith.extf %get3A_351 : vector<90x4x384xbf16> to vector<90x4x384xf32>
    %slice3A_353 = vector.extract_strided_slice %convert_element_type3A_352 {offsets = [0, 0, 0], sizes = [90, 4, 128], strides = [1, 1, 1]} : vector<90x4x384xf32> to vector<90x4x128xf32>
    %slice3A_354 = vector.extract_strided_slice %add3A_345 {offsets = [0, 0, 0], sizes = [90, 4, 128], strides = [1, 1, 1]} : vector<90x4x384xf32> to vector<90x4x128xf32>
    %add3A_355 = arith.addf %slice3A_353, %slice3A_354 : vector<90x4x128xf32>
    %logistic3A_356 = arith.negf %add3A_355 : vector<90x4x128xf32>
    %logistic3A_357 = math.exp %logistic3A_356 : vector<90x4x128xf32>
    %logistic3A_358 = arith.constant 1.000000e+00 : f32
    %logistic3A_359 = vector.broadcast %logistic3A_358 : f32 to vector<90x4x128xf32>
    %logistic3A_360 = arith.addf %logistic3A_359, %logistic3A_357 : vector<90x4x128xf32>
    %logistic3A_361 = arith.divf %logistic3A_359, %logistic3A_360 : vector<90x4x128xf32>
    %slice3A_362 = vector.extract_strided_slice %convert_element_type3A_352 {offsets = [0, 0, 128], sizes = [90, 4, 128], strides = [1, 1, 1]} : vector<90x4x384xf32> to vector<90x4x128xf32>
    %slice3A_363 = vector.extract_strided_slice %add3A_345 {offsets = [0, 0, 128], sizes = [90, 4, 128], strides = [1, 1, 1]} : vector<90x4x384xf32> to vector<90x4x128xf32>
    %add3A_364 = arith.addf %slice3A_362, %slice3A_363 : vector<90x4x128xf32>
    %logistic3A_365 = arith.negf %add3A_364 : vector<90x4x128xf32>
    %logistic3A_366 = math.exp %logistic3A_365 : vector<90x4x128xf32>
    %logistic3A_367 = arith.constant 1.000000e+00 : f32
    %logistic3A_368 = vector.broadcast %logistic3A_367 : f32 to vector<90x4x128xf32>
    %logistic3A_369 = arith.addf %logistic3A_368, %logistic3A_366 : vector<90x4x128xf32>
    %logistic3A_370 = arith.divf %logistic3A_368, %logistic3A_369 : vector<90x4x128xf32>
    %slice3A_371 = vector.extract_strided_slice %convert_element_type3A_352 {offsets = [0, 0, 256], sizes = [90, 4, 128], strides = [1, 1, 1]} : vector<90x4x384xf32> to vector<90x4x128xf32>
    %slice3A_372 = vector.extract_strided_slice %add3A_345 {offsets = [0, 0, 256], sizes = [90, 4, 128], strides = [1, 1, 1]} : vector<90x4x384xf32> to vector<90x4x128xf32>
    %mul3A_373 = arith.mulf %logistic3A_361, %slice3A_372 : vector<90x4x128xf32>
    %add3A_374 = arith.addf %slice3A_371, %mul3A_373 : vector<90x4x128xf32>
    %tanh3A_375 = math.tanh %add3A_374 : vector<90x4x128xf32>
    %sub3A_376 = arith.constant 1.000000e+00 : f32
    %sub3A_377 = vector.broadcast %sub3A_376 : f32 to vector<90x4x128xf32>
    %sub3A_378 = arith.subf %sub3A_377, %logistic3A_370 : vector<90x4x128xf32>
    %mul3A_379 = arith.mulf %sub3A_378, %tanh3A_375 : vector<90x4x128xf32>
    %mul3A_380 = arith.mulf %logistic3A_370, %add3A_325 : vector<90x4x128xf32>
    %add3A_381 = arith.addf %mul3A_379, %mul3A_380 : vector<90x4x128xf32>
    %swap3A_382 = arith.constant 6 : index
    %swap3A_383 = arith.constant 0 : index
    %swap3A_384 = arith.constant 0 : index
    %swap3A_385 = arith.constant 0 : index
    %swap3A_386 = vector.load %arg5[%swap3A_382, %swap3A_383, %swap3A_384, %swap3A_385] : memref<8x90x4x128xf32, #tpu.memory_space<vmem>>, vector<1x90x4x128xf32>
    %swap3A_387 = vector.shape_cast %swap3A_386 : vector<1x90x4x128xf32> to vector<90x4x128xf32>
    %swap3A_388 = vector.shape_cast %add3A_381 : vector<90x4x128xf32> to vector<1x90x4x128xf32>
    tpu.vector_store %arg5[%swap3A_382, %swap3A_383, %swap3A_384, %swap3A_385], %swap3A_388 {strides = array<i32>} : memref<8x90x4x128xf32, #tpu.memory_space<vmem>>, vector<1x90x4x128xf32>,
    %convert_element_type3A_389 = arith.truncf %add3A_381 : vector<90x4x128xf32> to vector<90x4x128xbf16>
    %get3A_390 = arith.constant 0 : index
    %get3A_391 = arith.constant 0 : index
    %get3A_392 = arith.constant 0 : index
    %get3A_393 = vector.load %arg3[%get3A_390, %get3A_391, %get3A_392] : memref<90x128x384xbf16, #tpu.memory_space<vmem>>, vector<90x128x384xbf16>
    %dot_general3A_394 = arith.constant dense<0.000000e+00> : vector<90x4x384xf32>
    %dot_general3A_395 = tpu.matmul %convert_element_type3A_389, %get3A_393, %dot_general3A_394 {dimension_numbers = #tpu.dot_dimension_numbers<[2], [1], [1], [2], [0, 0, 0, 1, 1, 2], [0], [0]>, transpose_lhs_hint = false} : vector<90x4x128xbf16>, vector<90x128x384xbf16>, vector<90x4x384xf32> -> vector<90x4x384xf32>
    %get3A_396 = arith.constant 0 : index
    %get3A_397 = arith.constant 0 : index
    %get3A_398 = arith.constant 0 : index
    %get3A_399 = vector.load %arg4[%get3A_396, %get3A_397, %get3A_398] : memref<90x1x384xf32, #tpu.memory_space<vmem>>, vector<90x1x384xf32>
    %add3A_400 = vector.broadcast %get3A_399 : vector<90x1x384xf32> to vector<90x4x384xf32>
    %add3A_401 = arith.addf %dot_general3A_395, %add3A_400 : vector<90x4x384xf32>
    %get3A_402 = arith.constant 7 : index
    %get3A_403 = arith.constant 0 : index
    %get3A_404 = arith.constant 0 : index
    %get3A_405 = arith.constant 0 : index
    %get3A_406 = vector.load %arg2[%get3A_402, %get3A_403, %get3A_404, %get3A_405] : memref<8x90x4x384xbf16, #tpu.memory_space<vmem>>, vector<1x90x4x384xbf16>
    %get3A_407 = vector.shape_cast %get3A_406 : vector<1x90x4x384xbf16> to vector<90x4x384xbf16>
    %convert_element_type3A_408 = arith.extf %get3A_407 : vector<90x4x384xbf16> to vector<90x4x384xf32>
    %slice3A_409 = vector.extract_strided_slice %convert_element_type3A_408 {offsets = [0, 0, 0], sizes = [90, 4, 128], strides = [1, 1, 1]} : vector<90x4x384xf32> to vector<90x4x128xf32>
    %slice3A_410 = vector.extract_strided_slice %add3A_401 {offsets = [0, 0, 0], sizes = [90, 4, 128], strides = [1, 1, 1]} : vector<90x4x384xf32> to vector<90x4x128xf32>
    %add3A_411 = arith.addf %slice3A_409, %slice3A_410 : vector<90x4x128xf32>
    %logistic3A_412 = arith.negf %add3A_411 : vector<90x4x128xf32>
    %logistic3A_413 = math.exp %logistic3A_412 : vector<90x4x128xf32>
    %logistic3A_414 = arith.constant 1.000000e+00 : f32
    %logistic3A_415 = vector.broadcast %logistic3A_414 : f32 to vector<90x4x128xf32>
    %logistic3A_416 = arith.addf %logistic3A_415, %logistic3A_413 : vector<90x4x128xf32>
    %logistic3A_417 = arith.divf %logistic3A_415, %logistic3A_416 : vector<90x4x128xf32>
    %slice3A_418 = vector.extract_strided_slice %convert_element_type3A_408 {offsets = [0, 0, 128], sizes = [90, 4, 128], strides = [1, 1, 1]} : vector<90x4x384xf32> to vector<90x4x128xf32>
    %slice3A_419 = vector.extract_strided_slice %add3A_401 {offsets = [0, 0, 128], sizes = [90, 4, 128], strides = [1, 1, 1]} : vector<90x4x384xf32> to vector<90x4x128xf32>
    %add3A_420 = arith.addf %slice3A_418, %slice3A_419 : vector<90x4x128xf32>
    %logistic3A_421 = arith.negf %add3A_420 : vector<90x4x128xf32>
    %logistic3A_422 = math.exp %logistic3A_421 : vector<90x4x128xf32>
    %logistic3A_423 = arith.constant 1.000000e+00 : f32
    %logistic3A_424 = vector.broadcast %logistic3A_423 : f32 to vector<90x4x128xf32>
    %logistic3A_425 = arith.addf %logistic3A_424, %logistic3A_422 : vector<90x4x128xf32>
    %logistic3A_426 = arith.divf %logistic3A_424, %logistic3A_425 : vector<90x4x128xf32>
    %slice3A_427 = vector.extract_strided_slice %convert_element_type3A_408 {offsets = [0, 0, 256], sizes = [90, 4, 128], strides = [1, 1, 1]} : vector<90x4x384xf32> to vector<90x4x128xf32>
    %slice3A_428 = vector.extract_strided_slice %add3A_401 {offsets = [0, 0, 256], sizes = [90, 4, 128], strides = [1, 1, 1]} : vector<90x4x384xf32> to vector<90x4x128xf32>
    %mul3A_429 = arith.mulf %logistic3A_417, %slice3A_428 : vector<90x4x128xf32>
    %add3A_430 = arith.addf %slice3A_427, %mul3A_429 : vector<90x4x128xf32>
    %tanh3A_431 = math.tanh %add3A_430 : vector<90x4x128xf32>
    %sub3A_432 = arith.constant 1.000000e+00 : f32
    %sub3A_433 = vector.broadcast %sub3A_432 : f32 to vector<90x4x128xf32>
    %sub3A_434 = arith.subf %sub3A_433, %logistic3A_426 : vector<90x4x128xf32>
    %mul3A_435 = arith.mulf %sub3A_434, %tanh3A_431 : vector<90x4x128xf32>
    %mul3A_436 = arith.mulf %logistic3A_426, %add3A_381 : vector<90x4x128xf32>
    %add3A_437 = arith.addf %mul3A_435, %mul3A_436 : vector<90x4x128xf32>
    %swap3A_438 = arith.constant 7 : index
    %swap3A_439 = arith.constant 0 : index
    %swap3A_440 = arith.constant 0 : index
    %swap3A_441 = arith.constant 0 : index
    %swap3A_442 = vector.load %arg5[%swap3A_438, %swap3A_439, %swap3A_440, %swap3A_441] : memref<8x90x4x128xf32, #tpu.memory_space<vmem>>, vector<1x90x4x128xf32>
    %swap3A_443 = vector.shape_cast %swap3A_442 : vector<1x90x4x128xf32> to vector<90x4x128xf32>
    %swap3A_444 = vector.shape_cast %add3A_437 : vector<90x4x128xf32> to vector<1x90x4x128xf32>
    tpu.vector_store %arg5[%swap3A_438, %swap3A_439, %swap3A_440, %swap3A_441], %swap3A_444 {strides = array<i32>} : memref<8x90x4x128xf32, #tpu.memory_space<vmem>>, vector<1x90x4x128xf32>,
    %swap3A_445 = arith.constant 0 : index
    %swap3A_446 = arith.constant 0 : index
    %swap3A_447 = arith.constant 0 : index
    %swap3A_448 = vector.load %arg6[%swap3A_445, %swap3A_446, %swap3A_447] : memref<90x4x128xf32, #tpu.memory_space<vmem>>, vector<90x4x128xf32>
    tpu.vector_store %arg6[%swap3A_445, %swap3A_446, %swap3A_447], %add3A_437 {strides = array<i32>} : memref<90x4x128xf32, #tpu.memory_space<vmem>>, vector<90x4x128xf32>,
    return
  }
  func.func @transform_0(%arg0: i32, %arg1: i32) -> (i32, i32, i32, i32) {
    %c0_i32 = arith.constant 0 : i32
    %c0_i32_0 = arith.constant 0 : i32
    %c0_i32_1 = arith.constant 0 : i32
    return %arg1, %arg0, %c0_i32, %c0_i32_0 : i32, i32, i32, i32
  }
  func.func @transform_1(%arg0: i32, %arg1: i32) -> (i32, i32, i32) {
    %c0_i32 = arith.constant 0 : i32
    %c0_i32_0 = arith.constant 0 : i32
    %c0_i32_1 = arith.constant 0 : i32
    return %arg0, %c0_i32, %c0_i32_0 : i32, i32, i32
  }
  func.func @transform_2(%arg0: i32, %arg1: i32) -> (i32, i32, i32) {
    %c0_i32 = arith.constant 0 : i32
    %c0_i32_0 = arith.constant 0 : i32
    %c0_i32_1 = arith.constant 0 : i32
    return %arg0, %c0_i32, %c0_i32_0 : i32, i32, i32
  }
  func.func @transform_3(%arg0: i32, %arg1: i32) -> (i32, i32, i32, i32) {
    %c0_i32 = arith.constant 0 : i32
    %c0_i32_0 = arith.constant 0 : i32
    %c0_i32_1 = arith.constant 0 : i32
    return %arg1, %arg0, %c0_i32, %c0_i32_0 : i32, i32, i32, i32
  }
}

</mosaic_0001>

<sc_bundles>
// kernel: kernel.7.cloned.1.call-start
scs
__scs_entry_jumppad:
0x0: {  	(pc) =	sbr.rel $0x88, $3  }
0x1: {  	(tag) =	ssettag $0x0;
	lr =	simm.s32 $0x1  }
0x2: {  	[smem:$0x3F92] =	sst lr;
	_ =	strace $0xD0000000  }
0x3: {  	_ = 	snop  }
0x4: {  	_ = 	snop  }
0x5: {  	_ = 	snop  }
0x6: {  	_ = 	snop  }
0x7: {  	_ = 	snop  }
__scs_overlays_trampoline_lowered:
0x8: {  	[smem:$0x3FA1] =	sst s0  }
0x9: {  	[smem:$0x3FA2] =	sst s1  }
0xa: {  	[smem:$0x3FA3] =	sst s2  }
0xb: {  	[smem:$0x3FA4] =	sst s3  }
0xc: {  	[smem:$0x3FA5] =	sst s4  }
0xd: {  	[smem:$0x3FA6] =	sst s5  }
0xe: {  	[smem:$0x3FA7] =	sst s6  }
0xf: {  	[smem:$0x3FA8] =	sst s7  }
0x10: {  	[smem:$0x3FA9] =	sst s8  }
0x11: {  	[smem:$0x3FAA] =	sst s9;
	s0 =	simm.s32 @!p0 $0x0  }
0x12: {  	s1 =	sld [smem:$0x3F90];
	s0 =	simm.s32 @p0 $0x1  }
0x13: {  	[smem:$0x3FAB] =	sst s0;
	s0 =	simm.s32 @!p1 $0x0  }
0x14: {  	s2 =	sld [smem:$0x3F8F];
	s0 =	simm.s32 @p1 $0x1  }
0x15: {  	[smem:$0x3FAC] =	sst s0;
	s0 =	simm.s32 @!p2 $0x0  }
0x16: {  	s3 =	sld [smem:$0x3FDB];
	s0 =	simm.s32 @p2 $0x1  }
0x17: {  	s4 =	simm.s32 $0x1BF5;
	[smem:$0x3FAE] =	sst s0  }
0x18: {  	s0 =	sld [smem:$0x3F91];
	_ =	swait.ge [sflag:s4], $0x0  }
0x19: {  	s7 =	sld [smem:$0x3F92]  }
0x1a: {  	s8 =	sadd.s32 $0xFFFFE003, lr  }
0x1b: {  	s9 =	sadd.s32 $0xFFFFFEF7, lr;
	s5 =	simm.s32 $0xFFFFFFFF;
	p2 =	slt.u32 s8, $0xFFFFF086  }
0x1c: {  	p1 =	slt.u32 s9, $0xF7A;
	s5 =	simm.s32 @!p2 $0x0  }
0x1d: {  	s5 =	simm.s32 @p1 $0x1;
	p0 =	seq.s32 s7, s2  }
0x1e: {  	s7 =	smul.u32 @!p0 $0xF7A, s2;
	p2 =	seq.s32 @!p0 s5, $0x0  }
0x1f: {  	s9 =	smul.u32 $0xF7A, s1;
	s8 =	simm.s32 @!p0 $0x1BF5;
	p2 =	por !p2, p0  }
0x20: {  	[sflag:s8] =	ssyncset.s32 @!p0 $0xFFFFF086;
	s6 =	sadd.s32 @!p0 s3, s7;
	s7 =	simm.s32 @!p0 $0x108  }
0x21: {  	s3 =	sadd.s32 s3, s9;
	s6 =	sadd.s32 @!p0 $0x88, s6;
	s7 =	simm.s32 @p2 $0x1082  }
0x22: {  	[simem:s7], [sflag:s8] =	dma.local @!p0 [hbm:s6], $0xF7A  }
0x23: {  	s9 =	sor.u32 $0xD0000000, s2;
	s6 =	simm.s32 $0x108;
	_ =	swait.ge @!p0 [sflag:s8], $0x0  }
0x24: {  	s3 =	sadd.s32 $0x88, s3;
	s6 =	simm.s32 @!p1 $0x1082;
	[sflag:s4] =	ssyncset.s32 $0xFFFFF086  }
0x25: {  	[simem:s6], [sflag:s4] =	dma.local [hbm:s3], $0xF7A  }
0x26: {  	[smem:$0x3F92] =	sst s1;
	(tag) =	ssettag s2;
	_ =	strace s9  }
0x27: {  	s1 =	sld [smem:$0x3FA2]  }
0x28: {  	s2 =	sld [smem:$0x3FA3]  }
0x29: {  	s4 =	sld [smem:$0x3FA5]  }
0x2a: {  	p0 =	seq.s32 s5, $0x0;
	s5 =	sld [smem:$0x3FA6]  }
0x2b: {  	s6 =	sld [smem:$0x3FA7]  }
0x2c: {  	s7 =	sld [smem:$0x3FA8]  }
0x2d: {  	s3 =	simm.s32 $0x108;
	s8 =	sld [smem:$0x3FA9]  }
0x2e: {  	s3 =	simm.s32 @!p0 $0x1082;
	s9 =	sld [smem:$0x3FAA]  }
0x2f: {  	lr =	sadd.s32 s0, s3;
	s0 =	sld [smem:$0x3FA1]  }
0x30: {  	s3 =	sld [smem:$0x3FA4]  }
0x31: {  	[smem:$0x3FAD] =	sst s10  }
0x32: {  	s10 =	sld [smem:$0x3FAB];
	_ =	sdelay $0x3  }
0x33: {  	p0 =	seq.s32 s10, $0x1;
	s10 =	sld [smem:$0x3FAD];
	_ =	sdelay $0x3  }
0x34: {  	[smem:$0x3FAD] =	sst s10  }
0x35: {  	s10 =	sld [smem:$0x3FAC];
	_ =	sdelay $0x3  }
0x36: {  	p1 =	seq.s32 s10, $0x1;
	s10 =	sld [smem:$0x3FAD];
	_ =	sdelay $0x3  }
0x37: {  	[smem:$0x3FAD] =	sst s10  }
0x38: {  	s10 =	sld [smem:$0x3FAE]  }
0x39: {  	_ = 	snop;
	(pc) =	sbr.ind lr, $3  }
0x3a: {  	_ = 	snop  }
0x3b: {  	_ = 	snop  }
0x3c: {  	p2 =	seq.s32 s10, $0x1;
	s10 =	sld [smem:$0x3FAD]  }
0x3d: {  	_ =	shalt  }
0x3e: {  	_ =	shalt  }
0x3f: {  	_ =	shalt  }
0x40: {  	_ =	shalt  }
0x41: {  	_ =	shalt  }
0x42: {  	_ =	shalt  }
0x43: {  	_ =	shalt  }
0x44: {  	_ =	shalt  }
0x45: {  	_ =	shalt  }
0x46: {  	_ =	shalt  }
0x47: {  	_ =	shalt  }
0x48: {  	_ =	shalt  }
0x49: {  	_ =	shalt  }
0x4a: {  	_ =	shalt  }
0x4b: {  	_ =	shalt  }
0x4c: {  	_ =	shalt  }
0x4d: {  	_ =	shalt  }
0x4e: {  	_ =	shalt  }
0x4f: {  	_ =	shalt  }
0x50: {  	_ =	shalt  }
0x51: {  	_ =	shalt  }
0x52: {  	_ =	shalt  }
0x53: {  	_ =	shalt  }
0x54: {  	_ =	shalt  }
0x55: {  	_ =	shalt  }
0x56: {  	_ =	shalt  }
0x57: {  	_ =	shalt  }
0x58: {  	_ =	shalt  }
0x59: {  	_ =	shalt  }
0x5a: {  	_ =	shalt  }
0x5b: {  	_ =	shalt  }
0x5c: {  	_ =	shalt  }
0x5d: {  	_ =	shalt  }
0x5e: {  	_ =	shalt  }
0x5f: {  	_ =	shalt  }
0x60: {  	_ =	shalt  }
0x61: {  	_ =	shalt  }
0x62: {  	_ =	shalt  }
0x63: {  	_ =	shalt  }
0x64: {  	_ =	shalt  }
0x65: {  	_ =	shalt  }
0x66: {  	_ =	shalt  }
0x67: {  	_ =	shalt  }
0x68: {  	_ =	shalt  }
0x69: {  	_ =	shalt  }
0x6a: {  	_ =	shalt  }
0x6b: {  	_ =	shalt  }
0x6c: {  	_ =	shalt  }
0x6d: {  	_ =	shalt  }
0x6e: {  	_ =	shalt  }
0x6f: {  	_ =	shalt  }
0x70: {  	_ =	shalt  }
0x71: {  	_ =	shalt  }
0x72: {  	_ =	shalt  }
0x73: {  	_ =	shalt  }
0x74: {  	_ =	shalt  }
0x75: {  	_ =	shalt  }
0x76: {  	_ =	shalt  }
0x77: {  	_ =	shalt  }
0x78: {  	_ =	shalt  }
0x79: {  	_ =	shalt  }
0x7a: {  	_ =	shalt  }
0x7b: {  	_ =	shalt  }
0x7c: {  	_ =	shalt  }
0x7d: {  	_ =	shalt  }
0x7e: {  	_ =	shalt  }
0x7f: {  	_ =	shalt  }
0x80: {  	_ =	shalt  }
0x81: {  	_ =	shalt  }
0x82: {  	_ =	shalt  }
0x83: {  	_ =	shalt  }
0x84: {  	_ =	shalt  }
0x85: {  	_ =	shalt  }
0x86: {  	_ =	shalt  }
0x87: {  	_ =	shalt  }
.Lfunc_end0:
.L_simem_size_0:
called_computation.1_lowered:
.L_overlay_start_0:
0x88: {  	s2 =	sld [smem:$0x3FD9]  }
0x89: {  	s3 =	sld [smem:$0x3FFE];
	_ =	sdelay $0x1  }
0x8a: {  	s1 =	srdreg.scid  }
0x8b: {  	s0 =	sand.u32 $0x1, s1  }
0x8c: {  	s17 =	sshll.u32 s0, $0xA;
	s2 =	sadd.s32 s3, s2  }
0x8d: {  	s2 =	sadd.s32 s2, s17  }
0x8e: {  	[smem:$0x3FB9] =	sst s2  }
0x8f: {  	_ = 	snop  }
0x90: {  	s2 =	sld [smem:$0x3FD0];
	(tm) =	ssettm $0x1  }
0x91: {  	s18 =	sld [smem:$0x3FFB];
	_ =	sdelay $0x3  }
0x92: {  	_ =	strace s18  }
0x93: {  	s3 =	sld [smem:$0x3FFC];
	_ =	sdelay $0x3  }
0x94: {  	_ =	strace s3  }
0x95: {  	s3 =	sld [smem:$0x3FFD];
	_ =	sdelay $0x3  }
0x96: {  	_ =	strace s3  }
0x97: {  	_ =	strace $0x8FFFFFFF  }
0x98: {  	s19 =	sld [smem:$0x3FDB];
	_ =	sdelay $0x1  }
0x99: {  	s4 =	simm.s32 $_scs_section_size  }
0x9a: {  	s5 =	simm.s32 $_size__tile_overlayer_lowered;
	s6 =	simm.s32 $_tile_overlayer_lowered  }
0x9b: {  	s22 =	simm.s32 $0x1BFF;
	s21 =	sshll.u32 s6, $0x1;
	s3 =	sadd.s32 s4, s19  }
0x9c: {  	s7 =	simm.s32 $0x0;
	s20 =	sshll.u32 s5, $0x1;
	s5 =	sadd.s32 s21, s3  }
0x9d: {  	[timem:s7], [sflag:s22] =	dma.local [hbm:s5], s20  }
0x9e: {  	_ =	swait.ge [sflag:s22], s20  }
0x9f: {  	s4 =	ssub.s32 $0x0, s20;
	[sflag:s22] =	ssyncset.done $0x0  }
0xa0: {  	[sflag:s22] =	ssyncadd.s32 s4;
	_ =	sdelay $0x1  }
0xa1: {  	s23 =	simm.s32 $0x1B8B  }
0xa2: {  	_ =	swait.ge [sflag:s23], $0x1  }
0xa3: {  	[sflag:s23] =	ssyncset.done $0x0  }
0xa4: {  	s25 =	simm.s32 $0x1B8E;
	s24 =	sld [smem:$0x3FFE];
	[sflag:s23] =	ssyncadd.s32 $0xFFFFFFFF  }
0xa5: {  	s26 =	simm.s32 $execute0_lowered;
	[smem:$0x3FD2] =	sst s25  }
0xa6: {  	s5 =	sshll.u32 s26, $0x1;
	_ =	strace $0x80000046;
	[dreg:$0x1] =	wrdreg $0xFFFFFFFF  }
0xa7: {  	s28 =	simm.s32 $_size_execute0_lowered;
	s3 =	sadd.s32 s3, s5;
	[dreg:$0x0] =	wrdreg $0x0  }
0xa8: {  	s5 =	sshll.u32 s28, $0x1;
	[dreg:$0x2] =	wrdreg s3  }
0xa9: {  	[dreg:$0x3] =	wrdreg s5  }
0xaa: {  	[dreg:$0x4] =	wrdreg $0xC0  }
0xab: {  	_ =	task [dreg:s7], $0x5FFFF  }
0xac: {  	[dreg:$0x1] =	wrdreg $0xFFFFFFFF  }
0xad: {  	[dreg:$0x0] =	wrdreg $0x60  }
0xae: {  	[dreg:$0x2] =	wrdreg s2  }
0xaf: {  	[dreg:$0x3] =	wrdreg s24  }
0xb0: {  	[dreg:$0x4] =	wrdreg $0x9  }
0xb1: {  	_ =	task.clear_ibuf [dreg:s7], $0x5FFFF;
	_ =	strace $0x90000046  }
0xb2: {  	s29 =	simm.s32 $0x9;
	_ =	strace $0x80000048  }
0xb3: {  	_ =	swait.ge [sflag:s29], $0x1  }
0xb4: {  	[sflag:s29] =	ssyncadd.s32 $0xFFFFFFFF  }
0xb5: {  	_ =	strace $0x90000048  }
0xb6: {  	_ =	sfence  }
0xb7: {  	s30 =	sld [smem:$0x0];
	_ =	sdelay $0x2  }
0xb8: {  	s31 =	sshll.u32 s1, $0xD;
	s1 =	sshrl.u32 s1, $0x2  }
0xb9: {  	s3 =	sand.u32 $0x4000, s31;
	s1 =	sadd.s32 s1, s30  }
0xba: {  	s0 =	sor.u32 s3, s0;
	s1 =	sshll.u32 s1, $0x11  }
0xbb: {  	s0 =	sor.u32 s1, s0  }
0xbc: {  	s0 =	sadd.s32 $0x8F2B, s0  }
0xbd: {  	[sflag:s0] =	ssyncadd.remote.s32 $0x1  }
0xbe: {  	_ =	sfence.sel $0xFFFF  }
0xbf: {  	[dreg:$0x0] =	wrdreg $0xFFFFFFFF;
	(pc) =	sbr.abs _section_cstart, $3  }
0xc0: {  	[dreg:$0x1] =	wrdreg $0xFFFFFFFF  }
0xc1: {  	_ =	task.clear_ibuf [dreg:s7], $0x2FFFF;
	_ =	strace $0x9FFFFFFF  }
0xc2: {  	(tm) =	ssettm $0x7FFFFFFF  }
0xc3: {  	_ =	shalt  }
tec
execute0_lowered:
.L_overlay_start_1:
0x0: {  	(tag) =	ssettag $0x1  }
0x1: {  	s1 =	srdreg.scid;
	s0 =	stileid.u32  }
0x2: {  	s1 =	sand.u32 $0x1, s1;
	s3 =	sshll.u32 s0, $0x1  }
0x3: {  	s2 =	rddreg [dreg:$0x0];
	s5 =	sor.u32 s1, s3  }
0x4: {  	s4 =	rddreg [dreg:$0x1];
	s3 =	simm.s32 $0x0;
	s6 =	smul.u32 $0x10E, s5  }
0x5: {  	[smem:$0x7FF] =	sst s3;
	s7 =	smul.u32 $0x43800, s5  }
0x6: {  	s5 =	smul.u32 $0x8700, s5;
	_ =	strace $0x80000047;
	s6 =	sadd.s32 s6, s4  }
0x7: {  	s4 =	sadd.s32 $0x4800, s4;
	s7 =	sshrl.u32 s7, $0x3;
	s6 =	sadd.s32 $0x2600, s6  }
0x8: {  	s5 =	sadd.s32 s4, s5;
	s31 =	sadd.s32 s4, s7;
	[dreg:$0x3] =	wrdreg s6  }
0x9: {  	[dreg:$0x4] =	wrdreg s5;
	s4 =	sadd.s32 $0x780, s31  }
0xa: {  	s15 =	sadd.s32 $0xF00, s31;
	[dreg:$0x5] =	wrdreg s4  }
0xb: {  	s16 =	sadd.s32 $0x1680, s31;
	[dreg:$0x6] =	wrdreg s15  }
0xc: {  	s17 =	sadd.s32 $0x1E00, s31;
	[dreg:$0x7] =	wrdreg s16  }
0xd: {  	s18 =	sadd.s32 $0x2580, s31;
	[dreg:$0x8] =	wrdreg s17  }
0xe: {  	s19 =	sadd.s32 $0x2D00, s31;
	[dreg:$0x9] =	wrdreg s18  }
0xf: {  	s20 =	sadd.s32 $0x3480, s31;
	[dreg:$0xa] =	wrdreg s19  }
0x10: {  	s21 =	sadd.s32 $0x3C00, s31;
	[dreg:$0xb] =	wrdreg s20  }
0x11: {  	s22 =	sadd.s32 $0x4380, s31;
	[dreg:$0xc] =	wrdreg s21  }
0x12: {  	s23 =	sadd.s32 $0x4B00, s31;
	[dreg:$0xd] =	wrdreg s22  }
0x13: {  	[dreg:$0xe] =	wrdreg s23  }
0x14: {  	s24 =	sadd.s32 $0x5280, s31;
	s25 =	rddreg [dreg:$0x3]  }
0x15: {  	s26 =	sadd.s32 $0x5A00, s31;
	[dreg:$0xf] =	wrdreg s24  }
0x16: {  	[dreg:$0x10] =	wrdreg s26;
	s4 =	simm.s32 $0x3  }
0x17: {  	[tilespmem:s3], [sflag:$0x3] =	stream.linear.gather [hbm4b:s25+s3], $0x870, $0x38;
	[tilespmem:$0x8080] =	vst v63  }
0x18: {  	_ =	swait.ge [sflag:s4], $0x870  }
0x19: {  	[sflag:s4] =	ssyncset.done $0x0  }
0x1a: {  	s5 =	simm.s32 $0x78;
	s6 =	simm.s32 $0x880;
	[sflag:s4] =	ssyncadd.s32 $0xFFFFF790  }
0x1b: {  	[tilespmem:s6], [sflag:$0x1] =	stream.indirect.gather [hbm4b:s2+s5], $0x80, s3, s5, $0xb8;
	[tilespmem:$0x8080] =	vst v63  }
0x1c: {  	s8 =	simm.s32 $0x1;
	s7 =	simm.s32 $0x4480  }
0x1d: {  	[tilespmem:s7], [sflag:$0x2] =	stream.indirect.gather [hbm4b:s2+s5], $0x80, s5, s5, $0xb8;
	[tilespmem:$0x8080] =	vst v63  }
0x1e: {  	_ =	swait.ge [sflag:s8], $0x3C00  }
0x1f: {  	[sflag:s8] =	ssyncset.done $0x0  }
0x20: {  	s9 =	rddreg [dreg:$0x4];
	[sflag:s8] =	ssyncadd.s32 $0xFFFFC400  }
0x21: {  	[hbm4b:s9+s3] =	stream.linear.scatter [tilespmem:s6], [sflag:$0x3], $0x3C00, $0x38;
	[tilespmem:$0x8080] =	vst v63  }
0x22: {  	_ =	swait.ge [sflag:s4], $0x3C00  }
0x23: {  	[sflag:s4] =	ssyncset.done $0x0  }
0x24: {  	s10 =	simm.s32 $0x2;
	s9 =	simm.s32 $0xF0;
	[sflag:s4] =	ssyncadd.s32 $0xFFFFC400  }
0x25: {  	[tilespmem:s6], [sflag:$0x1] =	stream.indirect.gather [hbm4b:s2+s5], $0x80, s9, s5, $0xb8;
	[tilespmem:$0x8080] =	vst v63  }
0x26: {  	_ =	swait.ge [sflag:s10], $0x3C00  }
0x27: {  	[sflag:s10] =	ssyncset.done $0x0  }
0x28: {  	s11 =	rddreg [dreg:$0x5];
	[sflag:s10] =	ssyncadd.s32 $0xFFFFC400  }
0x29: {  	[hbm4b:s11+s3] =	stream.linear.scatter [tilespmem:s7], [sflag:$0x3], $0x3C00, $0x38;
	[tilespmem:$0x8080] =	vst v63  }
0x2a: {  	_ =	swait.ge [sflag:s4], $0x3C00  }
0x2b: {  	[sflag:s4] =	ssyncset.done $0x0  }
0x2c: {  	s11 =	simm.s32 $0x168;
	[sflag:s4] =	ssyncadd.s32 $0xFFFFC400  }
0x2d: {  	[tilespmem:s7], [sflag:$0x2] =	stream.indirect.gather [hbm4b:s2+s5], $0x80, s11, s5, $0xb8;
	[tilespmem:$0x8080] =	vst v63  }
0x2e: {  	_ =	swait.ge [sflag:s8], $0x3C00  }
0x2f: {  	[sflag:s8] =	ssyncset.done $0x0  }
0x30: {  	s12 =	rddreg [dreg:$0x6];
	[sflag:s8] =	ssyncadd.s32 $0xFFFFC400  }
0x31: {  	[hbm4b:s12+s3] =	stream.linear.scatter [tilespmem:s6], [sflag:$0x3], $0x3C00, $0x38;
	[tilespmem:$0x8080] =	vst v63  }
0x32: {  	_ =	swait.ge [sflag:s4], $0x3C00  }
0x33: {  	[sflag:s4] =	ssyncset.done $0x0  }
0x34: {  	s12 =	simm.s32 $0x1E0;
	[sflag:s4] =	ssyncadd.s32 $0xFFFFC400  }
0x35: {  	[tilespmem:s6], [sflag:$0x1] =	stream.indirect.gather [hbm4b:s2+s5], $0x80, s12, s5, $0xb8;
	[tilespmem:$0x8080] =	vst v63  }
0x36: {  	_ =	swait.ge [sflag:s10], $0x3C00  }
0x37: {  	[sflag:s10] =	ssyncset.done $0x0  }
0x38: {  	s13 =	rddreg [dreg:$0x7];
	[sflag:s10] =	ssyncadd.s32 $0xFFFFC400  }
0x39: {  	[hbm4b:s13+s3] =	stream.linear.scatter [tilespmem:s7], [sflag:$0x3], $0x3C00, $0x38;
	[tilespmem:$0x8080] =	vst v63  }
0x3a: {  	_ =	swait.ge [sflag:s4], $0x3C00  }
0x3b: {  	[sflag:s4] =	ssyncset.done $0x0  }
0x3c: {  	s13 =	simm.s32 $0x258;
	[sflag:s4] =	ssyncadd.s32 $0xFFFFC400  }
0x3d: {  	[tilespmem:s7], [sflag:$0x2] =	stream.indirect.gather [hbm4b:s2+s5], $0x80, s13, s5, $0xb8;
	[tilespmem:$0x8080] =	vst v63  }
0x3e: {  	_ =	swait.ge [sflag:s8], $0x3C00  }
0x3f: {  	[sflag:s8] =	ssyncset.done $0x0  }
0x40: {  	s14 =	rddreg [dreg:$0x8];
	[sflag:s8] =	ssyncadd.s32 $0xFFFFC400  }
0x41: {  	[hbm4b:s14+s3] =	stream.linear.scatter [tilespmem:s6], [sflag:$0x3], $0x3C00, $0x38;
	[tilespmem:$0x8080] =	vst v63  }
0x42: {  	_ =	swait.ge [sflag:s4], $0x3C00  }
0x43: {  	[sflag:s4] =	ssyncset.done $0x0  }
0x44: {  	s14 =	simm.s32 $0x2D0;
	[sflag:s4] =	ssyncadd.s32 $0xFFFFC400  }
0x45: {  	[tilespmem:s6], [sflag:$0x1] =	stream.indirect.gather [hbm4b:s2+s5], $0x80, s14, s5, $0xb8;
	[tilespmem:$0x8080] =	vst v63  }
0x46: {  	_ =	swait.ge [sflag:s10], $0x3C00  }
0x47: {  	[sflag:s10] =	ssyncset.done $0x0  }
0x48: {  	s15 =	rddreg [dreg:$0x9];
	[sflag:s10] =	ssyncadd.s32 $0xFFFFC400  }
0x49: {  	[hbm4b:s15+s3] =	stream.linear.scatter [tilespmem:s7], [sflag:$0x3], $0x3C00, $0x38;
	[tilespmem:$0x8080] =	vst v63  }
0x4a: {  	_ =	swait.ge [sflag:s4], $0x3C00  }
0x4b: {  	[sflag:s4] =	ssyncset.done $0x0  }
0x4c: {  	s15 =	simm.s32 $0x348;
	[sflag:s4] =	ssyncadd.s32 $0xFFFFC400  }
0x4d: {  	[tilespmem:s7], [sflag:$0x2] =	stream.indirect.gather [hbm4b:s2+s5], $0x80, s15, s5, $0xb8;
	[tilespmem:$0x8080] =	vst v63  }
0x4e: {  	_ =	swait.ge [sflag:s8], $0x3C00  }
0x4f: {  	[sflag:s8] =	ssyncset.done $0x0  }
0x50: {  	s16 =	rddreg [dreg:$0xa];
	[sflag:s8] =	ssyncadd.s32 $0xFFFFC400  }
0x51: {  	[hbm4b:s16+s3] =	stream.linear.scatter [tilespmem:s6], [sflag:$0x3], $0x3C00, $0x38;
	[tilespmem:$0x8080] =	vst v63  }
0x52: {  	_ =	swait.ge [sflag:s4], $0x3C00  }
0x53: {  	[sflag:s4] =	ssyncset.done $0x0  }
0x54: {  	s16 =	simm.s32 $0x3C0;
	[sflag:s4] =	ssyncadd.s32 $0xFFFFC400  }
0x55: {  	[tilespmem:s6], [sflag:$0x1] =	stream.indirect.gather [hbm4b:s2+s5], $0x80, s16, s5, $0xb8;
	[tilespmem:$0x8080] =	vst v63  }
0x56: {  	_ =	swait.ge [sflag:s10], $0x3C00  }
0x57: {  	[sflag:s10] =	ssyncset.done $0x0  }
0x58: {  	s17 =	rddreg [dreg:$0xb];
	[sflag:s10] =	ssyncadd.s32 $0xFFFFC400  }
0x59: {  	[hbm4b:s17+s3] =	stream.linear.scatter [tilespmem:s7], [sflag:$0x3], $0x3C00, $0x38;
	[tilespmem:$0x8080] =	vst v63  }
0x5a: {  	_ =	swait.ge [sflag:s4], $0x3C00  }
0x5b: {  	[sflag:s4] =	ssyncset.done $0x0  }
0x5c: {  	s17 =	simm.s32 $0x438;
	[sflag:s4] =	ssyncadd.s32 $0xFFFFC400  }
0x5d: {  	[tilespmem:s7], [sflag:$0x2] =	stream.indirect.gather [hbm4b:s2+s5], $0x80, s17, s5, $0xb8;
	[tilespmem:$0x8080] =	vst v63  }
0x5e: {  	_ =	swait.ge [sflag:s8], $0x3C00  }
0x5f: {  	[sflag:s8] =	ssyncset.done $0x0  }
0x60: {  	s18 =	rddreg [dreg:$0xc];
	[sflag:s8] =	ssyncadd.s32 $0xFFFFC400  }
0x61: {  	[hbm4b:s18+s3] =	stream.linear.scatter [tilespmem:s6], [sflag:$0x3], $0x3C00, $0x38;
	[tilespmem:$0x8080] =	vst v63  }
0x62: {  	_ =	swait.ge [sflag:s4], $0x3C00  }
0x63: {  	[sflag:s4] =	ssyncset.done $0x0  }
0x64: {  	s18 =	simm.s32 $0x4B0;
	[sflag:s4] =	ssyncadd.s32 $0xFFFFC400  }
0x65: {  	[tilespmem:s6], [sflag:$0x1] =	stream.indirect.gather [hbm4b:s2+s5], $0x80, s18, s5, $0xb8;
	[tilespmem:$0x8080] =	vst v63  }
0x66: {  	_ =	swait.ge [sflag:s10], $0x3C00  }
0x67: {  	[sflag:s10] =	ssyncset.done $0x0  }
0x68: {  	s19 =	rddreg [dreg:$0xd];
	[sflag:s10] =	ssyncadd.s32 $0xFFFFC400  }
0x69: {  	[hbm4b:s19+s3] =	stream.linear.scatter [tilespmem:s7], [sflag:$0x3], $0x3C00, $0x38;
	[tilespmem:$0x8080] =	vst v63  }
0x6a: {  	_ =	swait.ge [sflag:s4], $0x3C00  }
0x6b: {  	[sflag:s4] =	ssyncset.done $0x0  }
0x6c: {  	s19 =	simm.s32 $0x528;
	[sflag:s4] =	ssyncadd.s32 $0xFFFFC400  }
0x6d: {  	[tilespmem:s7], [sflag:$0x2] =	stream.indirect.gather [hbm4b:s2+s5], $0x80, s19, s5, $0xb8;
	[tilespmem:$0x8080] =	vst v63  }
0x6e: {  	_ =	swait.ge [sflag:s8], $0x3C00  }
0x6f: {  	[sflag:s8] =	ssyncset.done $0x0  }
0x70: {  	s20 =	rddreg [dreg:$0xe];
	[sflag:s8] =	ssyncadd.s32 $0xFFFFC400  }
0x71: {  	[hbm4b:s20+s3] =	stream.linear.scatter [tilespmem:s6], [sflag:$0x3], $0x3C00, $0x38;
	[tilespmem:$0x8080] =	vst v63  }
0x72: {  	_ =	swait.ge [sflag:s4], $0x3C00  }
0x73: {  	[sflag:s4] =	ssyncset.done $0x0  }
0x74: {  	s20 =	simm.s32 $0x5A0;
	[sflag:s4] =	ssyncadd.s32 $0xFFFFC400  }
0x75: {  	[tilespmem:s6], [sflag:$0x1] =	stream.indirect.gather [hbm4b:s2+s5], $0x80, s20, s5, $0xb8;
	[tilespmem:$0x8080] =	vst v63  }
0x76: {  	_ =	swait.ge [sflag:s10], $0x3C00  }
0x77: {  	[sflag:s10] =	ssyncset.done $0x0  }
0x78: {  	s21 =	rddreg [dreg:$0xf];
	[sflag:s10] =	ssyncadd.s32 $0xFFFFC400  }
0x79: {  	[hbm4b:s21+s3] =	stream.linear.scatter [tilespmem:s7], [sflag:$0x3], $0x3C00, $0x38;
	[tilespmem:$0x8080] =	vst v63  }
0x7a: {  	_ =	swait.ge [sflag:s4], $0x3C00  }
0x7b: {  	[sflag:s4] =	ssyncset.done $0x0  }
0x7c: {  	s21 =	simm.s32 $0x618;
	[sflag:s4] =	ssyncadd.s32 $0xFFFFC400  }
0x7d: {  	[tilespmem:s7], [sflag:$0x2] =	stream.indirect.gather [hbm4b:s2+s5], $0x80, s21, s5, $0xb8;
	[tilespmem:$0x8080] =	vst v63  }
0x7e: {  	_ =	swait.ge [sflag:s8], $0x3C00  }
0x7f: {  	[sflag:s8] =	ssyncset.done $0x0  }
0x80: {  	s22 =	rddreg [dreg:$0x10];
	[sflag:s8] =	ssyncadd.s32 $0xFFFFC400  }
0x81: {  	[hbm4b:s22+s3] =	stream.linear.scatter [tilespmem:s6], [sflag:$0x3], $0x3C00, $0x38;
	[tilespmem:$0x8080] =	vst v63  }
0x82: {  	_ =	swait.ge [sflag:s4], $0x3C00  }
0x83: {  	[sflag:s4] =	ssyncset.done $0x0  }
0x84: {  	s22 =	simm.s32 $0x690;
	[sflag:s4] =	ssyncadd.s32 $0xFFFFC400  }
0x85: {  	[tilespmem:s6], [sflag:$0x1] =	stream.indirect.gather [hbm4b:s2+s5], $0x80, s22, s5, $0xb8;
	[tilespmem:$0x8080] =	vst v63  }
0x86: {  	_ =	swait.ge [sflag:s10], $0x3C00  }
0x87: {  	[sflag:s10] =	ssyncset.done $0x0  }
0x88: {  	s23 =	sadd.s32 $0x6180, s31;
	[sflag:s10] =	ssyncadd.s32 $0xFFFFC400  }
0x89: {  	[hbm4b:s23+s3] =	stream.linear.scatter [tilespmem:s7], [sflag:$0x3], $0x3C00, $0x38;
	[tilespmem:$0x8080] =	vst v63  }
0x8a: {  	_ =	swait.ge [sflag:s4], $0x3C00  }
0x8b: {  	[sflag:s4] =	ssyncset.done $0x0  }
0x8c: {  	s24 =	simm.s32 $0x708;
	[sflag:s4] =	ssyncadd.s32 $0xFFFFC400  }
0x8d: {  	[tilespmem:s7], [sflag:$0x2] =	stream.indirect.gather [hbm4b:s2+s5], $0x80, s24, s5, $0xb8;
	[tilespmem:$0x8080] =	vst v63  }
0x8e: {  	_ =	swait.ge [sflag:s8], $0x3C00  }
0x8f: {  	[sflag:s8] =	ssyncset.done $0x0  }
0x90: {  	s25 =	sadd.s32 $0x6900, s31;
	[sflag:s8] =	ssyncadd.s32 $0xFFFFC400  }
0x91: {  	[hbm4b:s25+s3] =	stream.linear.scatter [tilespmem:s6], [sflag:$0x3], $0x3C00, $0x38;
	[tilespmem:$0x8080] =	vst v63  }
0x92: {  	_ =	swait.ge [sflag:s4], $0x3C00  }
0x93: {  	[sflag:s4] =	ssyncset.done $0x0  }
0x94: {  	s26 =	simm.s32 $0x780;
	[sflag:s4] =	ssyncadd.s32 $0xFFFFC400  }
0x95: {  	[tilespmem:s6], [sflag:$0x1] =	stream.indirect.gather [hbm4b:s2+s5], $0x80, s26, s5, $0xb8;
	[tilespmem:$0x8080] =	vst v63  }
0x96: {  	_ =	swait.ge [sflag:s10], $0x3C00  }
0x97: {  	[sflag:s10] =	ssyncset.done $0x0  }
0x98: {  	s28 =	sadd.s32 $0x7080, s31;
	[sflag:s10] =	ssyncadd.s32 $0xFFFFC400  }
0x99: {  	[hbm4b:s28+s3] =	stream.linear.scatter [tilespmem:s7], [sflag:$0x3], $0x3C00, $0x38;
	[tilespmem:$0x8080] =	vst v63  }
0x9a: {  	_ =	swait.ge [sflag:s4], $0x3C00  }
0x9b: {  	[sflag:s4] =	ssyncset.done $0x0  }
0x9c: {  	s29 =	simm.s32 $0x7F8;
	[sflag:s4] =	ssyncadd.s32 $0xFFFFC400  }
0x9d: {  	[tilespmem:s7], [sflag:$0x2] =	stream.indirect.gather [hbm4b:s2+s5], $0x80, s29, s5, $0xb8;
	[tilespmem:$0x8080] =	vst v63  }
0x9e: {  	_ =	swait.ge [sflag:s8], $0x3C00  }
0x9f: {  	s1 =	ssub.s32 $0x2, s1;
	[sflag:s8] =	ssyncset.done $0x0  }
0xa0: {  	s0 =	sshrl.u32 s1, $0x1;
	s30 =	sadd.s32 $0x7800, s31;
	[sflag:s8] =	ssyncadd.s32 $0xFFFFC400  }
0xa1: {  	[hbm4b:s30+s3] =	stream.linear.scatter [tilespmem:s6], [sflag:$0x3], $0x3C00, $0x38;
	[tilespmem:$0x8080] =	vst v63  }
0xa2: {  	s0 =	ssub.s32 s1, s0;
	_ =	swait.ge [sflag:s4], $0x3C00  }
0xa3: {  	s0 =	smax.u32 s0, $0x1;
	[sflag:s4] =	ssyncset.done $0x0  }
0xa4: {  	p0 =	sne.s32 s0, $0x1;
	[sflag:s4] =	ssyncadd.s32 $0xFFFFC400  }
.Ltmp0:
0xa5: {  	_ =	swait.ge [sflag:s10], $0x3C00;
	(pc) =	sbr.rel @!p0 .LBB2_2-.Ltmp0, $4  }
0xa6: {  	[sflag:s10] =	ssyncset.done $0x0  }
0xa7: {  	s31 =	sadd.s32 $0x7F80, s31;
	[sflag:s10] =	ssyncadd.s32 $0xFFFFC400  }
0xa8: {  	[hbm4b:s31+s3] =	stream.linear.scatter [tilespmem:s7], [sflag:$0x3], $0x3C00, $0x38;
	[tilespmem:$0x8080] =	vst v63  }
0xa9: {  	s1 =	sadd.s32 $0xFFFFFFFF, s0;
	_ =	swait.ge [sflag:s4], $0x3C00  }
.LBB2_1:
0xaa: {  	[sflag:s4] =	ssyncset.done $0x0  }
0xab: {  	s0 =	rddreg [dreg:$0x3];
	[sflag:s4] =	ssyncadd.s32 $0xFFFFC400  }
0xac: {  	[tilespmem:s3], [sflag:$0x3] =	stream.linear.gather [hbm4b:s0+s3], $0x870, $0x38;
	[tilespmem:$0x8080] =	vst v63  }
0xad: {  	_ =	swait.ge [sflag:s4], $0x870  }
0xae: {  	[sflag:s4] =	ssyncset.done $0x0  }
0xaf: {  	[sflag:s4] =	ssyncadd.s32 $0xFFFFF790  }
0xb0: {  	[tilespmem:s6], [sflag:$0x1] =	stream.indirect.gather [hbm4b:s2+s5], $0x80, s3, s5, $0xb8;
	[tilespmem:$0x8080] =	vst v63  }
0xb1: {  	_ = 	snop  }
0xb2: {  	[tilespmem:s7], [sflag:$0x2] =	stream.indirect.gather [hbm4b:s2+s5], $0x80, s5, s5, $0xb8;
	[tilespmem:$0x8080] =	vst v63  }
0xb3: {  	_ =	swait.ge [sflag:s8], $0x3C00  }
0xb4: {  	[sflag:s8] =	ssyncset.done $0x0  }
0xb5: {  	s0 =	rddreg [dreg:$0x4];
	[sflag:s8] =	ssyncadd.s32 $0xFFFFC400  }
0xb6: {  	[hbm4b:s0+s3] =	stream.linear.scatter [tilespmem:s6], [sflag:$0x3], $0x3C00, $0x38;
	[tilespmem:$0x8080] =	vst v63  }
0xb7: {  	_ =	swait.ge [sflag:s4], $0x3C00  }
0xb8: {  	[sflag:s4] =	ssyncset.done $0x0  }
0xb9: {  	[sflag:s4] =	ssyncadd.s32 $0xFFFFC400  }
0xba: {  	[tilespmem:s6], [sflag:$0x1] =	stream.indirect.gather [hbm4b:s2+s5], $0x80, s9, s5, $0xb8;
	[tilespmem:$0x8080] =	vst v63  }
0xbb: {  	_ =	swait.ge [sflag:s10], $0x3C00  }
0xbc: {  	[sflag:s10] =	ssyncset.done $0x0  }
0xbd: {  	s0 =	rddreg [dreg:$0x5];
	[sflag:s10] =	ssyncadd.s32 $0xFFFFC400  }
0xbe: {  	[hbm4b:s0+s3] =	stream.linear.scatter [tilespmem:s7], [sflag:$0x3], $0x3C00, $0x38;
	[tilespmem:$0x8080] =	vst v63  }
0xbf: {  	_ =	swait.ge [sflag:s4], $0x3C00  }
0xc0: {  	[sflag:s4] =	ssyncset.done $0x0  }
0xc1: {  	[sflag:s4] =	ssyncadd.s32 $0xFFFFC400  }
0xc2: {  	[tilespmem:s7], [sflag:$0x2] =	stream.indirect.gather [hbm4b:s2+s5], $0x80, s11, s5, $0xb8;
	[tilespmem:$0x8080] =	vst v63  }
0xc3: {  	_ =	swait.ge [sflag:s8], $0x3C00  }
0xc4: {  	[sflag:s8] =	ssyncset.done $0x0  }
0xc5: {  	s0 =	rddreg [dreg:$0x6];
	[sflag:s8] =	ssyncadd.s32 $0xFFFFC400  }
0xc6: {  	[hbm4b:s0+s3] =	stream.linear.scatter [tilespmem:s6], [sflag:$0x3], $0x3C00, $0x38;
	[tilespmem:$0x8080] =	vst v63  }
0xc7: {  	_ =	swait.ge [sflag:s4], $0x3C00  }
0xc8: {  	[sflag:s4] =	ssyncset.done $0x0  }
0xc9: {  	[sflag:s4] =	ssyncadd.s32 $0xFFFFC400  }
0xca: {  	[tilespmem:s6], [sflag:$0x1] =	stream.indirect.gather [hbm4b:s2+s5], $0x80, s12, s5, $0xb8;
	[tilespmem:$0x8080] =	vst v63  }
0xcb: {  	_ =	swait.ge [sflag:s10], $0x3C00  }
0xcc: {  	[sflag:s10] =	ssyncset.done $0x0  }
0xcd: {  	s0 =	rddreg [dreg:$0x7];
	[sflag:s10] =	ssyncadd.s32 $0xFFFFC400  }
0xce: {  	[hbm4b:s0+s3] =	stream.linear.scatter [tilespmem:s7], [sflag:$0x3], $0x3C00, $0x38;
	[tilespmem:$0x8080] =	vst v63  }
0xcf: {  	_ =	swait.ge [sflag:s4], $0x3C00  }
0xd0: {  	[sflag:s4] =	ssyncset.done $0x0  }
0xd1: {  	[sflag:s4] =	ssyncadd.s32 $0xFFFFC400  }
0xd2: {  	[tilespmem:s7], [sflag:$0x2] =	stream.indirect.gather [hbm4b:s2+s5], $0x80, s13, s5, $0xb8;
	[tilespmem:$0x8080] =	vst v63  }
0xd3: {  	_ =	swait.ge [sflag:s8], $0x3C00  }
0xd4: {  	[sflag:s8] =	ssyncset.done $0x0  }
0xd5: {  	s0 =	rddreg [dreg:$0x8];
	[sflag:s8] =	ssyncadd.s32 $0xFFFFC400  }
0xd6: {  	[hbm4b:s0+s3] =	stream.linear.scatter [tilespmem:s6], [sflag:$0x3], $0x3C00, $0x38;
	[tilespmem:$0x8080] =	vst v63  }
0xd7: {  	_ =	swait.ge [sflag:s4], $0x3C00  }
0xd8: {  	[sflag:s4] =	ssyncset.done $0x0  }
0xd9: {  	[sflag:s4] =	ssyncadd.s32 $0xFFFFC400  }
0xda: {  	[tilespmem:s6], [sflag:$0x1] =	stream.indirect.gather [hbm4b:s2+s5], $0x80, s14, s5, $0xb8;
	[tilespmem:$0x8080] =	vst v63  }
0xdb: {  	_ =	swait.ge [sflag:s10], $0x3C00  }
0xdc: {  	[sflag:s10] =	ssyncset.done $0x0  }
0xdd: {  	s0 =	rddreg [dreg:$0x9];
	[sflag:s10] =	ssyncadd.s32 $0xFFFFC400  }
0xde: {  	[hbm4b:s0+s3] =	stream.linear.scatter [tilespmem:s7], [sflag:$0x3], $0x3C00, $0x38;
	[tilespmem:$0x8080] =	vst v63  }
0xdf: {  	_ =	swait.ge [sflag:s4], $0x3C00  }
0xe0: {  	[sflag:s4] =	ssyncset.done $0x0  }
0xe1: {  	[sflag:s4] =	ssyncadd.s32 $0xFFFFC400  }
0xe2: {  	[tilespmem:s7], [sflag:$0x2] =	stream.indirect.gather [hbm4b:s2+s5], $0x80, s15, s5, $0xb8;
	[tilespmem:$0x8080] =	vst v63  }
0xe3: {  	_ =	swait.ge [sflag:s8], $0x3C00  }
0xe4: {  	[sflag:s8] =	ssyncset.done $0x0  }
0xe5: {  	s0 =	rddreg [dreg:$0xa];
	[sflag:s8] =	ssyncadd.s32 $0xFFFFC400  }
0xe6: {  	[hbm4b:s0+s3] =	stream.linear.scatter [tilespmem:s6], [sflag:$0x3], $0x3C00, $0x38;
	[tilespmem:$0x8080] =	vst v63  }
0xe7: {  	_ =	swait.ge [sflag:s4], $0x3C00  }
0xe8: {  	[sflag:s4] =	ssyncset.done $0x0  }
0xe9: {  	[sflag:s4] =	ssyncadd.s32 $0xFFFFC400  }
0xea: {  	[tilespmem:s6], [sflag:$0x1] =	stream.indirect.gather [hbm4b:s2+s5], $0x80, s16, s5, $0xb8;
	[tilespmem:$0x8080] =	vst v63  }
0xeb: {  	_ =	swait.ge [sflag:s10], $0x3C00  }
0xec: {  	[sflag:s10] =	ssyncset.done $0x0  }
0xed: {  	s0 =	rddreg [dreg:$0xb];
	[sflag:s10] =	ssyncadd.s32 $0xFFFFC400  }
0xee: {  	[hbm4b:s0+s3] =	stream.linear.scatter [tilespmem:s7], [sflag:$0x3], $0x3C00, $0x38;
	[tilespmem:$0x8080] =	vst v63  }
0xef: {  	_ =	swait.ge [sflag:s4], $0x3C00  }
0xf0: {  	[sflag:s4] =	ssyncset.done $0x0  }
0xf1: {  	[sflag:s4] =	ssyncadd.s32 $0xFFFFC400  }
0xf2: {  	[tilespmem:s7], [sflag:$0x2] =	stream.indirect.gather [hbm4b:s2+s5], $0x80, s17, s5, $0xb8;
	[tilespmem:$0x8080] =	vst v63  }
0xf3: {  	_ =	swait.ge [sflag:s8], $0x3C00  }
0xf4: {  	[sflag:s8] =	ssyncset.done $0x0  }
0xf5: {  	s0 =	rddreg [dreg:$0xc];
	[sflag:s8] =	ssyncadd.s32 $0xFFFFC400  }
0xf6: {  	[hbm4b:s0+s3] =	stream.linear.scatter [tilespmem:s6], [sflag:$0x3], $0x3C00, $0x38;
	[tilespmem:$0x8080] =	vst v63  }
0xf7: {  	_ =	swait.ge [sflag:s4], $0x3C00  }
0xf8: {  	[sflag:s4] =	ssyncset.done $0x0  }
0xf9: {  	[sflag:s4] =	ssyncadd.s32 $0xFFFFC400  }
0xfa: {  	[tilespmem:s6], [sflag:$0x1] =	stream.indirect.gather [hbm4b:s2+s5], $0x80, s18, s5, $0xb8;
	[tilespmem:$0x8080] =	vst v63  }
0xfb: {  	_ =	swait.ge [sflag:s10], $0x3C00  }
0xfc: {  	[sflag:s10] =	ssyncset.done $0x0  }
0xfd: {  	s0 =	rddreg [dreg:$0xd];
	[sflag:s10] =	ssyncadd.s32 $0xFFFFC400  }
0xfe: {  	[hbm4b:s0+s3] =	stream.linear.scatter [tilespmem:s7], [sflag:$0x3], $0x3C00, $0x38;
	[tilespmem:$0x8080] =	vst v63  }
0xff: {  	_ =	swait.ge [sflag:s4], $0x3C00  }
0x100: {  	[sflag:s4] =	ssyncset.done $0x0  }
0x101: {  	[sflag:s4] =	ssyncadd.s32 $0xFFFFC400  }
0x102: {  	[tilespmem:s7], [sflag:$0x2] =	stream.indirect.gather [hbm4b:s2+s5], $0x80, s19, s5, $0xb8;
	[tilespmem:$0x8080] =	vst v63  }
0x103: {  	_ =	swait.ge [sflag:s8], $0x3C00  }
0x104: {  	[sflag:s8] =	ssyncset.done $0x0  }
0x105: {  	s0 =	rddreg [dreg:$0xe];
	[sflag:s8] =	ssyncadd.s32 $0xFFFFC400  }
0x106: {  	[hbm4b:s0+s3] =	stream.linear.scatter [tilespmem:s6], [sflag:$0x3], $0x3C00, $0x38;
	[tilespmem:$0x8080] =	vst v63  }
0x107: {  	_ =	swait.ge [sflag:s4], $0x3C00  }
0x108: {  	[sflag:s4] =	ssyncset.done $0x0  }
0x109: {  	[sflag:s4] =	ssyncadd.s32 $0xFFFFC400  }
0x10a: {  	[tilespmem:s6], [sflag:$0x1] =	stream.indirect.gather [hbm4b:s2+s5], $0x80, s20, s5, $0xb8;
	[tilespmem:$0x8080] =	vst v63  }
0x10b: {  	_ =	swait.ge [sflag:s10], $0x3C00  }
0x10c: {  	[sflag:s10] =	ssyncset.done $0x0  }
0x10d: {  	s0 =	rddreg [dreg:$0xf];
	[sflag:s10] =	ssyncadd.s32 $0xFFFFC400  }
0x10e: {  	[hbm4b:s0+s3] =	stream.linear.scatter [tilespmem:s7], [sflag:$0x3], $0x3C00, $0x38;
	[tilespmem:$0x8080] =	vst v63  }
0x10f: {  	_ =	swait.ge [sflag:s4], $0x3C00  }
0x110: {  	[sflag:s4] =	ssyncset.done $0x0  }
0x111: {  	[sflag:s4] =	ssyncadd.s32 $0xFFFFC400  }
0x112: {  	[tilespmem:s7], [sflag:$0x2] =	stream.indirect.gather [hbm4b:s2+s5], $0x80, s21, s5, $0xb8;
	[tilespmem:$0x8080] =	vst v63  }
0x113: {  	_ =	swait.ge [sflag:s8], $0x3C00  }
0x114: {  	[sflag:s8] =	ssyncset.done $0x0  }
0x115: {  	s0 =	rddreg [dreg:$0x10];
	[sflag:s8] =	ssyncadd.s32 $0xFFFFC400  }
0x116: {  	[hbm4b:s0+s3] =	stream.linear.scatter [tilespmem:s6], [sflag:$0x3], $0x3C00, $0x38;
	[tilespmem:$0x8080] =	vst v63  }
0x117: {  	_ =	swait.ge [sflag:s4], $0x3C00  }
0x118: {  	[sflag:s4] =	ssyncset.done $0x0  }
0x119: {  	[sflag:s4] =	ssyncadd.s32 $0xFFFFC400  }
0x11a: {  	[tilespmem:s6], [sflag:$0x1] =	stream.indirect.gather [hbm4b:s2+s5], $0x80, s22, s5, $0xb8;
	[tilespmem:$0x8080] =	vst v63  }
0x11b: {  	_ =	swait.ge [sflag:s10], $0x3C00  }
0x11c: {  	[sflag:s10] =	ssyncset.done $0x0  }
0x11d: {  	[sflag:s10] =	ssyncadd.s32 $0xFFFFC400  }
0x11e: {  	[hbm4b:s23+s3] =	stream.linear.scatter [tilespmem:s7], [sflag:$0x3], $0x3C00, $0x38;
	[tilespmem:$0x8080] =	vst v63  }
0x11f: {  	_ =	swait.ge [sflag:s4], $0x3C00  }
0x120: {  	[sflag:s4] =	ssyncset.done $0x0  }
0x121: {  	[sflag:s4] =	ssyncadd.s32 $0xFFFFC400  }
0x122: {  	[tilespmem:s7], [sflag:$0x2] =	stream.indirect.gather [hbm4b:s2+s5], $0x80, s24, s5, $0xb8;
	[tilespmem:$0x8080] =	vst v63  }
0x123: {  	_ =	swait.ge [sflag:s8], $0x3C00  }
0x124: {  	[sflag:s8] =	ssyncset.done $0x0  }
0x125: {  	[sflag:s8] =	ssyncadd.s32 $0xFFFFC400  }
0x126: {  	[hbm4b:s25+s3] =	stream.linear.scatter [tilespmem:s6], [sflag:$0x3], $0x3C00, $0x38;
	[tilespmem:$0x8080] =	vst v63  }
0x127: {  	_ =	swait.ge [sflag:s4], $0x3C00  }
0x128: {  	[sflag:s4] =	ssyncset.done $0x0  }
0x129: {  	[sflag:s4] =	ssyncadd.s32 $0xFFFFC400  }
0x12a: {  	[tilespmem:s6], [sflag:$0x1] =	stream.indirect.gather [hbm4b:s2+s5], $0x80, s26, s5, $0xb8;
	[tilespmem:$0x8080] =	vst v63  }
0x12b: {  	_ =	swait.ge [sflag:s10], $0x3C00  }
0x12c: {  	[sflag:s10] =	ssyncset.done $0x0  }
0x12d: {  	[sflag:s10] =	ssyncadd.s32 $0xFFFFC400  }
0x12e: {  	[hbm4b:s28+s3] =	stream.linear.scatter [tilespmem:s7], [sflag:$0x3], $0x3C00, $0x38;
	[tilespmem:$0x8080] =	vst v63  }
0x12f: {  	_ =	swait.ge [sflag:s4], $0x3C00  }
0x130: {  	[sflag:s4] =	ssyncset.done $0x0  }
0x131: {  	[sflag:s4] =	ssyncadd.s32 $0xFFFFC400  }
0x132: {  	[tilespmem:s7], [sflag:$0x2] =	stream.indirect.gather [hbm4b:s2+s5], $0x80, s29, s5, $0xb8;
	[tilespmem:$0x8080] =	vst v63  }
0x133: {  	_ =	swait.ge [sflag:s8], $0x3C00  }
0x134: {  	[sflag:s8] =	ssyncset.done $0x0  }
0x135: {  	[sflag:s8] =	ssyncadd.s32 $0xFFFFC400  }
0x136: {  	[hbm4b:s30+s3] =	stream.linear.scatter [tilespmem:s6], [sflag:$0x3], $0x3C00, $0x38;
	[tilespmem:$0x8080] =	vst v63  }
0x137: {  	_ =	swait.ge [sflag:s4], $0x3C00  }
0x138: {  	[sflag:s4] =	ssyncset.done $0x0  }
0x139: {  	p0 =	sne.s32 s1, $0x1;
	[sflag:s4] =	ssyncadd.s32 $0xFFFFC400  }
.Ltmp1:
0x13a: {  	_ =	swait.ge [sflag:s10], $0x3C00;
	(pc) =	sbr.rel @p0 .LBB2_1-.Ltmp1, $4  }
0x13b: {  	[sflag:s10] =	ssyncset.done $0x0  }
0x13c: {  	[sflag:s10] =	ssyncadd.s32 $0xFFFFC400  }
0x13d: {  	[hbm4b:s31+s3] =	stream.linear.scatter [tilespmem:s7], [sflag:$0x3], $0x3C00, $0x38;
	[tilespmem:$0x8080] =	vst v63  }
0x13e: {  	s1 =	sadd.s32 $0xFFFFFFFF, s1;
	_ =	swait.ge [sflag:s4], $0x3C00  }
.LBB2_2:
0x13f: {  	[sflag:s4] =	ssyncset.done $0x0  }
0x140: {  	[sflag:s4] =	ssyncadd.s32 $0xFFFFC400  }
0x141: {  	_ =	sfence.sel $0x180000  }
0x142: {  	[bflag:$0x0] =	sbarrier.arrive $0xFFFF  }
0x143: {  	_ =	strace $0x90000047  }
0x144: {  	s0 =	stileid.u32;
	[bflag:$0x2] =	sbarrier.arrive $0xFFFF  }
0x145: {  	p0 =	sne.s32 s0, $0x0;
	s0 =	rddreg [dreg:$0x2]  }
0x146: {  	s0 =	sadd.s32 @!p0 $0x100000, s0  }
0x147: {  	[sflag:s0] =	ssyncadd.tile.s32 @!p0 $0x1;
	_ =	shalt  }
.Lfunc_end2:
_tile_overlayer_lowered:
.L_overlay_start_2:
0x148: {  	(tag) =	ssettag $0x2  }
0x149: {  	s0 =	rddreg [dreg:$0x0];
	s2 =	stileid.u32  }
0x14a: {  	s1 =	rddreg [dreg:$0x1];
	p0 =	sne.s32 s2, $0x0  }
0x14b: {  	s3 =	rddreg [dreg:$0x2];
	[bflag:$0x3] =	sbarrier.arrive $0xFFFF;
	s2 =	simm.s32 @!p0 $0x1C03  }
0x14c: {  	[timem:s3], [sflag:s2] =	dma.local @!p0 [hbm:s0], s1  }
0x14d: {  	s0 =	simm.s32 @!p0 $0x3  }
0x14e: {  	_ =	swait.ge @!p0 [sflag:s0], s1  }
0x14f: {  	s1 =	ssub.s32 @!p0 $0x0, s1;
	[sflag:s0] =	ssyncset.done @!p0 $0x0  }
0x150: {  	[sflag:s0] =	ssyncadd.s32 @!p0 s1  }
0x151: {  	[bflag:$0x3] =	sbarrier.arrive $0xFFFF  }
0x152: {  	_ =	shalt  }

// kernel: sparse-core-data-format-call.cloned.1.call-start
scs
called_computation_lowered:
.L_overlay_start_0:
0x0: {  	s2 =	sld [smem:$0x3FD9]  }
0x1: {  	s3 =	sld [smem:$0x3FFE];
	_ =	sdelay $0x1  }
0x2: {  	s1 =	srdreg.scid  }
0x3: {  	s0 =	sand.u32 $0x1, s1  }
0x4: {  	s18 =	sshll.u32 s0, $0xA;
	s2 =	sadd.s32 s3, s2  }
0x5: {  	s2 =	sadd.s32 s2, s18  }
0x6: {  	[smem:$0x3FB9] =	sst s2  }
0x7: {  	_ = 	snop  }
0x8: {  	s2 =	sld [smem:$0x3FD0];
	(tm) =	ssettm $0x1  }
0x9: {  	s19 =	sld [smem:$0x3FFB];
	_ =	sdelay $0x3  }
0xa: {  	_ =	strace s19  }
0xb: {  	s3 =	sld [smem:$0x3FFC];
	_ =	sdelay $0x3  }
0xc: {  	_ =	strace s3  }
0xd: {  	s3 =	sld [smem:$0x3FFD];
	_ =	sdelay $0x3  }
0xe: {  	_ =	strace s3  }
0xf: {  	_ =	strace $0x8FFFFFFF  }
0x10: {  	s20 =	sld [smem:$0x3FDB];
	_ =	sdelay $0x1  }
0x11: {  	s4 =	simm.s32 $_scs_section_size  }
0x12: {  	s5 =	simm.s32 $_size__tile_overlayer_lowered;
	s6 =	simm.s32 $_tile_overlayer_lowered  }
0x13: {  	s23 =	simm.s32 $0x1BFF;
	s22 =	sshll.u32 s6, $0x1;
	s3 =	sadd.s32 s4, s20  }
0x14: {  	s7 =	simm.s32 $0x0;
	s21 =	sshll.u32 s5, $0x1;
	s5 =	sadd.s32 s22, s3  }
0x15: {  	[timem:s7], [sflag:s23] =	dma.local [hbm:s5], s21  }
0x16: {  	_ =	swait.ge [sflag:s23], s21  }
0x17: {  	s4 =	ssub.s32 $0x0, s21;
	[sflag:s23] =	ssyncset.done $0x0  }
0x18: {  	[sflag:s23] =	ssyncadd.s32 s4;
	_ =	sdelay $0x1  }
0x19: {  	s24 =	simm.s32 $0x1B8B  }
0x1a: {  	_ =	swait.ge [sflag:s24], $0x1  }
0x1b: {  	[sflag:s24] =	ssyncset.done $0x0  }
0x1c: {  	s26 =	simm.s32 $0x1B8E;
	s25 =	sld [smem:$0x3FFE];
	[sflag:s24] =	ssyncadd.s32 $0xFFFFFFFF  }
0x1d: {  	s27 =	simm.s32 $execute0_lowered;
	[smem:$0x3FD2] =	sst s26  }
0x1e: {  	s5 =	sshll.u32 s27, $0x1;
	_ =	strace $0x80000049;
	[dreg:$0x1] =	wrdreg $0xFFFFFFFF  }
0x1f: {  	s28 =	simm.s32 $_size_execute0_lowered;
	s3 =	sadd.s32 s3, s5;
	[dreg:$0x0] =	wrdreg $0x0  }
0x20: {  	s5 =	sshll.u32 s28, $0x1;
	[dreg:$0x2] =	wrdreg s3  }
0x21: {  	[dreg:$0x3] =	wrdreg s5  }
0x22: {  	[dreg:$0x4] =	wrdreg $0xC0  }
0x23: {  	_ =	task [dreg:s7], $0x5FFFF  }
0x24: {  	[dreg:$0x1] =	wrdreg $0xFFFFFFFF  }
0x25: {  	[dreg:$0x0] =	wrdreg $0x60  }
0x26: {  	[dreg:$0x2] =	wrdreg s25  }
0x27: {  	[dreg:$0x3] =	wrdreg s2  }
0x28: {  	[dreg:$0x4] =	wrdreg $0x9  }
0x29: {  	_ =	task.clear_ibuf [dreg:s7], $0x5FFFF;
	_ =	strace $0x90000049  }
0x2a: {  	s29 =	simm.s32 $0x9;
	_ =	strace $0x8000004B  }
0x2b: {  	_ =	swait.ge [sflag:s29], $0x1  }
0x2c: {  	[sflag:s29] =	ssyncadd.s32 $0xFFFFFFFF  }
0x2d: {  	_ =	strace $0x9000004B  }
0x2e: {  	_ =	sfence  }
0x2f: {  	s30 =	sld [smem:$0x0];
	_ =	sdelay $0x2  }
0x30: {  	s31 =	sshll.u32 s1, $0xD;
	s1 =	sshrl.u32 s1, $0x2  }
0x31: {  	s3 =	sand.u32 $0x4000, s31;
	s1 =	sadd.s32 s1, s30  }
0x32: {  	s0 =	sor.u32 s3, s0;
	s1 =	sshll.u32 s1, $0x11  }
0x33: {  	s0 =	sor.u32 s1, s0  }
0x34: {  	s0 =	sadd.s32 $0x8F2B, s0  }
0x35: {  	[sflag:s0] =	ssyncadd.remote.s32 $0x1  }
0x36: {  	_ =	sfence.sel $0xFFFF  }
0x37: {  	[dreg:$0x0] =	wrdreg $0xFFFFFFFF;
	(pc) =	sbr.abs _section_cstart, $3  }
0x38: {  	[dreg:$0x1] =	wrdreg $0xFFFFFFFF  }
0x39: {  	_ =	task.clear_ibuf [dreg:s7], $0x2FFFF;
	_ =	strace $0x9FFFFFFF  }
0x3a: {  	(tm) =	ssettm $0x7FFFFFFF  }
0x3b: {  	_ =	shalt  }
tec
execute0_lowered:
.L_overlay_start_1:
0x0: {  	(tag) =	ssettag $0x1  }
0x1: {  	s0 =	stileid.u32;
	s1 =	srdreg.scid  }
0x2: {  	s7 =	rddreg [dreg:$0x0];
	s1 =	sshll.u32 s1, $0x4;
	s2 =	sshll.u32 s0, $0x5  }
0x3: {  	s8 =	simm.s32 $0x2;
	s3 =	sand.u32 $0x10, s1;
	s1 =	sand.u32 $0x20, s2  }
0x4: {  	s16 =	simm.s32 $0x0;
	s30 =	sor.u32 s0, s3;
	s4 =	ssub.s32 $0x40, s1  }
0x5: {  	s9 =	simm.s32 $0x1000;
	s3 =	sshrl.u32 s30, $0x1;
	s31 =	sshrl.u32 s4, $0x5  }
0x6: {  	s5 =	sshrl.u32 s4, $0x6;
	s2 =	sand.u32 $0x1, s31;
	s6 =	ssub.s32 $0x69, s3  }
0x7: {  	s10 =	simm.s32 $0x21C000;
	s5 =	sadd.s32 s5, s2;
	s6 =	sshrl.u32 s6, $0x4  }
0x8: {  	s11 =	simm.s32 $0x0;
	s17 =	simm.s32 $0x0;
	s6 =	smul.u32 s6, s5  }
.Ltmp0:
0x9: {  	s18 =	simm.s32 $0x0;
	s4 =	rddreg [dreg:$0x1];
	(pc) =	sbr.rel .LBB1_1-.Ltmp0, $4  }
0xa: {  	s12 =	simm.s32 $0x0;
	s15 =	simm.s32 $0x0;
	s2 =	rddreg [dreg:$0x2]  }
0xb: {  	_ =	strace $0x8000004A;
	s5 =	simm.s32 $0x1;
	s6 =	smul.u32 $0x3, s6  }
0xc: {  	s7 =	sadd.s32 $0x2600, s7;
	s14 =	smov.u32 s1;
	[sflag:s5] =	ssyncpa.u1 $0x0  }
0xd: {  	s13 =	smov.u32 s3;
	[sflag:s8] =	ssyncpa.u1 $0x0;
	s8 =	sadd.s32 $0x1, s6  }
.LBB1_7:
0xe: {  	s19 =	sadd.s32 $0x1, s12  }
0xf: {  	s16 =	sadd.s32 $0x10, s13;
	s20 =	smov.u32 s13;
	p1 =	sgt.s32 s19, $0x2  }
0x10: {  	s20 =	smov.u32 @p1 s16  }
0x11: {  	s22 =	smov.u32 s14;
	s16 =	sadd.s32 $0x40, s14;
	p2 =	sgt.s32 s20, $0x59  }
0x12: {  	s22 =	smov.u32 @p2 s16  }
0x13: {  	s19 =	simm.s32 @p1 $0x0;
	p1 =	sgt.s32 s22, $0x3F  }
0x14: {  	p0 =	slt.u32 s15, $0x2;
	s22 =	smov.u32 @p1 s1;
	p1 =	sne.s32 s15, s8  }
.Ltmp1:
0x15: {  	s21 =	simm.s32 @!p0 $0x2;
	(pc) =	sbr.rel @!p1 .LBB1_8-.Ltmp1, $4  }
0x16: {  	s17 =	smov.u32 s13;
	s18 =	smov.u32 s14;
	_ =	swait.ge @!p0 [sflag:s21], $0x4000  }
0x17: {  	s11 =	sadd.s32 $0x4000, s11;
	[sflag:s21] =	ssyncset.done @!p0 $0x0;
	s20 =	smov.u32 @p2 s3  }
0x18: {  	s16 =	smov.u32 s12;
	[sflag:s21] =	ssyncadd.s32 @!p0 $0xFFFFC000;
	s12 =	smov.u32 s19  }
0x19: {  	s13 =	smov.u32 s20;
	s15 =	sadd.s32 $0x1, s15;
	s14 =	smov.u32 s22  }
.LBB1_1:
0x1a: {  	p0 =	sge.u32 s15, s6  }
0x1b: {  	s19 =	smul.u32 @!p0 $0x4380, s14  }
0x1c: {  	s20 =	sxor.u32 @!p0 $0xFFFFFFFF, s15;
	s21 =	smul.u32 @!p0 $0xC0, s13  }
0x1d: {  	s31 =	sadd.s32 $0xFFFFFFFF, s15;
	s20 =	sshll.u32 @!p0 s20, $0xE;
	s19 =	sadd.s32 @!p0 s7, s19  }
0x1e: {  	s22 =	sshll.u32 @!p0 s12, $0x6;
	s20 =	sand.u32 @!p0 $0x4000, s20;
	s19 =	sadd.s32 @!p0 s21, s19  }
0x1f: {  	s21 =	simm.s32 @!p0 $0x200;
	s19 =	sadd.s32 @!p0 s22, s19;
	s22 =	simm.s32 @!p0 $0x21C00  }
0x20: {  	[tilespmem:s20], [sflag:$0x1] =	stream.strided.gather @!p0 [hbm4b:s19+s21], $0x4000, s22, s21, $0x38;
	[tilespmem:$0x10000] =	vst v63  }
0x21: {  	p0 =	sge.u32 s31, s6  }
.Ltmp2:
0x22: {  	_ = 	snop;
	(pc) =	sbr.rel @p0 .LBB1_7-.Ltmp2, $1  }
0x23: {  	_ =	sdelay $0x3  }
0x24: {  	s19 =	sand.u32 $0x4000, s11  }
0x25: {  	_ =	swait.ge [sflag:s5], $0x4000;
	s22 =	sshll.u32 s15, $0xE;
	s20 =	sor.u32 $0x8040, s19  }
0x26: {  	s21 =	sor.u32 $0x40, s19;
	[sflag:s5] =	ssyncset.done $0x0;
	s31 =	sand.u32 $0x4000, s22  }
0x27: {  	s22 =	simm.s32 $0x0;
	[sflag:s5] =	ssyncadd.s32 $0xFFFFC000;
	s19 =	sor.u32 $0x8000, s31  }
.LBB1_3:
0x28: {  	v0 =	vmov s21;
	_ =	sdelay $0x3  }
0x29: {  	s24 =	simm.s32 $0x0  }
0x2a: {  	v6 =	vld.idx.msk [tilespmem:v0+s24+$0x30 ss:$0x1], $0xffff  }
0x2b: {  	v7 =	vld.idx.msk [tilespmem:v0+s24+$0xFFFFFFC0 ss:$0x1], $0xffff  }
0x2c: {  	v5 =	vld.idx.msk [tilespmem:v0+s24+$0xFFFFFFD0 ss:$0x1], $0xffff  }
0x2d: {  	v4 =	vld.idx.msk [tilespmem:v0+s24+$0xFFFFFFE0 ss:$0x1], $0xffff  }
0x2e: {  	v3 =	vld.idx.msk [tilespmem:v0+s24+$0xFFFFFFF0 ss:$0x1], $0xffff  }
0x2f: {  	v1 =	vld.idx.msk [tilespmem:v0+s24+$0x0 ss:$0x1], $0xffff  }
0x30: {  	v2 =	vld.idx.msk [tilespmem:v0+s24+$0x10 ss:$0x1], $0xffff;
	[tilespmem:s20+$0x30] =	vst v6  }
0x31: {  	s23 =	simm.s32 $0x80;
	s25 =	simm.s32 $0x400;
	[tilespmem:s20+$0xFFFFFFC0] =	vst v7;
	v6 =	vld.idx.msk [tilespmem:v0+s24+$0x20 ss:$0x1], $0xffff;
	s24 =	smov.u32 s20  }
.LBB1_4:
0x32: {  	p0 =	sne.s32 s25, $0x600;
	v7 =	vld.idx.msk [tilespmem:v0+s23+$0x30 ss:$0x1], $0xffff;
	[tilespmem:s24+$0xFFFFFFD0] =	vst v5  }
0x33: {  	v8 =	vld.idx.msk [tilespmem:v0+s23+$0xFFFFFFC0 ss:$0x1], $0xffff;
	[tilespmem:s24+$0xFFFFFFE0] =	vst v4  }
0x34: {  	v5 =	vld.idx.msk [tilespmem:v0+s23+$0xFFFFFFD0 ss:$0x1], $0xffff;
	[tilespmem:s24+$0xFFFFFFF0] =	vst v3  }
.Ltmp3:
0x35: {  	v4 =	vld.idx.msk [tilespmem:v0+s23+$0xFFFFFFE0 ss:$0x1], $0xffff;
	[tilespmem:s24+$0x0] =	vst v1;
	(pc) =	sbr.rel @p0 .LBB1_4-.Ltmp3, $4  }
0x36: {  	v3 =	vld.idx.msk [tilespmem:v0+s23+$0xFFFFFFF0 ss:$0x1], $0xffff;
	[tilespmem:s24+$0x10] =	vst v2  }
0x37: {  	v1 =	vld.idx.msk [tilespmem:v0+s23+$0x0 ss:$0x1], $0xffff;
	[tilespmem:s24+$0x20] =	vst v6;
	s24 =	sadd.s32 $0x1000, s24  }
0x38: {  	v2 =	vld.idx.msk [tilespmem:v0+s23+$0x10 ss:$0x1], $0xffff;
	[tilespmem:s24+$0x30] =	vst v7  }
0x39: {  	[tilespmem:s24+$0xFFFFFFC0] =	vst v8;
	v6 =	vld.idx.msk [tilespmem:v0+s23+$0x20 ss:$0x1], $0xffff;
	s23 =	sshra.s32 s25, $0x2;
	s25 =	sadd.s32 $0x200, s25  }
0x3a: {  	_ =	sdelay $0x2  }
0x3b: {  	[tilespmem:s24+$0xFFFFFFD0] =	vst v5  }
0x3c: {  	v56 =	vld.idx.msk [tilespmem:v0+s23+$0x30 ss:$0x1], $0xffff;
	[tilespmem:s24+$0xFFFFFFE0] =	vst v4  }
0x3d: {  	v57 =	vld.idx.msk [tilespmem:v0+s23+$0xFFFFFFC0 ss:$0x1], $0xffff;
	[tilespmem:s24+$0xFFFFFFF0] =	vst v3  }
0x3e: {  	v58 =	vld.idx.msk [tilespmem:v0+s23+$0xFFFFFFD0 ss:$0x1], $0xffff;
	[tilespmem:s24+$0x0] =	vst v1  }
0x3f: {  	v59 =	vld.idx.msk [tilespmem:v0+s23+$0xFFFFFFE0 ss:$0x1], $0xffff;
	[tilespmem:s24+$0x10] =	vst v2  }
0x40: {  	v60 =	vld.idx.msk [tilespmem:v0+s23+$0xFFFFFFF0 ss:$0x1], $0xffff;
	s31 =	sadd.s32 $0x1000, s24;
	[tilespmem:s24+$0x20] =	vst v6  }
0x41: {  	v61 =	vld.idx.msk [tilespmem:v0+s23+$0x0 ss:$0x1], $0xffff;
	[tilespmem:s31+$0x30] =	vst v56  }
0x42: {  	v62 =	vld.idx.msk [tilespmem:v0+s23+$0x10 ss:$0x1], $0xffff;
	s22 =	sadd.s32 $0x1, s22;
	[tilespmem:s31+$0xFFFFFFC0] =	vst v57  }
0x43: {  	v63 =	vld.idx.msk [tilespmem:v0+s23+$0x20 ss:$0x1], $0xffff;
	p0 =	sne.s32 s22, $0x20;
	[tilespmem:s31+$0xFFFFFFD0] =	vst v58  }
.Ltmp4:
0x44: {  	[tilespmem:s31+$0xFFFFFFE0] =	vst v59;
	(pc) =	sbr.rel @p0 .LBB1_3-.Ltmp4, $4  }
0x45: {  	[tilespmem:s31+$0xFFFFFFF0] =	vst v60  }
0x46: {  	[tilespmem:s31+$0x0] =	vst v61  }
0x47: {  	[tilespmem:s31+$0x10] =	vst v62  }
0x48: {  	s20 =	sadd.s32 $0x80, s20;
	s21 =	sadd.s32 $0x200, s21;
	[tilespmem:s31+$0x20] =	vst v63  }
0x49: {  	s17 =	smul.u32 $0xC00, s17  }
.Ltmp5:
0x4a: {  	s18 =	sshll.u32 s18, $0x4;
	(pc) =	sbr.rel .LBB1_7-.Ltmp5, $4  }
0x4b: {  	s18 =	sand.u32 $0x3F0, s18;
	s17 =	sadd.s32 s4, s17  }
0x4c: {  	s16 =	sshll.u32 s16, $0xA;
	s17 =	sadd.s32 s18, s17  }
0x4d: {  	s16 =	sadd.s32 s16, s17  }
0x4e: {  	[hbm4b:s16+s9] =	stream.strided.scatter [tilespmem:s19], [sflag:$0x2], $0x4000, s10, s9, $0x38;
	[tilespmem:$0x10000] =	vst v63  }
.LBB1_8:
0x4f: {  	_ =	sfence.sel $0x180000  }
0x50: {  	s1 =	simm.s32 $0x1;
	[bflag:$0x0] =	sbarrier.arrive $0xFFFF  }
0x51: {  	s31 =	simm.s32 $0x2;
	[sflag:s1] =	ssyncpa.u1 $0x1  }
0x52: {  	[sflag:s31] =	ssyncpa.u1 $0x1  }
0x53: {  	p0 =	sne.s32 s0, $0x0;
	_ =	strace $0x9000004A  }
0x54: {  	s0 =	sadd.s32 @!p0 $0x100000, s2;
	[bflag:$0x2] =	sbarrier.arrive $0xFFFF  }
0x55: {  	[sflag:s0] =	ssyncadd.tile.s32 @!p0 $0x1;
	_ =	shalt  }
.Lfunc_end1:
_tile_overlayer_lowered:
.L_overlay_start_2:
0x56: {  	(tag) =	ssettag $0x2  }
0x57: {  	s0 =	rddreg [dreg:$0x0];
	s2 =	stileid.u32  }
0x58: {  	s1 =	rddreg [dreg:$0x1];
	p0 =	sne.s32 s2, $0x0  }
0x59: {  	s3 =	rddreg [dreg:$0x2];
	[bflag:$0x3] =	sbarrier.arrive $0xFFFF;
	s2 =	simm.s32 @!p0 $0x1C01  }
0x5a: {  	[timem:s3], [sflag:s2] =	dma.local @!p0 [hbm:s0], s1  }
0x5b: {  	s0 =	simm.s32 @!p0 $0x1  }
0x5c: {  	_ =	swait.ge @!p0 [sflag:s0], s1  }
0x5d: {  	s1 =	ssub.s32 @!p0 $0x0, s1;
	[sflag:s0] =	ssyncset.done @!p0 $0x0  }
0x5e: {  	[sflag:s0] =	ssyncadd.s32 @!p0 s1  }
0x5f: {  	[bflag:$0x3] =	sbarrier.arrive $0xFFFF  }
0x60: {  	_ =	shalt  }

</sc_bundles>
